<compile_context>
chip_gen: v7x
topology: tpu7x:2x2x1
jax: 0.10.2.dev20260603
libtpu: 0.0.44.dev20260713+nightly
codegen_flags: <defaults>
</compile_context>

<pallas_src>
import jax
import jax.numpy as jnp
from jax import lax
from jax.experimental import pallas as pl
from jax.experimental.pallas import tpu as pltpu
from jax.experimental.pallas import tpu_sc as plsc

N_NODES = 10000
IN_DIM = 128
OUT_DIM = 128
NUM_HEADS = 8
HEAD_DIM = 16
HALF = OUT_DIM // 2
HEADS_PER_CORE = 4
ACC_W = 80

NC, NS, NLANE = 2, 16, 16
N_PAD = 10240
ROWS_PER_TILE = N_PAD // NS
E = 320000
EDGES_PER_TILE = 20480
E_PAD = NS * EDGES_PER_TILE
CHUNK = 128
N_CHUNKS = EDGES_PER_TILE // CHUNK


def _qkv_body(x_ref, wq_ref, wk_ref, wv_ref, k_ref, q_ref, v_ref):
    x = x_ref[...]
    dn = (((1,), (1,)), ((), ()))
    q_r = lax.dot_general(x, wq_ref[...], dn, preferred_element_type=jnp.float32)
    k_r = lax.dot_general(x, wk_ref[...], dn, preferred_element_type=jnp.float32)
    v_r = lax.dot_general(x, wv_ref[...], dn, preferred_element_type=jnp.float32)
    k_ref[0] = k_r[:, :HALF].astype(jnp.bfloat16)
    k_ref[1] = k_r[:, HALF:].astype(jnp.bfloat16)
    q_ref[0] = q_r[:, :HALF].astype(jnp.bfloat16)
    q_ref[1] = q_r[:, HALF:].astype(jnp.bfloat16)
    v_ref[0] = v_r[:, :HALF].astype(jnp.bfloat16)
    v_ref[1] = v_r[:, HALF:].astype(jnp.bfloat16)


def _qkv(x_pad, WQ, WK, WV):
    blk = 256
    grid = (N_PAD // blk,)
    bs_x = pl.BlockSpec((blk, IN_DIM), lambda i: (i, 0))
    bs_w = pl.BlockSpec((OUT_DIM, IN_DIM), lambda i: (0, 0))
    bs_o = pl.BlockSpec((NC, blk, HALF), lambda i: (0, i, 0))
    return pl.pallas_call(
        _qkv_body, grid=grid,
        in_specs=[bs_x, bs_w, bs_w, bs_w],
        out_specs=[bs_o, bs_o, bs_o],
        out_shape=[jax.ShapeDtypeStruct((NC, N_PAD, HALF), jnp.bfloat16),
                   jax.ShapeDtypeStruct((NC, N_PAD, HALF), jnp.bfloat16),
                   jax.ShapeDtypeStruct((NC, N_PAD, HALF), jnp.bfloat16)],
    )(x_pad, WQ, WK, WV)


def _edge_body(k_hbm, q_hbm, v_hbm, src2_hbm, dst2_hbm, zero80_hbm,
               acc_out,
               is_all, id_all, k_a, k_b, q_a, q_b, v_a, v_b, msg_buf,
               acc_sh, sem_a, sem_b, sem_s):
    c = lax.axis_index("c")
    s = lax.axis_index("s")
    rbase = s * ROWS_PER_TILE
    k_half = k_hbm.at[c]
    q_half = q_hbm.at[c]
    v_half = v_hbm.at[c]

    pltpu.sync_copy(zero80_hbm, acc_sh.at[pl.ds(rbase, ROWS_PER_TILE)])
    pltpu.sync_copy(zero80_hbm.at[pl.ds(0, CHUNK)], msg_buf)
    pltpu.sync_copy(src2_hbm.at[pl.ds(s * N_CHUNKS, N_CHUNKS)], is_all)
    pltpu.sync_copy(dst2_hbm.at[pl.ds(s * N_CHUNKS, N_CHUNKS)], id_all)
    plsc.subcore_barrier()

    def fire(g, kd, qd, vd, sem):
        pltpu.async_copy(k_half.at[is_all.at[g]], kd, sem)
        pltpu.async_copy(q_half.at[id_all.at[g]], qd, sem)
        pltpu.async_copy(v_half.at[is_all.at[g]], vd, sem)

    def wait_gather(g, kd, qd, vd, sem):
        pltpu.make_async_copy(k_half.at[is_all.at[g]], kd, sem).wait()
        pltpu.make_async_copy(q_half.at[id_all.at[g]], qd, sem).wait()
        pltpu.make_async_copy(v_half.at[is_all.at[g]], vd, sem).wait()

    lane = lax.iota(jnp.int32, NLANE)
    _perms = [lane ^ k for k in (1, 2, 4)]
    _zero_i = lane * 0
    _eight_i = _zero_i + 8

    def _halfsum(v):
        for p in _perms:
            v = v + v.at[p].get(mode="promise_in_bounds")
        return v

    def compute_chunk(k_buf, q_buf, v_buf):
        @plsc.parallel_loop(0, CHUNK, unroll=8)
        def _edge_i(e):
            zvec = jnp.zeros((NLANE,), jnp.float32)
            for p in range(2):
                kk = k_buf[e, pl.ds(p * 2 * HEAD_DIM, 2 * HEAD_DIM)]
                qq = q_buf[e, pl.ds(p * 2 * HEAD_DIM, 2 * HEAD_DIM)]
                ka, kb = plsc.unpack(kk, format=plsc.PackFormat.INTERLEAVED,
                                     preferred_element_type=jnp.float32)
                qa, qb = plsc.unpack(qq, format=plsc.PackFormat.INTERLEAVED,
                                     preferred_element_type=jnp.float32)
                r = _halfsum(ka * qa + kb * qb)
                sc01 = jnp.exp(jnp.clip(r * 0.25, -5.0, 5.0))
                s0 = sc01.at[_zero_i].get(mode="promise_in_bounds")
                s1 = sc01.at[_eight_i].get(mode="promise_in_bounds")
                vv = v_buf[e, pl.ds(p * 2 * HEAD_DIM, 2 * HEAD_DIM)]
                va, vb = plsc.unpack(vv, format=plsc.PackFormat.INTERLEAVED,
                                     preferred_element_type=jnp.float32)
                msg_buf[e, pl.ds(p * 2 * HEAD_DIM, HEAD_DIM)] = va * sc01
                msg_buf[e, pl.ds(p * 2 * HEAD_DIM + HEAD_DIM, HEAD_DIM)] = vb * sc01
                zvec = jnp.where(lane == 2 * p, s0, zvec)
                zvec = jnp.where(lane == 2 * p + 1, s1, zvec)
            msg_buf[e, pl.ds(HALF, NLANE)] = zvec

    pltpu.async_copy(msg_buf, acc_sh.at[id_all.at[jnp.int32(0)]], sem_s, add=True)
    fire(jnp.int32(0), k_a, q_a, v_a, sem_a)

    @pl.loop(0, N_CHUNKS // 2)
    def _pair(gg):
        g0 = gg * 2
        g1 = gg * 2 + 1
        fire(g1, k_b, q_b, v_b, sem_b)
        pltpu.make_async_copy(msg_buf, acc_sh.at[id_all.at[g0]], sem_s).wait()
        wait_gather(g0, k_a, q_a, v_a, sem_a)
        compute_chunk(k_a, q_a, v_a)
        pltpu.async_copy(msg_buf, acc_sh.at[id_all.at[g0]], sem_s, add=True)
        fire(lax.rem(g0 + 2, N_CHUNKS), k_a, q_a, v_a, sem_a)
        pltpu.make_async_copy(msg_buf, acc_sh.at[id_all.at[g1]], sem_s).wait()
        wait_gather(g1, k_b, q_b, v_b, sem_b)
        compute_chunk(k_b, q_b, v_b)
        pltpu.async_copy(msg_buf, acc_sh.at[id_all.at[g1]], sem_s, add=True)

    pltpu.make_async_copy(msg_buf, acc_sh.at[id_all.at[jnp.int32(0)]], sem_s).wait()
    wait_gather(jnp.int32(0), k_a, q_a, v_a, sem_a)
    plsc.subcore_barrier()
    pltpu.sync_copy(acc_sh.at[pl.ds(rbase, ROWS_PER_TILE)],
                    acc_out.at[c, pl.ds(rbase, ROWS_PER_TILE)])


def _edge(k, q, v, src2, dst2, zero80):
    mesh = plsc.VectorSubcoreMesh(core_axis_name="c", subcore_axis_name="s",
                                  num_cores=NC, num_subcores=NS)
    f32 = jnp.float32
    run = pl.kernel(
        _edge_body,
        out_type=jax.ShapeDtypeStruct((NC, N_PAD, ACC_W), f32),
        mesh=mesh,
        compiler_params=pltpu.CompilerParams(needs_layout_passes=False,
                                             use_tc_tiling_on_sc=False),
        scratch_types=[
            pltpu.VMEM((N_CHUNKS, CHUNK), jnp.int32),
            pltpu.VMEM((N_CHUNKS, CHUNK), jnp.int32),
            pltpu.VMEM((CHUNK, HALF), jnp.bfloat16),
            pltpu.VMEM((CHUNK, HALF), jnp.bfloat16),
            pltpu.VMEM((CHUNK, HALF), jnp.bfloat16),
            pltpu.VMEM((CHUNK, HALF), jnp.bfloat16),
            pltpu.VMEM((CHUNK, HALF), jnp.bfloat16),
            pltpu.VMEM((CHUNK, HALF), jnp.bfloat16),
            pltpu.VMEM((CHUNK, ACC_W), f32),
            pltpu.VMEM_SHARED((N_PAD, ACC_W), f32),
            pltpu.SemaphoreType.DMA,
            pltpu.SemaphoreType.DMA,
            pltpu.SemaphoreType.DMA,
        ],
    )
    return run(k, q, v, src2, dst2, zero80)


def _norm_body(acc_ref, o_ref):
    a = acc_ref[...]
    wv = a[:, :HALF]
    zh = a[:, HALF:HALF + HEADS_PER_CORE]
    hr = lax.broadcasted_iota(jnp.int32, (HEADS_PER_CORE, HALF), 0)
    rc = lax.broadcasted_iota(jnp.int32, (HEADS_PER_CORE, HALF), 1)
    expand = (2 * (rc // 32) + (rc % 16) // 8 == hr).astype(jnp.float32)
    denom = lax.dot_general(zh, expand, (((1,), (0,)), ((), ())),
                            preferred_element_type=jnp.float32) + 1e-6
    rr_ = lax.broadcasted_iota(jnp.int32, (HALF, HALF), 0)
    cc_ = lax.broadcasted_iota(jnp.int32, (HALF, HALF), 1)
    r32 = rr_ % 32
    jj_ = r32 % 16
    orig = (rr_ // 32) * 32 + (jj_ // 8) * 16 + (jj_ % 8) * 2 + r32 // 16
    perm = (cc_ == orig).astype(jnp.float32)
    o_ref[...] = lax.dot_general(wv / denom, perm, (((1,), (0,)), ((), ())),
                                 preferred_element_type=jnp.float32)


def _norm(acc_flat):
    blk = 256
    grid = (NC * N_PAD // blk,)
    bs_a = pl.BlockSpec((blk, ACC_W), lambda i: (i, 0))
    bs_o = pl.BlockSpec((blk, HALF), lambda i: (i, 0))
    return pl.pallas_call(
        _norm_body, grid=grid,
        in_specs=[bs_a],
        out_specs=bs_o,
        out_shape=jax.ShapeDtypeStruct((NC * N_PAD, HALF), jnp.float32),
    )(acc_flat)


def kernel(x, edge_index, virt_h, virt_edge_index, WQ, WK, WV):
    x_pad = jnp.pad(x, ((0, N_PAD - N_NODES), (0, 0)))
    k, q, v = _qkv(x_pad, WQ, WK, WV)

    src = edge_index[0].astype(jnp.int32)
    dst = edge_index[1].astype(jnp.int32)
    pad = jnp.full((E_PAD - E,), N_NODES, jnp.int32)
    src2 = jnp.concatenate([src, pad]).reshape(E_PAD // CHUNK, CHUNK)
    dst2 = jnp.concatenate([dst, pad]).reshape(E_PAD // CHUNK, CHUNK)

    zero80 = jnp.zeros((ROWS_PER_TILE, ACC_W), jnp.float32)
    acc = _edge(k, q, v, src2, dst2, zero80)

    out_flat = _norm(acc.reshape(NC * N_PAD, ACC_W))
    return jnp.concatenate([out_flat[:N_NODES],
                            out_flat[N_PAD:N_PAD + N_NODES]], axis=1)

# --- scband reference (transcript-rebuilt; emitter-appended) ---
"""Pipeline reference for scband-exphormer-attention-10763188043963 (READ-ONLY COPY).

The authoritative reference and input builder live on the scoring server;
editing this copy changes nothing except your own understanding.
"""

import jax, jax.numpy as jnp
import numpy as np

N_NODES = 10000
N_EDGES = 320000
IN_DIM = 128
OUT_DIM = 128
NUM_HEADS = 8
HEAD_DIM = OUT_DIM // NUM_HEADS


def setup_inputs(seed: int = 0) -> dict:
    key = jax.random.key(seed)
    k = jax.random.split(key, 7)
    x = jax.random.normal(k[0], (N_NODES, IN_DIM), dtype=jnp.float32)
    edge_index = jax.random.randint(k[1], (2, N_EDGES), 0, N_NODES, dtype=jnp.int32)
    virt_h = jax.random.normal(k[2], (1, IN_DIM), dtype=jnp.float32)
    virt_edge_index = jax.random.randint(k[3], (2, 2), 0, N_NODES, dtype=jnp.int32)
    s = 1.0 / np.sqrt(IN_DIM)
    WQ = jax.random.normal(k[4], (OUT_DIM, IN_DIM), dtype=jnp.float32) * s
    WK = jax.random.normal(k[5], (OUT_DIM, IN_DIM), dtype=jnp.float32) * s
    WV = jax.random.normal(k[6], (OUT_DIM, IN_DIM), dtype=jnp.float32) * s
    return {"x": x, "edge_index": edge_index, "virt_h": virt_h,
            "virt_edge_index": virt_edge_index, "WQ": WQ, "WK": WK, "WV": WV}


def reference(x, edge_index, virt_h, virt_edge_index, WQ, WK, WV):
    # use_virt_nodes=False: virt_h / virt_edge_index are ignored (faithful to torch forward)
    num_node = x.shape[0]
    h = x
    Q_h = (h @ WQ.T).reshape(-1, NUM_HEADS, HEAD_DIM)
    K_h = (h @ WK.T).reshape(-1, NUM_HEADS, HEAD_DIM)
    V_h = (h @ WV.T).reshape(-1, NUM_HEADS, HEAD_DIM)
    src_idx = edge_index[0].astype(jnp.int32)
    dst_idx = edge_index[1].astype(jnp.int32)
    src = K_h[src_idx]                      # gather  [E, H, Dh]
    dest = Q_h[dst_idx]                     # gather  [E, H, Dh]
    score = (src * dest) / np.sqrt(HEAD_DIM)
    score = jnp.exp(jnp.clip(score.sum(-1, keepdims=True), -5.0, 5.0))  # [E, H, 1]
    msg = V_h[src_idx] * score              # [E, H, Dh]
    wV = jnp.zeros_like(V_h).at[dst_idx].add(msg)                        # scatter-add
    Z = jnp.zeros((V_h.shape[0], NUM_HEADS, 1), dtype=score.dtype).at[dst_idx].add(score)
    h_out = wV / (Z + 1e-6)
    h_out = h_out.reshape(-1, OUT_DIM)
    return h_out[:num_node]

if __name__ == "__main__":
    import jax
    _d = setup_inputs()
    print(jax.jit(kernel)(*tuple(_d.values())))

</pallas_src>

<mosaic_0001>
#map = affine_map<(d0, d1) -> (0, 0, 0)>
#map1 = affine_map<(d0, d1) -> (0, 0)>
module attributes {stable_mosaic.version = 14 : i64} {
  func.func @_edge_body(%arg0: i32, %arg1: i32, %arg2: memref<2x10240x64xbf16, #tpu.memory_space<hbm>>, %arg3: memref<2x10240x64xbf16, #tpu.memory_space<hbm>>, %arg4: memref<2x10240x64xbf16, #tpu.memory_space<hbm>>, %arg5: memref<2560x128xi32, #tpu.memory_space<hbm>>, %arg6: memref<2560x128xi32, #tpu.memory_space<hbm>>, %arg7: memref<640x80xf32, #tpu.memory_space<hbm>>, %arg8: memref<2x10240x80xf32, #tpu.memory_space<hbm>>, %arg9: memref<160x128xi32, #tpu.memory_space<vmem>>, %arg10: memref<160x128xi32, #tpu.memory_space<vmem>>, %arg11: memref<128x64xbf16, #tpu.memory_space<vmem>>, %arg12: memref<128x64xbf16, #tpu.memory_space<vmem>>, %arg13: memref<128x64xbf16, #tpu.memory_space<vmem>>, %arg14: memref<128x64xbf16, #tpu.memory_space<vmem>>, %arg15: memref<128x64xbf16, #tpu.memory_space<vmem>>, %arg16: memref<128x64xbf16, #tpu.memory_space<vmem>>, %arg17: memref<128x80xf32, #tpu.memory_space<vmem>>, %arg18: memref<10240x80xf32, #tpu.memory_space<vmem_shared>>, %arg19: memref<!tpu.dma_semaphore, #tpu.memory_space<semaphore_mem>>, %arg20: memref<!tpu.dma_semaphore, #tpu.memory_space<semaphore_mem>>, %arg21: memref<!tpu.dma_semaphore, #tpu.memory_space<semaphore_mem>>) attributes {dimension_semantics = [#tpu.dimension_semantics<core_parallel>, #tpu.dimension_semantics<subcore_parallel>], iteration_bounds = array<i64: 2, 16>, scalar_prefetch = 0 : i64, scratch_operands = 13 : i64, tpu.core_type = #tpu.core_type<sc_vector_subcore>, window_params = [{transform_indices = #map}, {transform_indices = #map}, {transform_indices = #map}, {transform_indices = #map1}, {transform_indices = #map1}, {transform_indices = #map1}, {transform_indices = #map}]} {
    %mul3A = arith.constant 640 : i32
    %mul3A_0 = arith.muli %arg1, %mul3A : i32
    "tpu.region"() ({
      %run_scoped3A = tpu.sem_alloc : memref<!tpu.dma_semaphore, #tpu.memory_space<semaphore_mem>>
      %dma_start3A_101 = arith.constant 0 : i32
      %dma_start3A_102 = tpu.memref_slice %arg18[%mul3A_0, %dma_start3A_101] : memref<10240x80xf32, #tpu.memory_space<vmem_shared>> -> memref<640x80xf32, #tpu.memory_space<vmem_shared>>
      tpu.enqueue_dma source(%arg7 : memref<640x80xf32, #tpu.memory_space<hbm>>) target(%dma_start3A_102 : memref<640x80xf32, #tpu.memory_space<vmem_shared>>) target_semaphore(%run_scoped3A : memref<!tpu.dma_semaphore, #tpu.memory_space<semaphore_mem>>)
      %dma_wait3A_103 = arith.constant 0 : i32
      %dma_wait3A_104 = tpu.memref_slice %arg18[%mul3A_0, %dma_wait3A_103] : memref<10240x80xf32, #tpu.memory_space<vmem_shared>> -> memref<640x80xf32, #tpu.memory_space<vmem_shared>>
      tpu.wait_dma2 semaphore(%run_scoped3A : memref<!tpu.dma_semaphore, #tpu.memory_space<semaphore_mem>>) src(%arg7 : memref<640x80xf32, #tpu.memory_space<hbm>>) dst(%dma_wait3A_104 : memref<640x80xf32, #tpu.memory_space<vmem_shared>>)
      tpu.yield
    }) : () -> ()
    "tpu.region"() ({
      %run_scoped3A = tpu.sem_alloc : memref<!tpu.dma_semaphore, #tpu.memory_space<semaphore_mem>>
      %dma_start3A_101 = arith.constant 0 : i32
      %dma_start3A_102 = arith.constant 0 : i32
      %dma_start3A_103 = tpu.memref_slice %arg7[%dma_start3A_101, %dma_start3A_102] : memref<640x80xf32, #tpu.memory_space<hbm>> -> memref<128x80xf32, #tpu.memory_space<hbm>>
      %dma_start3A_104 = arith.constant 0 : i32
      %dma_start3A_105 = arith.constant 0 : i32
      %dma_start3A_106 = tpu.memref_slice %arg7[%dma_start3A_104, %dma_start3A_105] : memref<640x80xf32, #tpu.memory_space<hbm>> -> memref<128x80xf32, #tpu.memory_space<hbm>>
      tpu.enqueue_dma source(%dma_start3A_106 : memref<128x80xf32, #tpu.memory_space<hbm>>) target(%arg17 : memref<128x80xf32, #tpu.memory_space<vmem>>) target_semaphore(%run_scoped3A : memref<!tpu.dma_semaphore, #tpu.memory_space<semaphore_mem>>)
      %dma_wait3A_107 = arith.constant 0 : i32
      %dma_wait3A_108 = arith.constant 0 : i32
      %dma_wait3A_109 = tpu.memref_slice %arg7[%dma_wait3A_107, %dma_wait3A_108] : memref<640x80xf32, #tpu.memory_space<hbm>> -> memref<128x80xf32, #tpu.memory_space<hbm>>
      %dma_wait3A_110 = arith.constant 0 : i32
      %dma_wait3A_111 = arith.constant 0 : i32
      %dma_wait3A_112 = tpu.memref_slice %arg7[%dma_wait3A_110, %dma_wait3A_111] : memref<640x80xf32, #tpu.memory_space<hbm>> -> memref<128x80xf32, #tpu.memory_space<hbm>>
      tpu.wait_dma2 semaphore(%run_scoped3A : memref<!tpu.dma_semaphore, #tpu.memory_space<semaphore_mem>>) src(%dma_wait3A_112 : memref<128x80xf32, #tpu.memory_space<hbm>>) dst(%arg17 : memref<128x80xf32, #tpu.memory_space<vmem>>)
      tpu.yield
    }) : () -> ()
    %mul3A_1 = arith.constant 160 : i32
    %mul3A_2 = arith.muli %arg1, %mul3A_1 : i32
    "tpu.region"() ({
      %run_scoped3A = tpu.sem_alloc : memref<!tpu.dma_semaphore, #tpu.memory_space<semaphore_mem>>
      %dma_start3A_101 = arith.constant 0 : i32
      %dma_start3A_102 = tpu.memref_slice %arg5[%mul3A_2, %dma_start3A_101] : memref<2560x128xi32, #tpu.memory_space<hbm>> -> memref<160x128xi32, #tpu.memory_space<hbm>>
      %dma_start3A_103 = arith.constant 0 : i32
      %dma_start3A_104 = tpu.memref_slice %arg5[%mul3A_2, %dma_start3A_103] : memref<2560x128xi32, #tpu.memory_space<hbm>> -> memref<160x128xi32, #tpu.memory_space<hbm>>
      tpu.enqueue_dma source(%dma_start3A_104 : memref<160x128xi32, #tpu.memory_space<hbm>>) target(%arg9 : memref<160x128xi32, #tpu.memory_space<vmem>>) target_semaphore(%run_scoped3A : memref<!tpu.dma_semaphore, #tpu.memory_space<semaphore_mem>>)
      %dma_wait3A_105 = arith.constant 0 : i32
      %dma_wait3A_106 = tpu.memref_slice %arg5[%mul3A_2, %dma_wait3A_105] : memref<2560x128xi32, #tpu.memory_space<hbm>> -> memref<160x128xi32, #tpu.memory_space<hbm>>
      %dma_wait3A_107 = arith.constant 0 : i32
      %dma_wait3A_108 = tpu.memref_slice %arg5[%mul3A_2, %dma_wait3A_107] : memref<2560x128xi32, #tpu.memory_space<hbm>> -> memref<160x128xi32, #tpu.memory_space<hbm>>
      tpu.wait_dma2 semaphore(%run_scoped3A : memref<!tpu.dma_semaphore, #tpu.memory_space<semaphore_mem>>) src(%dma_wait3A_108 : memref<160x128xi32, #tpu.memory_space<hbm>>) dst(%arg9 : memref<160x128xi32, #tpu.memory_space<vmem>>)
      tpu.yield
    }) : () -> ()
    %mul3A_3 = arith.constant 160 : i32
    %mul3A_4 = arith.muli %arg1, %mul3A_3 : i32
    "tpu.region"() ({
      %run_scoped3A = tpu.sem_alloc : memref<!tpu.dma_semaphore, #tpu.memory_space<semaphore_mem>>
      %dma_start3A_101 = arith.constant 0 : i32
      %dma_start3A_102 = tpu.memref_slice %arg6[%mul3A_4, %dma_start3A_101] : memref<2560x128xi32, #tpu.memory_space<hbm>> -> memref<160x128xi32, #tpu.memory_space<hbm>>
      %dma_start3A_103 = arith.constant 0 : i32
      %dma_start3A_104 = tpu.memref_slice %arg6[%mul3A_4, %dma_start3A_103] : memref<2560x128xi32, #tpu.memory_space<hbm>> -> memref<160x128xi32, #tpu.memory_space<hbm>>
      tpu.enqueue_dma source(%dma_start3A_104 : memref<160x128xi32, #tpu.memory_space<hbm>>) target(%arg10 : memref<160x128xi32, #tpu.memory_space<vmem>>) target_semaphore(%run_scoped3A : memref<!tpu.dma_semaphore, #tpu.memory_space<semaphore_mem>>)
      %dma_wait3A_105 = arith.constant 0 : i32
      %dma_wait3A_106 = tpu.memref_slice %arg6[%mul3A_4, %dma_wait3A_105] : memref<2560x128xi32, #tpu.memory_space<hbm>> -> memref<160x128xi32, #tpu.memory_space<hbm>>
      %dma_wait3A_107 = arith.constant 0 : i32
      %dma_wait3A_108 = tpu.memref_slice %arg6[%mul3A_4, %dma_wait3A_107] : memref<2560x128xi32, #tpu.memory_space<hbm>> -> memref<160x128xi32, #tpu.memory_space<hbm>>
      tpu.wait_dma2 semaphore(%run_scoped3A : memref<!tpu.dma_semaphore, #tpu.memory_space<semaphore_mem>>) src(%dma_wait3A_108 : memref<160x128xi32, #tpu.memory_space<hbm>>) dst(%arg10 : memref<160x128xi32, #tpu.memory_space<vmem>>)
      tpu.yield
    }) : () -> ()
    %barrier3A = arith.constant 0 : index
    tpu.barrier barrier_id(%barrier3A)
    %iota3A = tpu.iota {dimensions = array<i32: 0>} : vector<16xi32>
    %xor3A = arith.constant 1 : i32
    %xor3A_5 = vector.broadcast %xor3A : i32 to vector<16xi32>
    %xor3A_6 = arith.xori %iota3A, %xor3A_5 : vector<16xi32>
    %xor3A_7 = arith.constant 2 : i32
    %xor3A_8 = vector.broadcast %xor3A_7 : i32 to vector<16xi32>
    %xor3A_9 = arith.xori %iota3A, %xor3A_8 : vector<16xi32>
    %xor3A_10 = arith.constant 4 : i32
    %xor3A_11 = vector.broadcast %xor3A_10 : i32 to vector<16xi32>
    %xor3A_12 = arith.xori %iota3A, %xor3A_11 : vector<16xi32>
    %mul3A_13 = arith.constant 0 : i32
    %mul3A_14 = vector.broadcast %mul3A_13 : i32 to vector<16xi32>
    %mul3A_15 = arith.muli %iota3A, %mul3A_14 : vector<16xi32>
    %add3A = arith.constant 8 : i32
    %add3A_16 = vector.broadcast %add3A : i32 to vector<16xi32>
    %add3A_17 = arith.addi %mul3A_15, %add3A_16 : vector<16xi32>
    %dma_start3A = arith.constant 0 : i32
    %dma_start3A_18 = arith.constant 0 : i32
    %dma_start3A_19 = tpu.memref_slice %arg10[%dma_start3A, %dma_start3A_18] : memref<160x128xi32, #tpu.memory_space<vmem>> -> memref<1x128xi32, #tpu.memory_space<vmem>>
    %dma_start3A_20 = tpu.memref_squeeze %dma_start3A_19 : memref<1x128xi32, #tpu.memory_space<vmem>> -> memref<128xi32, #tpu.memory_space<vmem>>
    %dma_start3A_21 = arith.constant 0 : i32
    %dma_start3A_22 = arith.constant 0 : i32
    %dma_start3A_23 = tpu.memref_slice %arg18[%dma_start3A_21, %dma_start3A_22] : memref<10240x80xf32, #tpu.memory_space<vmem_shared>> -> memref<10240x80xf32, #tpu.memory_space<vmem_shared>>
    tpu.enqueue_indirect_dma source(%arg17 : memref<128x80xf32, #tpu.memory_space<vmem>>) target(%dma_start3A_23 : memref<10240x80xf32, #tpu.memory_space<vmem_shared>>) offsets(%dma_start3A_20 : memref<128xi32, #tpu.memory_space<vmem>>) semaphore(%arg21 : memref<!tpu.dma_semaphore, #tpu.memory_space<semaphore_mem>>) {add = true}
    %dma_start3A_24 = arith.constant 0 : i32
    %dma_start3A_25 = arith.constant 0 : i32
    %dma_start3A_26 = tpu.memref_slice %arg9[%dma_start3A_24, %dma_start3A_25] : memref<160x128xi32, #tpu.memory_space<vmem>> -> memref<1x128xi32, #tpu.memory_space<vmem>>
    %dma_start3A_27 = tpu.memref_squeeze %dma_start3A_26 : memref<1x128xi32, #tpu.memory_space<vmem>> -> memref<128xi32, #tpu.memory_space<vmem>>
    %dma_start3A_28 = arith.constant 0 : i32
    %dma_start3A_29 = arith.constant 0 : i32
    %dma_start3A_30 = tpu.memref_slice %arg2[%arg0, %dma_start3A_28, %dma_start3A_29] : memref<2x10240x64xbf16, #tpu.memory_space<hbm>> -> memref<1x10240x64xbf16, #tpu.memory_space<hbm>>
    %dma_start3A_31 = tpu.memref_squeeze %dma_start3A_30 : memref<1x10240x64xbf16, #tpu.memory_space<hbm>> -> memref<10240x64xbf16, #tpu.memory_space<hbm>>
    %dma_start3A_32 = arith.constant 0 : i32
    %dma_start3A_33 = arith.constant 0 : i32
    %dma_start3A_34 = tpu.memref_slice %dma_start3A_31[%dma_start3A_32, %dma_start3A_33] : memref<10240x64xbf16, #tpu.memory_space<hbm>> -> memref<10240x64xbf16, #tpu.memory_space<hbm>>
    tpu.enqueue_indirect_dma source(%dma_start3A_34 : memref<10240x64xbf16, #tpu.memory_space<hbm>>) target(%arg11 : memref<128x64xbf16, #tpu.memory_space<vmem>>) offsets(%dma_start3A_27 : memref<128xi32, #tpu.memory_space<vmem>>) semaphore(%arg19 : memref<!tpu.dma_semaphore, #tpu.memory_space<semaphore_mem>>)
    %dma_start3A_35 = arith.constant 0 : i32
    %dma_start3A_36 = arith.constant 0 : i32
    %dma_start3A_37 = tpu.memref_slice %arg10[%dma_start3A_35, %dma_start3A_36] : memref<160x128xi32, #tpu.memory_space<vmem>> -> memref<1x128xi32, #tpu.memory_space<vmem>>
    %dma_start3A_38 = tpu.memref_squeeze %dma_start3A_37 : memref<1x128xi32, #tpu.memory_space<vmem>> -> memref<128xi32, #tpu.memory_space<vmem>>
    %dma_start3A_39 = arith.constant 0 : i32
    %dma_start3A_40 = arith.constant 0 : i32
    %dma_start3A_41 = tpu.memref_slice %arg3[%arg0, %dma_start3A_39, %dma_start3A_40] : memref<2x10240x64xbf16, #tpu.memory_space<hbm>> -> memref<1x10240x64xbf16, #tpu.memory_space<hbm>>
    %dma_start3A_42 = tpu.memref_squeeze %dma_start3A_41 : memref<1x10240x64xbf16, #tpu.memory_space<hbm>> -> memref<10240x64xbf16, #tpu.memory_space<hbm>>
    %dma_start3A_43 = arith.constant 0 : i32
    %dma_start3A_44 = arith.constant 0 : i32
    %dma_start3A_45 = tpu.memref_slice %dma_start3A_42[%dma_start3A_43, %dma_start3A_44] : memref<10240x64xbf16, #tpu.memory_space<hbm>> -> memref<10240x64xbf16, #tpu.memory_space<hbm>>
    tpu.enqueue_indirect_dma source(%dma_start3A_45 : memref<10240x64xbf16, #tpu.memory_space<hbm>>) target(%arg13 : memref<128x64xbf16, #tpu.memory_space<vmem>>) offsets(%dma_start3A_38 : memref<128xi32, #tpu.memory_space<vmem>>) semaphore(%arg19 : memref<!tpu.dma_semaphore, #tpu.memory_space<semaphore_mem>>)
    %dma_start3A_46 = arith.constant 0 : i32
    %dma_start3A_47 = arith.constant 0 : i32
    %dma_start3A_48 = tpu.memref_slice %arg9[%dma_start3A_46, %dma_start3A_47] : memref<160x128xi32, #tpu.memory_space<vmem>> -> memref<1x128xi32, #tpu.memory_space<vmem>>
    %dma_start3A_49 = tpu.memref_squeeze %dma_start3A_48 : memref<1x128xi32, #tpu.memory_space<vmem>> -> memref<128xi32, #tpu.memory_space<vmem>>
    %dma_start3A_50 = arith.constant 0 : i32
    %dma_start3A_51 = arith.constant 0 : i32
    %dma_start3A_52 = tpu.memref_slice %arg4[%arg0, %dma_start3A_50, %dma_start3A_51] : memref<2x10240x64xbf16, #tpu.memory_space<hbm>> -> memref<1x10240x64xbf16, #tpu.memory_space<hbm>>
    %dma_start3A_53 = tpu.memref_squeeze %dma_start3A_52 : memref<1x10240x64xbf16, #tpu.memory_space<hbm>> -> memref<10240x64xbf16, #tpu.memory_space<hbm>>
    %dma_start3A_54 = arith.constant 0 : i32
    %dma_start3A_55 = arith.constant 0 : i32
    %dma_start3A_56 = tpu.memref_slice %dma_start3A_53[%dma_start3A_54, %dma_start3A_55] : memref<10240x64xbf16, #tpu.memory_space<hbm>> -> memref<10240x64xbf16, #tpu.memory_space<hbm>>
    tpu.enqueue_indirect_dma source(%dma_start3A_56 : memref<10240x64xbf16, #tpu.memory_space<hbm>>) target(%arg15 : memref<128x64xbf16, #tpu.memory_space<vmem>>) offsets(%dma_start3A_49 : memref<128xi32, #tpu.memory_space<vmem>>) semaphore(%arg19 : memref<!tpu.dma_semaphore, #tpu.memory_space<semaphore_mem>>)
    %scan3A = arith.constant 0 : i32
    %scan3A_57 = arith.constant 80 : i32
    %scan3A_58 = arith.addi %scan3A, %scan3A_57 : i32
    %scan3A_59 = arith.constant 1 : i32
    scf.for %scan3A_101 = %scan3A to %scan3A_58 step %scan3A_59  : i32 {
      %mul3A_102 = arith.constant 1 : i32
      %mul3A_103 = arith.muli %scan3A_101, %mul3A_102 : i32
      %add3A_104 = arith.constant 0 : i32
      %add3A_105 = arith.addi %add3A_104, %mul3A_103 : i32
      %mul3A_106 = arith.constant 2 : i32
      %mul3A_107 = arith.muli %add3A_105, %mul3A_106 : i32
      %mul3A_108 = arith.constant 2 : i32
      %mul3A_109 = arith.muli %add3A_105, %mul3A_108 : i32
      %add3A_110 = arith.constant 1 : i32
      %add3A_111 = arith.addi %mul3A_109, %add3A_110 : i32
      %dma_start3A_112 = arith.constant 0 : i32
      %dma_start3A_113 = tpu.memref_slice %arg9[%add3A_111, %dma_start3A_112] : memref<160x128xi32, #tpu.memory_space<vmem>> -> memref<1x128xi32, #tpu.memory_space<vmem>>
      %dma_start3A_114 = tpu.memref_squeeze %dma_start3A_113 : memref<1x128xi32, #tpu.memory_space<vmem>> -> memref<128xi32, #tpu.memory_space<vmem>>
      %dma_start3A_115 = arith.constant 0 : i32
      %dma_start3A_116 = arith.constant 0 : i32
      %dma_start3A_117 = tpu.memref_slice %arg2[%arg0, %dma_start3A_115, %dma_start3A_116] : memref<2x10240x64xbf16, #tpu.memory_space<hbm>> -> memref<1x10240x64xbf16, #tpu.memory_space<hbm>>
      %dma_start3A_118 = tpu.memref_squeeze %dma_start3A_117 : memref<1x10240x64xbf16, #tpu.memory_space<hbm>> -> memref<10240x64xbf16, #tpu.memory_space<hbm>>
      %dma_start3A_119 = arith.constant 0 : i32
      %dma_start3A_120 = arith.constant 0 : i32
      %dma_start3A_121 = tpu.memref_slice %dma_start3A_118[%dma_start3A_119, %dma_start3A_120] : memref<10240x64xbf16, #tpu.memory_space<hbm>> -> memref<10240x64xbf16, #tpu.memory_space<hbm>>
      tpu.enqueue_indirect_dma source(%dma_start3A_121 : memref<10240x64xbf16, #tpu.memory_space<hbm>>) target(%arg12 : memref<128x64xbf16, #tpu.memory_space<vmem>>) offsets(%dma_start3A_114 : memref<128xi32, #tpu.memory_space<vmem>>) semaphore(%arg20 : memref<!tpu.dma_semaphore, #tpu.memory_space<semaphore_mem>>)
      %dma_start3A_122 = arith.constant 0 : i32
      %dma_start3A_123 = tpu.memref_slice %arg10[%add3A_111, %dma_start3A_122] : memref<160x128xi32, #tpu.memory_space<vmem>> -> memref<1x128xi32, #tpu.memory_space<vmem>>
      %dma_start3A_124 = tpu.memref_squeeze %dma_start3A_123 : memref<1x128xi32, #tpu.memory_space<vmem>> -> memref<128xi32, #tpu.memory_space<vmem>>
      %dma_start3A_125 = arith.constant 0 : i32
      %dma_start3A_126 = arith.constant 0 : i32
      %dma_start3A_127 = tpu.memref_slice %arg3[%arg0, %dma_start3A_125, %dma_start3A_126] : memref<2x10240x64xbf16, #tpu.memory_space<hbm>> -> memref<1x10240x64xbf16, #tpu.memory_space<hbm>>
      %dma_start3A_128 = tpu.memref_squeeze %dma_start3A_127 : memref<1x10240x64xbf16, #tpu.memory_space<hbm>> -> memref<10240x64xbf16, #tpu.memory_space<hbm>>
      %dma_start3A_129 = arith.constant 0 : i32
      %dma_start3A_130 = arith.constant 0 : i32
      %dma_start3A_131 = tpu.memref_slice %dma_start3A_128[%dma_start3A_129, %dma_start3A_130] : memref<10240x64xbf16, #tpu.memory_space<hbm>> -> memref<10240x64xbf16, #tpu.memory_space<hbm>>
      tpu.enqueue_indirect_dma source(%dma_start3A_131 : memref<10240x64xbf16, #tpu.memory_space<hbm>>) target(%arg14 : memref<128x64xbf16, #tpu.memory_space<vmem>>) offsets(%dma_start3A_124 : memref<128xi32, #tpu.memory_space<vmem>>) semaphore(%arg20 : memref<!tpu.dma_semaphore, #tpu.memory_space<semaphore_mem>>)
      %dma_start3A_132 = arith.constant 0 : i32
      %dma_start3A_133 = tpu.memref_slice %arg9[%add3A_111, %dma_start3A_132] : memref<160x128xi32, #tpu.memory_space<vmem>> -> memref<1x128xi32, #tpu.memory_space<vmem>>
      %dma_start3A_134 = tpu.memref_squeeze %dma_start3A_133 : memref<1x128xi32, #tpu.memory_space<vmem>> -> memref<128xi32, #tpu.memory_space<vmem>>
      %dma_start3A_135 = arith.constant 0 : i32
      %dma_start3A_136 = arith.constant 0 : i32
      %dma_start3A_137 = tpu.memref_slice %arg4[%arg0, %dma_start3A_135, %dma_start3A_136] : memref<2x10240x64xbf16, #tpu.memory_space<hbm>> -> memref<1x10240x64xbf16, #tpu.memory_space<hbm>>
      %dma_start3A_138 = tpu.memref_squeeze %dma_start3A_137 : memref<1x10240x64xbf16, #tpu.memory_space<hbm>> -> memref<10240x64xbf16, #tpu.memory_space<hbm>>
      %dma_start3A_139 = arith.constant 0 : i32
      %dma_start3A_140 = arith.constant 0 : i32
      %dma_start3A_141 = tpu.memref_slice %dma_start3A_138[%dma_start3A_139, %dma_start3A_140] : memref<10240x64xbf16, #tpu.memory_space<hbm>> -> memref<10240x64xbf16, #tpu.memory_space<hbm>>
      tpu.enqueue_indirect_dma source(%dma_start3A_141 : memref<10240x64xbf16, #tpu.memory_space<hbm>>) target(%arg16 : memref<128x64xbf16, #tpu.memory_space<vmem>>) offsets(%dma_start3A_134 : memref<128xi32, #tpu.memory_space<vmem>>) semaphore(%arg20 : memref<!tpu.dma_semaphore, #tpu.memory_space<semaphore_mem>>)
      %dma_wait3A_142 = arith.constant 0 : i32
      %dma_wait3A_143 = tpu.memref_slice %arg10[%mul3A_107, %dma_wait3A_142] : memref<160x128xi32, #tpu.memory_space<vmem>> -> memref<1x128xi32, #tpu.memory_space<vmem>>
      %dma_wait3A_144 = tpu.memref_squeeze %dma_wait3A_143 : memref<1x128xi32, #tpu.memory_space<vmem>> -> memref<128xi32, #tpu.memory_space<vmem>>
      %dma_wait3A_145 = arith.constant 0 : i32
      %dma_wait3A_146 = arith.constant 0 : i32
      %dma_wait3A_147 = tpu.memref_slice %arg18[%dma_wait3A_145, %dma_wait3A_146] : memref<10240x80xf32, #tpu.memory_space<vmem_shared>> -> memref<10240x80xf32, #tpu.memory_space<vmem_shared>>
      tpu.wait_indirect_dma semaphore(%arg21 : memref<!tpu.dma_semaphore, #tpu.memory_space<semaphore_mem>>) src(%arg17 : memref<128x80xf32, #tpu.memory_space<vmem>>) dst(%dma_wait3A_147 : memref<10240x80xf32, #tpu.memory_space<vmem_shared>>)
      %dma_wait3A_148 = arith.constant 0 : i32
      %dma_wait3A_149 = tpu.memref_slice %arg9[%mul3A_107, %dma_wait3A_148] : memref<160x128xi32, #tpu.memory_space<vmem>> -> memref<1x128xi32, #tpu.memory_space<vmem>>
      %dma_wait3A_150 = tpu.memref_squeeze %dma_wait3A_149 : memref<1x128xi32, #tpu.memory_space<vmem>> -> memref<128xi32, #tpu.memory_space<vmem>>
      %dma_wait3A_151 = arith.constant 0 : i32
      %dma_wait3A_152 = arith.constant 0 : i32
      %dma_wait3A_153 = tpu.memref_slice %arg2[%arg0, %dma_wait3A_151, %dma_wait3A_152] : memref<2x10240x64xbf16, #tpu.memory_space<hbm>> -> memref<1x10240x64xbf16, #tpu.memory_space<hbm>>
      %dma_wait3A_154 = tpu.memref_squeeze %dma_wait3A_153 : memref<1x10240x64xbf16, #tpu.memory_space<hbm>> -> memref<10240x64xbf16, #tpu.memory_space<hbm>>
      %dma_wait3A_155 = arith.constant 0 : i32
      %dma_wait3A_156 = arith.constant 0 : i32
      %dma_wait3A_157 = tpu.memref_slice %dma_wait3A_154[%dma_wait3A_155, %dma_wait3A_156] : memref<10240x64xbf16, #tpu.memory_space<hbm>> -> memref<10240x64xbf16, #tpu.memory_space<hbm>>
      tpu.wait_indirect_dma semaphore(%arg19 : memref<!tpu.dma_semaphore, #tpu.memory_space<semaphore_mem>>) src(%dma_wait3A_157 : memref<10240x64xbf16, #tpu.memory_space<hbm>>) dst(%arg11 : memref<128x64xbf16, #tpu.memory_space<vmem>>)
      %dma_wait3A_158 = arith.constant 0 : i32
      %dma_wait3A_159 = tpu.memref_slice %arg10[%mul3A_107, %dma_wait3A_158] : memref<160x128xi32, #tpu.memory_space<vmem>> -> memref<1x128xi32, #tpu.memory_space<vmem>>
      %dma_wait3A_160 = tpu.memref_squeeze %dma_wait3A_159 : memref<1x128xi32, #tpu.memory_space<vmem>> -> memref<128xi32, #tpu.memory_space<vmem>>
      %dma_wait3A_161 = arith.constant 0 : i32
      %dma_wait3A_162 = arith.constant 0 : i32
      %dma_wait3A_163 = tpu.memref_slice %arg3[%arg0, %dma_wait3A_161, %dma_wait3A_162] : memref<2x10240x64xbf16, #tpu.memory_space<hbm>> -> memref<1x10240x64xbf16, #tpu.memory_space<hbm>>
      %dma_wait3A_164 = tpu.memref_squeeze %dma_wait3A_163 : memref<1x10240x64xbf16, #tpu.memory_space<hbm>> -> memref<10240x64xbf16, #tpu.memory_space<hbm>>
      %dma_wait3A_165 = arith.constant 0 : i32
      %dma_wait3A_166 = arith.constant 0 : i32
      %dma_wait3A_167 = tpu.memref_slice %dma_wait3A_164[%dma_wait3A_165, %dma_wait3A_166] : memref<10240x64xbf16, #tpu.memory_space<hbm>> -> memref<10240x64xbf16, #tpu.memory_space<hbm>>
      tpu.wait_indirect_dma semaphore(%arg19 : memref<!tpu.dma_semaphore, #tpu.memory_space<semaphore_mem>>) src(%dma_wait3A_167 : memref<10240x64xbf16, #tpu.memory_space<hbm>>) dst(%arg13 : memref<128x64xbf16, #tpu.memory_space<vmem>>)
      %dma_wait3A_168 = arith.constant 0 : i32
      %dma_wait3A_169 = tpu.memref_slice %arg9[%mul3A_107, %dma_wait3A_168] : memref<160x128xi32, #tpu.memory_space<vmem>> -> memref<1x128xi32, #tpu.memory_space<vmem>>
      %dma_wait3A_170 = tpu.memref_squeeze %dma_wait3A_169 : memref<1x128xi32, #tpu.memory_space<vmem>> -> memref<128xi32, #tpu.memory_space<vmem>>
      %dma_wait3A_171 = arith.constant 0 : i32
      %dma_wait3A_172 = arith.constant 0 : i32
      %dma_wait3A_173 = tpu.memref_slice %arg4[%arg0, %dma_wait3A_171, %dma_wait3A_172] : memref<2x10240x64xbf16, #tpu.memory_space<hbm>> -> memref<1x10240x64xbf16, #tpu.memory_space<hbm>>
      %dma_wait3A_174 = tpu.memref_squeeze %dma_wait3A_173 : memref<1x10240x64xbf16, #tpu.memory_space<hbm>> -> memref<10240x64xbf16, #tpu.memory_space<hbm>>
      %dma_wait3A_175 = arith.constant 0 : i32
      %dma_wait3A_176 = arith.constant 0 : i32
      %dma_wait3A_177 = tpu.memref_slice %dma_wait3A_174[%dma_wait3A_175, %dma_wait3A_176] : memref<10240x64xbf16, #tpu.memory_space<hbm>> -> memref<10240x64xbf16, #tpu.memory_space<hbm>>
      tpu.wait_indirect_dma semaphore(%arg19 : memref<!tpu.dma_semaphore, #tpu.memory_space<semaphore_mem>>) src(%dma_wait3A_177 : memref<10240x64xbf16, #tpu.memory_space<hbm>>) dst(%arg15 : memref<128x64xbf16, #tpu.memory_space<vmem>>)
      %parallel_loop3A = arith.constant 0 : i32
      %parallel_loop3A_178 = arith.constant 128 : i32
      %parallel_loop3A_179 = arith.constant 1 : i32
      scf.for %parallel_loop3A_264 = %parallel_loop3A to %parallel_loop3A_178 step %parallel_loop3A_179  : i32 {
        %parallel_loop3A_265 = arith.constant 0.000000e+00 : f32
        %parallel_loop3A_266 = vector.broadcast %parallel_loop3A_265 : f32 to vector<16xf32>
        %parallel_loop3A_267 = arith.index_cast %parallel_loop3A_264 : i32 to index
        %parallel_loop3A_268 = arith.constant 0 : index
        %parallel_loop3A_269 = tpu.vector_load %arg11[%parallel_loop3A_267, %parallel_loop3A_268] {strides = array<i32>} : memref<128x64xbf16, #tpu.memory_space<vmem>>, vector<32xbf16>,
        %parallel_loop3A_270 = arith.index_cast %parallel_loop3A_264 : i32 to index
        %parallel_loop3A_271 = arith.constant 0 : index
        %parallel_loop3A_272 = tpu.vector_load %arg13[%parallel_loop3A_270, %parallel_loop3A_271] {strides = array<i32>} : memref<128x64xbf16, #tpu.memory_space<vmem>>, vector<32xbf16>,
        %parallel_loop3A_273 = tpu.unpack_subelements %parallel_loop3A_269, 0 {pack_format = #tpu.pack_format<interleaved>} : vector<32xbf16> -> vector<16xf32>
        %parallel_loop3A_274 = tpu.unpack_subelements %parallel_loop3A_269, 1 {pack_format = #tpu.pack_format<interleaved>} : vector<32xbf16> -> vector<16xf32>
        %parallel_loop3A_275 = tpu.unpack_subelements %parallel_loop3A_272, 0 {pack_format = #tpu.pack_format<interleaved>} : vector<32xbf16> -> vector<16xf32>
        %parallel_loop3A_276 = tpu.unpack_subelements %parallel_loop3A_272, 1 {pack_format = #tpu.pack_format<interleaved>} : vector<32xbf16> -> vector<16xf32>
        %parallel_loop3A_277 = arith.mulf %parallel_loop3A_273, %parallel_loop3A_275 : vector<16xf32>
        %parallel_loop3A_278 = arith.mulf %parallel_loop3A_274, %parallel_loop3A_276 : vector<16xf32>
        %parallel_loop3A_279 = arith.addf %parallel_loop3A_277, %parallel_loop3A_278 : vector<16xf32>
        %parallel_loop3A_280 = arith.constant 0 : i32
        %parallel_loop3A_281 = vector.broadcast %parallel_loop3A_280 : i32 to vector<16xi32>
        %parallel_loop3A_282 = arith.cmpi slt, %xor3A_6, %parallel_loop3A_281 : vector<16xi32>
        %parallel_loop3A_283 = arith.constant 16 : i32
        %parallel_loop3A_284 = vector.broadcast %parallel_loop3A_283 : i32 to vector<16xi32>
        %parallel_loop3A_285 = arith.addi %xor3A_6, %parallel_loop3A_284 : vector<16xi32>
        %parallel_loop3A_286 = arith.select %parallel_loop3A_282, %parallel_loop3A_285, %xor3A_6 : vector<16xi1>, vector<16xi32>
        %parallel_loop3A_287 = vector.shape_cast %parallel_loop3A_286 : vector<16xi32> to vector<16x1xi32>
        %parallel_loop3A_288 = vector.shape_cast %parallel_loop3A_287 : vector<16x1xi32> to vector<16xi32>
        %parallel_loop3A_289 = tpu.dynamic_gather %parallel_loop3A_279[%parallel_loop3A_288] in [0] : vector<16xf32>, vector<16xi32> -> vector<16xf32>
        %parallel_loop3A_290 = arith.addf %parallel_loop3A_279, %parallel_loop3A_289 : vector<16xf32>
        %parallel_loop3A_291 = arith.constant 0 : i32
        %parallel_loop3A_292 = vector.broadcast %parallel_loop3A_291 : i32 to vector<16xi32>
        %parallel_loop3A_293 = arith.cmpi slt, %xor3A_9, %parallel_loop3A_292 : vector<16xi32>
        %parallel_loop3A_294 = arith.constant 16 : i32
        %parallel_loop3A_295 = vector.broadcast %parallel_loop3A_294 : i32 to vector<16xi32>
        %parallel_loop3A_296 = arith.addi %xor3A_9, %parallel_loop3A_295 : vector<16xi32>
        %parallel_loop3A_297 = arith.select %parallel_loop3A_293, %parallel_loop3A_296, %xor3A_9 : vector<16xi1>, vector<16xi32>
        %parallel_loop3A_298 = vector.shape_cast %parallel_loop3A_297 : vector<16xi32> to vector<16x1xi32>
        %parallel_loop3A_299 = vector.shape_cast %parallel_loop3A_298 : vector<16x1xi32> to vector<16xi32>
        %parallel_loop3A_300 = tpu.dynamic_gather %parallel_loop3A_290[%parallel_loop3A_299] in [0] : vector<16xf32>, vector<16xi32> -> vector<16xf32>
        %parallel_loop3A_301 = arith.addf %parallel_loop3A_290, %parallel_loop3A_300 : vector<16xf32>
        %parallel_loop3A_302 = arith.constant 0 : i32
        %parallel_loop3A_303 = vector.broadcast %parallel_loop3A_302 : i32 to vector<16xi32>
        %parallel_loop3A_304 = arith.cmpi slt, %xor3A_12, %parallel_loop3A_303 : vector<16xi32>
        %parallel_loop3A_305 = arith.constant 16 : i32
        %parallel_loop3A_306 = vector.broadcast %parallel_loop3A_305 : i32 to vector<16xi32>
        %parallel_loop3A_307 = arith.addi %xor3A_12, %parallel_loop3A_306 : vector<16xi32>
        %parallel_loop3A_308 = arith.select %parallel_loop3A_304, %parallel_loop3A_307, %xor3A_12 : vector<16xi1>, vector<16xi32>
        %parallel_loop3A_309 = vector.shape_cast %parallel_loop3A_308 : vector<16xi32> to vector<16x1xi32>
        %parallel_loop3A_310 = vector.shape_cast %parallel_loop3A_309 : vector<16x1xi32> to vector<16xi32>
        %parallel_loop3A_311 = tpu.dynamic_gather %parallel_loop3A_301[%parallel_loop3A_310] in [0] : vector<16xf32>, vector<16xi32> -> vector<16xf32>
        %parallel_loop3A_312 = arith.addf %parallel_loop3A_301, %parallel_loop3A_311 : vector<16xf32>
        %parallel_loop3A_313 = arith.constant 2.500000e-01 : f32
        %parallel_loop3A_314 = vector.broadcast %parallel_loop3A_313 : f32 to vector<16xf32>
        %parallel_loop3A_315 = arith.mulf %parallel_loop3A_312, %parallel_loop3A_314 : vector<16xf32>
        %parallel_loop3A_316 = arith.constant -5.000000e+00 : f32
        %parallel_loop3A_317 = arith.constant 5.000000e+00 : f32
        %parallel_loop3A_318 = vector.broadcast %parallel_loop3A_316 : f32 to vector<16xf32>
        %parallel_loop3A_319 = arith.maximumf %parallel_loop3A_318, %parallel_loop3A_315 : vector<16xf32>
        %parallel_loop3A_320 = vector.broadcast %parallel_loop3A_317 : f32 to vector<16xf32>
        %parallel_loop3A_321 = arith.minimumf %parallel_loop3A_320, %parallel_loop3A_319 : vector<16xf32>
        %parallel_loop3A_322 = math.exp %parallel_loop3A_321 : vector<16xf32>
        %parallel_loop3A_323 = arith.constant 0 : i32
        %parallel_loop3A_324 = vector.broadcast %parallel_loop3A_323 : i32 to vector<16xi32>
        %parallel_loop3A_325 = arith.cmpi slt, %mul3A_15, %parallel_loop3A_324 : vector<16xi32>
        %parallel_loop3A_326 = arith.constant 16 : i32
        %parallel_loop3A_327 = vector.broadcast %parallel_loop3A_326 : i32 to vector<16xi32>
        %parallel_loop3A_328 = arith.addi %mul3A_15, %parallel_loop3A_327 : vector<16xi32>
        %parallel_loop3A_329 = arith.select %parallel_loop3A_325, %parallel_loop3A_328, %mul3A_15 : vector<16xi1>, vector<16xi32>
        %parallel_loop3A_330 = vector.shape_cast %parallel_loop3A_329 : vector<16xi32> to vector<16x1xi32>
        %parallel_loop3A_331 = vector.shape_cast %parallel_loop3A_330 : vector<16x1xi32> to vector<16xi32>
        %parallel_loop3A_332 = tpu.dynamic_gather %parallel_loop3A_322[%parallel_loop3A_331] in [0] : vector<16xf32>, vector<16xi32> -> vector<16xf32>
        %parallel_loop3A_333 = arith.constant 0 : i32
        %parallel_loop3A_334 = vector.broadcast %parallel_loop3A_333 : i32 to vector<16xi32>
        %parallel_loop3A_335 = arith.cmpi slt, %add3A_17, %parallel_loop3A_334 : vector<16xi32>
        %parallel_loop3A_336 = arith.constant 16 : i32
        %parallel_loop3A_337 = vector.broadcast %parallel_loop3A_336 : i32 to vector<16xi32>
        %parallel_loop3A_338 = arith.addi %add3A_17, %parallel_loop3A_337 : vector<16xi32>
        %parallel_loop3A_339 = arith.select %parallel_loop3A_335, %parallel_loop3A_338, %add3A_17 : vector<16xi1>, vector<16xi32>
        %parallel_loop3A_340 = vector.shape_cast %parallel_loop3A_339 : vector<16xi32> to vector<16x1xi32>
        %parallel_loop3A_341 = vector.shape_cast %parallel_loop3A_340 : vector<16x1xi32> to vector<16xi32>
        %parallel_loop3A_342 = tpu.dynamic_gather %parallel_loop3A_322[%parallel_loop3A_341] in [0] : vector<16xf32>, vector<16xi32> -> vector<16xf32>
        %parallel_loop3A_343 = arith.index_cast %parallel_loop3A_264 : i32 to index
        %parallel_loop3A_344 = arith.constant 0 : index
        %parallel_loop3A_345 = tpu.vector_load %arg15[%parallel_loop3A_343, %parallel_loop3A_344] {strides = array<i32>} : memref<128x64xbf16, #tpu.memory_space<vmem>>, vector<32xbf16>,
        %parallel_loop3A_346 = tpu.unpack_subelements %parallel_loop3A_345, 0 {pack_format = #tpu.pack_format<interleaved>} : vector<32xbf16> -> vector<16xf32>
        %parallel_loop3A_347 = tpu.unpack_subelements %parallel_loop3A_345, 1 {pack_format = #tpu.pack_format<interleaved>} : vector<32xbf16> -> vector<16xf32>
        %parallel_loop3A_348 = arith.mulf %parallel_loop3A_346, %parallel_loop3A_322 : vector<16xf32>
        %parallel_loop3A_349 = arith.index_cast %parallel_loop3A_264 : i32 to index
        %parallel_loop3A_350 = arith.constant 0 : index
        %parallel_loop3A_351 = tpu.vector_load %arg17[%parallel_loop3A_349, %parallel_loop3A_350] {strides = array<i32>} : memref<128x80xf32, #tpu.memory_space<vmem>>, vector<16xf32>,
        tpu.vector_store %arg17[%parallel_loop3A_349, %parallel_loop3A_350], %parallel_loop3A_348 {strides = array<i32>} : memref<128x80xf32, #tpu.memory_space<vmem>>, vector<16xf32>,
        %parallel_loop3A_352 = arith.mulf %parallel_loop3A_347, %parallel_loop3A_322 : vector<16xf32>
        %parallel_loop3A_353 = arith.index_cast %parallel_loop3A_264 : i32 to index
        %parallel_loop3A_354 = arith.constant 16 : index
        %parallel_loop3A_355 = tpu.vector_load %arg17[%parallel_loop3A_353, %parallel_loop3A_354] {strides = array<i32>} : memref<128x80xf32, #tpu.memory_space<vmem>>, vector<16xf32>,
        tpu.vector_store %arg17[%parallel_loop3A_353, %parallel_loop3A_354], %parallel_loop3A_352 {strides = array<i32>} : memref<128x80xf32, #tpu.memory_space<vmem>>, vector<16xf32>,
        %parallel_loop3A_356 = arith.constant 0 : i32
        %parallel_loop3A_357 = vector.broadcast %parallel_loop3A_356 : i32 to vector<16xi32>
        %parallel_loop3A_358 = arith.cmpi eq, %iota3A, %parallel_loop3A_357 : vector<16xi32>
        %parallel_loop3A_359 = arith.select %parallel_loop3A_358, %parallel_loop3A_332, %parallel_loop3A_266 : vector<16xi1>, vector<16xf32>
        %parallel_loop3A_360 = arith.constant 1 : i32
        %parallel_loop3A_361 = vector.broadcast %parallel_loop3A_360 : i32 to vector<16xi32>
        %parallel_loop3A_362 = arith.cmpi eq, %iota3A, %parallel_loop3A_361 : vector<16xi32>
        %parallel_loop3A_363 = arith.select %parallel_loop3A_362, %parallel_loop3A_342, %parallel_loop3A_359 : vector<16xi1>, vector<16xf32>
        %parallel_loop3A_364 = arith.index_cast %parallel_loop3A_264 : i32 to index
        %parallel_loop3A_365 = arith.constant 32 : index
        %parallel_loop3A_366 = tpu.vector_load %arg11[%parallel_loop3A_364, %parallel_loop3A_365] {strides = array<i32>} : memref<128x64xbf16, #tpu.memory_space<vmem>>, vector<32xbf16>,
        %parallel_loop3A_367 = arith.index_cast %parallel_loop3A_264 : i32 to index
        %parallel_loop3A_368 = arith.constant 32 : index
        %parallel_loop3A_369 = tpu.vector_load %arg13[%parallel_loop3A_367, %parallel_loop3A_368] {strides = array<i32>} : memref<128x64xbf16, #tpu.memory_space<vmem>>, vector<32xbf16>,
        %parallel_loop3A_370 = tpu.unpack_subelements %parallel_loop3A_366, 0 {pack_format = #tpu.pack_format<interleaved>} : vector<32xbf16> -> vector<16xf32>
        %parallel_loop3A_371 = tpu.unpack_subelements %parallel_loop3A_366, 1 {pack_format = #tpu.pack_format<interleaved>} : vector<32xbf16> -> vector<16xf32>
        %parallel_loop3A_372 = tpu.unpack_subelements %parallel_loop3A_369, 0 {pack_format = #tpu.pack_format<interleaved>} : vector<32xbf16> -> vector<16xf32>
        %parallel_loop3A_373 = tpu.unpack_subelements %parallel_loop3A_369, 1 {pack_format = #tpu.pack_format<interleaved>} : vector<32xbf16> -> vector<16xf32>
        %parallel_loop3A_374 = arith.mulf %parallel_loop3A_370, %parallel_loop3A_372 : vector<16xf32>
        %parallel_loop3A_375 = arith.mulf %parallel_loop3A_371, %parallel_loop3A_373 : vector<16xf32>
        %parallel_loop3A_376 = arith.addf %parallel_loop3A_374, %parallel_loop3A_375 : vector<16xf32>
        %parallel_loop3A_377 = arith.constant 0 : i32
        %parallel_loop3A_378 = vector.broadcast %parallel_loop3A_377 : i32 to vector<16xi32>
        %parallel_loop3A_379 = arith.cmpi slt, %xor3A_6, %parallel_loop3A_378 : vector<16xi32>
        %parallel_loop3A_380 = arith.constant 16 : i32
        %parallel_loop3A_381 = vector.broadcast %parallel_loop3A_380 : i32 to vector<16xi32>
        %parallel_loop3A_382 = arith.addi %xor3A_6, %parallel_loop3A_381 : vector<16xi32>
        %parallel_loop3A_383 = arith.select %parallel_loop3A_379, %parallel_loop3A_382, %xor3A_6 : vector<16xi1>, vector<16xi32>
        %parallel_loop3A_384 = vector.shape_cast %parallel_loop3A_383 : vector<16xi32> to vector<16x1xi32>
        %parallel_loop3A_385 = vector.shape_cast %parallel_loop3A_384 : vector<16x1xi32> to vector<16xi32>
        %parallel_loop3A_386 = tpu.dynamic_gather %parallel_loop3A_376[%parallel_loop3A_385] in [0] : vector<16xf32>, vector<16xi32> -> vector<16xf32>
        %parallel_loop3A_387 = arith.addf %parallel_loop3A_376, %parallel_loop3A_386 : vector<16xf32>
        %parallel_loop3A_388 = arith.constant 0 : i32
        %parallel_loop3A_389 = vector.broadcast %parallel_loop3A_388 : i32 to vector<16xi32>
        %parallel_loop3A_390 = arith.cmpi slt, %xor3A_9, %parallel_loop3A_389 : vector<16xi32>
        %parallel_loop3A_391 = arith.constant 16 : i32
        %parallel_loop3A_392 = vector.broadcast %parallel_loop3A_391 : i32 to vector<16xi32>
        %parallel_loop3A_393 = arith.addi %xor3A_9, %parallel_loop3A_392 : vector<16xi32>
        %parallel_loop3A_394 = arith.select %parallel_loop3A_390, %parallel_loop3A_393, %xor3A_9 : vector<16xi1>, vector<16xi32>
        %parallel_loop3A_395 = vector.shape_cast %parallel_loop3A_394 : vector<16xi32> to vector<16x1xi32>
        %parallel_loop3A_396 = vector.shape_cast %parallel_loop3A_395 : vector<16x1xi32> to vector<16xi32>
        %parallel_loop3A_397 = tpu.dynamic_gather %parallel_loop3A_387[%parallel_loop3A_396] in [0] : vector<16xf32>, vector<16xi32> -> vector<16xf32>
        %parallel_loop3A_398 = arith.addf %parallel_loop3A_387, %parallel_loop3A_397 : vector<16xf32>
        %parallel_loop3A_399 = arith.constant 0 : i32
        %parallel_loop3A_400 = vector.broadcast %parallel_loop3A_399 : i32 to vector<16xi32>
        %parallel_loop3A_401 = arith.cmpi slt, %xor3A_12, %parallel_loop3A_400 : vector<16xi32>
        %parallel_loop3A_402 = arith.constant 16 : i32
        %parallel_loop3A_403 = vector.broadcast %parallel_loop3A_402 : i32 to vector<16xi32>
        %parallel_loop3A_404 = arith.addi %xor3A_12, %parallel_loop3A_403 : vector<16xi32>
        %parallel_loop3A_405 = arith.select %parallel_loop3A_401, %parallel_loop3A_404, %xor3A_12 : vector<16xi1>, vector<16xi32>
        %parallel_loop3A_406 = vector.shape_cast %parallel_loop3A_405 : vector<16xi32> to vector<16x1xi32>
        %parallel_loop3A_407 = vector.shape_cast %parallel_loop3A_406 : vector<16x1xi32> to vector<16xi32>
        %parallel_loop3A_408 = tpu.dynamic_gather %parallel_loop3A_398[%parallel_loop3A_407] in [0] : vector<16xf32>, vector<16xi32> -> vector<16xf32>
        %parallel_loop3A_409 = arith.addf %parallel_loop3A_398, %parallel_loop3A_408 : vector<16xf32>
        %parallel_loop3A_410 = arith.constant 2.500000e-01 : f32
        %parallel_loop3A_411 = vector.broadcast %parallel_loop3A_410 : f32 to vector<16xf32>
        %parallel_loop3A_412 = arith.mulf %parallel_loop3A_409, %parallel_loop3A_411 : vector<16xf32>
        %parallel_loop3A_413 = arith.constant -5.000000e+00 : f32
        %parallel_loop3A_414 = arith.constant 5.000000e+00 : f32
        %parallel_loop3A_415 = vector.broadcast %parallel_loop3A_413 : f32 to vector<16xf32>
        %parallel_loop3A_416 = arith.maximumf %parallel_loop3A_415, %parallel_loop3A_412 : vector<16xf32>
        %parallel_loop3A_417 = vector.broadcast %parallel_loop3A_414 : f32 to vector<16xf32>
        %parallel_loop3A_418 = arith.minimumf %parallel_loop3A_417, %parallel_loop3A_416 : vector<16xf32>
        %parallel_loop3A_419 = math.exp %parallel_loop3A_418 : vector<16xf32>
        %parallel_loop3A_420 = arith.constant 0 : i32
        %parallel_loop3A_421 = vector.broadcast %parallel_loop3A_420 : i32 to vector<16xi32>
        %parallel_loop3A_422 = arith.cmpi slt, %mul3A_15, %parallel_loop3A_421 : vector<16xi32>
        %parallel_loop3A_423 = arith.constant 16 : i32
        %parallel_loop3A_424 = vector.broadcast %parallel_loop3A_423 : i32 to vector<16xi32>
        %parallel_loop3A_425 = arith.addi %mul3A_15, %parallel_loop3A_424 : vector<16xi32>
        %parallel_loop3A_426 = arith.select %parallel_loop3A_422, %parallel_loop3A_425, %mul3A_15 : vector<16xi1>, vector<16xi32>
        %parallel_loop3A_427 = vector.shape_cast %parallel_loop3A_426 : vector<16xi32> to vector<16x1xi32>
        %parallel_loop3A_428 = vector.shape_cast %parallel_loop3A_427 : vector<16x1xi32> to vector<16xi32>
        %parallel_loop3A_429 = tpu.dynamic_gather %parallel_loop3A_419[%parallel_loop3A_428] in [0] : vector<16xf32>, vector<16xi32> -> vector<16xf32>
        %parallel_loop3A_430 = arith.constant 0 : i32
        %parallel_loop3A_431 = vector.broadcast %parallel_loop3A_430 : i32 to vector<16xi32>
        %parallel_loop3A_432 = arith.cmpi slt, %add3A_17, %parallel_loop3A_431 : vector<16xi32>
        %parallel_loop3A_433 = arith.constant 16 : i32
        %parallel_loop3A_434 = vector.broadcast %parallel_loop3A_433 : i32 to vector<16xi32>
        %parallel_loop3A_435 = arith.addi %add3A_17, %parallel_loop3A_434 : vector<16xi32>
        %parallel_loop3A_436 = arith.select %parallel_loop3A_432, %parallel_loop3A_435, %add3A_17 : vector<16xi1>, vector<16xi32>
        %parallel_loop3A_437 = vector.shape_cast %parallel_loop3A_436 : vector<16xi32> to vector<16x1xi32>
        %parallel_loop3A_438 = vector.shape_cast %parallel_loop3A_437 : vector<16x1xi32> to vector<16xi32>
        %parallel_loop3A_439 = tpu.dynamic_gather %parallel_loop3A_419[%parallel_loop3A_438] in [0] : vector<16xf32>, vector<16xi32> -> vector<16xf32>
        %parallel_loop3A_440 = arith.index_cast %parallel_loop3A_264 : i32 to index
        %parallel_loop3A_441 = arith.constant 32 : index
        %parallel_loop3A_442 = tpu.vector_load %arg15[%parallel_loop3A_440, %parallel_loop3A_441] {strides = array<i32>} : memref<128x64xbf16, #tpu.memory_space<vmem>>, vector<32xbf16>,
        %parallel_loop3A_443 = tpu.unpack_subelements %parallel_loop3A_442, 0 {pack_format = #tpu.pack_format<interleaved>} : vector<32xbf16> -> vector<16xf32>
        %parallel_loop3A_444 = tpu.unpack_subelements %parallel_loop3A_442, 1 {pack_format = #tpu.pack_format<interleaved>} : vector<32xbf16> -> vector<16xf32>
        %parallel_loop3A_445 = arith.mulf %parallel_loop3A_443, %parallel_loop3A_419 : vector<16xf32>
        %parallel_loop3A_446 = arith.index_cast %parallel_loop3A_264 : i32 to index
        %parallel_loop3A_447 = arith.constant 32 : index
        %parallel_loop3A_448 = tpu.vector_load %arg17[%parallel_loop3A_446, %parallel_loop3A_447] {strides = array<i32>} : memref<128x80xf32, #tpu.memory_space<vmem>>, vector<16xf32>,
        tpu.vector_store %arg17[%parallel_loop3A_446, %parallel_loop3A_447], %parallel_loop3A_445 {strides = array<i32>} : memref<128x80xf32, #tpu.memory_space<vmem>>, vector<16xf32>,
        %parallel_loop3A_449 = arith.mulf %parallel_loop3A_444, %parallel_loop3A_419 : vector<16xf32>
        %parallel_loop3A_450 = arith.index_cast %parallel_loop3A_264 : i32 to index
        %parallel_loop3A_451 = arith.constant 48 : index
        %parallel_loop3A_452 = tpu.vector_load %arg17[%parallel_loop3A_450, %parallel_loop3A_451] {strides = array<i32>} : memref<128x80xf32, #tpu.memory_space<vmem>>, vector<16xf32>,
        tpu.vector_store %arg17[%parallel_loop3A_450, %parallel_loop3A_451], %parallel_loop3A_449 {strides = array<i32>} : memref<128x80xf32, #tpu.memory_space<vmem>>, vector<16xf32>,
        %parallel_loop3A_453 = arith.constant 2 : i32
        %parallel_loop3A_454 = vector.broadcast %parallel_loop3A_453 : i32 to vector<16xi32>
        %parallel_loop3A_455 = arith.cmpi eq, %iota3A, %parallel_loop3A_454 : vector<16xi32>
        %parallel_loop3A_456 = arith.select %parallel_loop3A_455, %parallel_loop3A_429, %parallel_loop3A_363 : vector<16xi1>, vector<16xf32>
        %parallel_loop3A_457 = arith.constant 3 : i32
        %parallel_loop3A_458 = vector.broadcast %parallel_loop3A_457 : i32 to vector<16xi32>
        %parallel_loop3A_459 = arith.cmpi eq, %iota3A, %parallel_loop3A_458 : vector<16xi32>
        %parallel_loop3A_460 = arith.select %parallel_loop3A_459, %parallel_loop3A_439, %parallel_loop3A_456 : vector<16xi1>, vector<16xf32>
        %parallel_loop3A_461 = arith.index_cast %parallel_loop3A_264 : i32 to index
        %parallel_loop3A_462 = arith.constant 64 : index
        %parallel_loop3A_463 = tpu.vector_load %arg17[%parallel_loop3A_461, %parallel_loop3A_462] {strides = array<i32>} : memref<128x80xf32, #tpu.memory_space<vmem>>, vector<16xf32>,
        tpu.vector_store %arg17[%parallel_loop3A_461, %parallel_loop3A_462], %parallel_loop3A_460 {strides = array<i32>} : memref<128x80xf32, #tpu.memory_space<vmem>>, vector<16xf32>,
      } {sc.loop_unroll_factor = 8 : i64, sc.parallel_access}
      %dma_start3A_180 = arith.constant 0 : i32
      %dma_start3A_181 = tpu.memref_slice %arg10[%mul3A_107, %dma_start3A_180] : memref<160x128xi32, #tpu.memory_space<vmem>> -> memref<1x128xi32, #tpu.memory_space<vmem>>
      %dma_start3A_182 = tpu.memref_squeeze %dma_start3A_181 : memref<1x128xi32, #tpu.memory_space<vmem>> -> memref<128xi32, #tpu.memory_space<vmem>>
      %dma_start3A_183 = arith.constant 0 : i32
      %dma_start3A_184 = arith.constant 0 : i32
      %dma_start3A_185 = tpu.memref_slice %arg18[%dma_start3A_183, %dma_start3A_184] : memref<10240x80xf32, #tpu.memory_space<vmem_shared>> -> memref<10240x80xf32, #tpu.memory_space<vmem_shared>>
      tpu.enqueue_indirect_dma source(%arg17 : memref<128x80xf32, #tpu.memory_space<vmem>>) target(%dma_start3A_185 : memref<10240x80xf32, #tpu.memory_space<vmem_shared>>) offsets(%dma_start3A_182 : memref<128xi32, #tpu.memory_space<vmem>>) semaphore(%arg21 : memref<!tpu.dma_semaphore, #tpu.memory_space<semaphore_mem>>) {add = true}
      %add3A_186 = arith.constant 2 : i32
      %add3A_187 = arith.addi %mul3A_107, %add3A_186 : i32
      %rem3A = arith.constant 160 : i32
      %rem3A_188 = arith.remsi %add3A_187, %rem3A : i32
      %dma_start3A_189 = arith.constant 0 : i32
      %dma_start3A_190 = tpu.memref_slice %arg9[%rem3A_188, %dma_start3A_189] : memref<160x128xi32, #tpu.memory_space<vmem>> -> memref<1x128xi32, #tpu.memory_space<vmem>>
      %dma_start3A_191 = tpu.memref_squeeze %dma_start3A_190 : memref<1x128xi32, #tpu.memory_space<vmem>> -> memref<128xi32, #tpu.memory_space<vmem>>
      %dma_start3A_192 = arith.constant 0 : i32
      %dma_start3A_193 = arith.constant 0 : i32
      %dma_start3A_194 = tpu.memref_slice %arg2[%arg0, %dma_start3A_192, %dma_start3A_193] : memref<2x10240x64xbf16, #tpu.memory_space<hbm>> -> memref<1x10240x64xbf16, #tpu.memory_space<hbm>>
      %dma_start3A_195 = tpu.memref_squeeze %dma_start3A_194 : memref<1x10240x64xbf16, #tpu.memory_space<hbm>> -> memref<10240x64xbf16, #tpu.memory_space<hbm>>
      %dma_start3A_196 = arith.constant 0 : i32
      %dma_start3A_197 = arith.constant 0 : i32
      %dma_start3A_198 = tpu.memref_slice %dma_start3A_195[%dma_start3A_196, %dma_start3A_197] : memref<10240x64xbf16, #tpu.memory_space<hbm>> -> memref<10240x64xbf16, #tpu.memory_space<hbm>>
      tpu.enqueue_indirect_dma source(%dma_start3A_198 : memref<10240x64xbf16, #tpu.memory_space<hbm>>) target(%arg11 : memref<128x64xbf16, #tpu.memory_space<vmem>>) offsets(%dma_start3A_191 : memref<128xi32, #tpu.memory_space<vmem>>) semaphore(%arg19 : memref<!tpu.dma_semaphore, #tpu.memory_space<semaphore_mem>>)
      %dma_start3A_199 = arith.constant 0 : i32
      %dma_start3A_200 = tpu.memref_slice %arg10[%rem3A_188, %dma_start3A_199] : memref<160x128xi32, #tpu.memory_space<vmem>> -> memref<1x128xi32, #tpu.memory_space<vmem>>
      %dma_start3A_201 = tpu.memref_squeeze %dma_start3A_200 : memref<1x128xi32, #tpu.memory_space<vmem>> -> memref<128xi32, #tpu.memory_space<vmem>>
      %dma_start3A_202 = arith.constant 0 : i32
      %dma_start3A_203 = arith.constant 0 : i32
      %dma_start3A_204 = tpu.memref_slice %arg3[%arg0, %dma_start3A_202, %dma_start3A_203] : memref<2x10240x64xbf16, #tpu.memory_space<hbm>> -> memref<1x10240x64xbf16, #tpu.memory_space<hbm>>
      %dma_start3A_205 = tpu.memref_squeeze %dma_start3A_204 : memref<1x10240x64xbf16, #tpu.memory_space<hbm>> -> memref<10240x64xbf16, #tpu.memory_space<hbm>>
      %dma_start3A_206 = arith.constant 0 : i32
      %dma_start3A_207 = arith.constant 0 : i32
      %dma_start3A_208 = tpu.memref_slice %dma_start3A_205[%dma_start3A_206, %dma_start3A_207] : memref<10240x64xbf16, #tpu.memory_space<hbm>> -> memref<10240x64xbf16, #tpu.memory_space<hbm>>
      tpu.enqueue_indirect_dma source(%dma_start3A_208 : memref<10240x64xbf16, #tpu.memory_space<hbm>>) target(%arg13 : memref<128x64xbf16, #tpu.memory_space<vmem>>) offsets(%dma_start3A_201 : memref<128xi32, #tpu.memory_space<vmem>>) semaphore(%arg19 : memref<!tpu.dma_semaphore, #tpu.memory_space<semaphore_mem>>)
      %dma_start3A_209 = arith.constant 0 : i32
      %dma_start3A_210 = tpu.memref_slice %arg9[%rem3A_188, %dma_start3A_209] : memref<160x128xi32, #tpu.memory_space<vmem>> -> memref<1x128xi32, #tpu.memory_space<vmem>>
      %dma_start3A_211 = tpu.memref_squeeze %dma_start3A_210 : memref<1x128xi32, #tpu.memory_space<vmem>> -> memref<128xi32, #tpu.memory_space<vmem>>
      %dma_start3A_212 = arith.constant 0 : i32
      %dma_start3A_213 = arith.constant 0 : i32
      %dma_start3A_214 = tpu.memref_slice %arg4[%arg0, %dma_start3A_212, %dma_start3A_213] : memref<2x10240x64xbf16, #tpu.memory_space<hbm>> -> memref<1x10240x64xbf16, #tpu.memory_space<hbm>>
      %dma_start3A_215 = tpu.memref_squeeze %dma_start3A_214 : memref<1x10240x64xbf16, #tpu.memory_space<hbm>> -> memref<10240x64xbf16, #tpu.memory_space<hbm>>
      %dma_start3A_216 = arith.constant 0 : i32
      %dma_start3A_217 = arith.constant 0 : i32
      %dma_start3A_218 = tpu.memref_slice %dma_start3A_215[%dma_start3A_216, %dma_start3A_217] : memref<10240x64xbf16, #tpu.memory_space<hbm>> -> memref<10240x64xbf16, #tpu.memory_space<hbm>>
      tpu.enqueue_indirect_dma source(%dma_start3A_218 : memref<10240x64xbf16, #tpu.memory_space<hbm>>) target(%arg15 : memref<128x64xbf16, #tpu.memory_space<vmem>>) offsets(%dma_start3A_211 : memref<128xi32, #tpu.memory_space<vmem>>) semaphore(%arg19 : memref<!tpu.dma_semaphore, #tpu.memory_space<semaphore_mem>>)
      %dma_wait3A_219 = arith.constant 0 : i32
      %dma_wait3A_220 = tpu.memref_slice %arg10[%add3A_111, %dma_wait3A_219] : memref<160x128xi32, #tpu.memory_space<vmem>> -> memref<1x128xi32, #tpu.memory_space<vmem>>
      %dma_wait3A_221 = tpu.memref_squeeze %dma_wait3A_220 : memref<1x128xi32, #tpu.memory_space<vmem>> -> memref<128xi32, #tpu.memory_space<vmem>>
      %dma_wait3A_222 = arith.constant 0 : i32
      %dma_wait3A_223 = arith.constant 0 : i32
      %dma_wait3A_224 = tpu.memref_slice %arg18[%dma_wait3A_222, %dma_wait3A_223] : memref<10240x80xf32, #tpu.memory_space<vmem_shared>> -> memref<10240x80xf32, #tpu.memory_space<vmem_shared>>
      tpu.wait_indirect_dma semaphore(%arg21 : memref<!tpu.dma_semaphore, #tpu.memory_space<semaphore_mem>>) src(%arg17 : memref<128x80xf32, #tpu.memory_space<vmem>>) dst(%dma_wait3A_224 : memref<10240x80xf32, #tpu.memory_space<vmem_shared>>)
      %dma_wait3A_225 = arith.constant 0 : i32
      %dma_wait3A_226 = tpu.memref_slice %arg9[%add3A_111, %dma_wait3A_225] : memref<160x128xi32, #tpu.memory_space<vmem>> -> memref<1x128xi32, #tpu.memory_space<vmem>>
      %dma_wait3A_227 = tpu.memref_squeeze %dma_wait3A_226 : memref<1x128xi32, #tpu.memory_space<vmem>> -> memref<128xi32, #tpu.memory_space<vmem>>
      %dma_wait3A_228 = arith.constant 0 : i32
      %dma_wait3A_229 = arith.constant 0 : i32
      %dma_wait3A_230 = tpu.memref_slice %arg2[%arg0, %dma_wait3A_228, %dma_wait3A_229] : memref<2x10240x64xbf16, #tpu.memory_space<hbm>> -> memref<1x10240x64xbf16, #tpu.memory_space<hbm>>
      %dma_wait3A_231 = tpu.memref_squeeze %dma_wait3A_230 : memref<1x10240x64xbf16, #tpu.memory_space<hbm>> -> memref<10240x64xbf16, #tpu.memory_space<hbm>>
      %dma_wait3A_232 = arith.constant 0 : i32
      %dma_wait3A_233 = arith.constant 0 : i32
      %dma_wait3A_234 = tpu.memref_slice %dma_wait3A_231[%dma_wait3A_232, %dma_wait3A_233] : memref<10240x64xbf16, #tpu.memory_space<hbm>> -> memref<10240x64xbf16, #tpu.memory_space<hbm>>
      tpu.wait_indirect_dma semaphore(%arg20 : memref<!tpu.dma_semaphore, #tpu.memory_space<semaphore_mem>>) src(%dma_wait3A_234 : memref<10240x64xbf16, #tpu.memory_space<hbm>>) dst(%arg12 : memref<128x64xbf16, #tpu.memory_space<vmem>>)
      %dma_wait3A_235 = arith.constant 0 : i32
      %dma_wait3A_236 = tpu.memref_slice %arg10[%add3A_111, %dma_wait3A_235] : memref<160x128xi32, #tpu.memory_space<vmem>> -> memref<1x128xi32, #tpu.memory_space<vmem>>
      %dma_wait3A_237 = tpu.memref_squeeze %dma_wait3A_236 : memref<1x128xi32, #tpu.memory_space<vmem>> -> memref<128xi32, #tpu.memory_space<vmem>>
      %dma_wait3A_238 = arith.constant 0 : i32
      %dma_wait3A_239 = arith.constant 0 : i32
      %dma_wait3A_240 = tpu.memref_slice %arg3[%arg0, %dma_wait3A_238, %dma_wait3A_239] : memref<2x10240x64xbf16, #tpu.memory_space<hbm>> -> memref<1x10240x64xbf16, #tpu.memory_space<hbm>>
      %dma_wait3A_241 = tpu.memref_squeeze %dma_wait3A_240 : memref<1x10240x64xbf16, #tpu.memory_space<hbm>> -> memref<10240x64xbf16, #tpu.memory_space<hbm>>
      %dma_wait3A_242 = arith.constant 0 : i32
      %dma_wait3A_243 = arith.constant 0 : i32
      %dma_wait3A_244 = tpu.memref_slice %dma_wait3A_241[%dma_wait3A_242, %dma_wait3A_243] : memref<10240x64xbf16, #tpu.memory_space<hbm>> -> memref<10240x64xbf16, #tpu.memory_space<hbm>>
      tpu.wait_indirect_dma semaphore(%arg20 : memref<!tpu.dma_semaphore, #tpu.memory_space<semaphore_mem>>) src(%dma_wait3A_244 : memref<10240x64xbf16, #tpu.memory_space<hbm>>) dst(%arg14 : memref<128x64xbf16, #tpu.memory_space<vmem>>)
      %dma_wait3A_245 = arith.constant 0 : i32
      %dma_wait3A_246 = tpu.memref_slice %arg9[%add3A_111, %dma_wait3A_245] : memref<160x128xi32, #tpu.memory_space<vmem>> -> memref<1x128xi32, #tpu.memory_space<vmem>>
      %dma_wait3A_247 = tpu.memref_squeeze %dma_wait3A_246 : memref<1x128xi32, #tpu.memory_space<vmem>> -> memref<128xi32, #tpu.memory_space<vmem>>
      %dma_wait3A_248 = arith.constant 0 : i32
      %dma_wait3A_249 = arith.constant 0 : i32
      %dma_wait3A_250 = tpu.memref_slice %arg4[%arg0, %dma_wait3A_248, %dma_wait3A_249] : memref<2x10240x64xbf16, #tpu.memory_space<hbm>> -> memref<1x10240x64xbf16, #tpu.memory_space<hbm>>
      %dma_wait3A_251 = tpu.memref_squeeze %dma_wait3A_250 : memref<1x10240x64xbf16, #tpu.memory_space<hbm>> -> memref<10240x64xbf16, #tpu.memory_space<hbm>>
      %dma_wait3A_252 = arith.constant 0 : i32
      %dma_wait3A_253 = arith.constant 0 : i32
      %dma_wait3A_254 = tpu.memref_slice %dma_wait3A_251[%dma_wait3A_252, %dma_wait3A_253] : memref<10240x64xbf16, #tpu.memory_space<hbm>> -> memref<10240x64xbf16, #tpu.memory_space<hbm>>
      tpu.wait_indirect_dma semaphore(%arg20 : memref<!tpu.dma_semaphore, #tpu.memory_space<semaphore_mem>>) src(%dma_wait3A_254 : memref<10240x64xbf16, #tpu.memory_space<hbm>>) dst(%arg16 : memref<128x64xbf16, #tpu.memory_space<vmem>>)
      %parallel_loop3A_255 = arith.constant 0 : i32
      %parallel_loop3A_256 = arith.constant 128 : i32
      %parallel_loop3A_257 = arith.constant 1 : i32
      scf.for %parallel_loop3A_264 = %parallel_loop3A_255 to %parallel_loop3A_256 step %parallel_loop3A_257  : i32 {
        %parallel_loop3A_265 = arith.constant 0.000000e+00 : f32
        %parallel_loop3A_266 = vector.broadcast %parallel_loop3A_265 : f32 to vector<16xf32>
        %parallel_loop3A_267 = arith.index_cast %parallel_loop3A_264 : i32 to index
        %parallel_loop3A_268 = arith.constant 0 : index
        %parallel_loop3A_269 = tpu.vector_load %arg12[%parallel_loop3A_267, %parallel_loop3A_268] {strides = array<i32>} : memref<128x64xbf16, #tpu.memory_space<vmem>>, vector<32xbf16>,
        %parallel_loop3A_270 = arith.index_cast %parallel_loop3A_264 : i32 to index
        %parallel_loop3A_271 = arith.constant 0 : index
        %parallel_loop3A_272 = tpu.vector_load %arg14[%parallel_loop3A_270, %parallel_loop3A_271] {strides = array<i32>} : memref<128x64xbf16, #tpu.memory_space<vmem>>, vector<32xbf16>,
        %parallel_loop3A_273 = tpu.unpack_subelements %parallel_loop3A_269, 0 {pack_format = #tpu.pack_format<interleaved>} : vector<32xbf16> -> vector<16xf32>
        %parallel_loop3A_274 = tpu.unpack_subelements %parallel_loop3A_269, 1 {pack_format = #tpu.pack_format<interleaved>} : vector<32xbf16> -> vector<16xf32>
        %parallel_loop3A_275 = tpu.unpack_subelements %parallel_loop3A_272, 0 {pack_format = #tpu.pack_format<interleaved>} : vector<32xbf16> -> vector<16xf32>
        %parallel_loop3A_276 = tpu.unpack_subelements %parallel_loop3A_272, 1 {pack_format = #tpu.pack_format<interleaved>} : vector<32xbf16> -> vector<16xf32>
        %parallel_loop3A_277 = arith.mulf %parallel_loop3A_273, %parallel_loop3A_275 : vector<16xf32>
        %parallel_loop3A_278 = arith.mulf %parallel_loop3A_274, %parallel_loop3A_276 : vector<16xf32>
        %parallel_loop3A_279 = arith.addf %parallel_loop3A_277, %parallel_loop3A_278 : vector<16xf32>
        %parallel_loop3A_280 = arith.constant 0 : i32
        %parallel_loop3A_281 = vector.broadcast %parallel_loop3A_280 : i32 to vector<16xi32>
        %parallel_loop3A_282 = arith.cmpi slt, %xor3A_6, %parallel_loop3A_281 : vector<16xi32>
        %parallel_loop3A_283 = arith.constant 16 : i32
        %parallel_loop3A_284 = vector.broadcast %parallel_loop3A_283 : i32 to vector<16xi32>
        %parallel_loop3A_285 = arith.addi %xor3A_6, %parallel_loop3A_284 : vector<16xi32>
        %parallel_loop3A_286 = arith.select %parallel_loop3A_282, %parallel_loop3A_285, %xor3A_6 : vector<16xi1>, vector<16xi32>
        %parallel_loop3A_287 = vector.shape_cast %parallel_loop3A_286 : vector<16xi32> to vector<16x1xi32>
        %parallel_loop3A_288 = vector.shape_cast %parallel_loop3A_287 : vector<16x1xi32> to vector<16xi32>
        %parallel_loop3A_289 = tpu.dynamic_gather %parallel_loop3A_279[%parallel_loop3A_288] in [0] : vector<16xf32>, vector<16xi32> -> vector<16xf32>
        %parallel_loop3A_290 = arith.addf %parallel_loop3A_279, %parallel_loop3A_289 : vector<16xf32>
        %parallel_loop3A_291 = arith.constant 0 : i32
        %parallel_loop3A_292 = vector.broadcast %parallel_loop3A_291 : i32 to vector<16xi32>
        %parallel_loop3A_293 = arith.cmpi slt, %xor3A_9, %parallel_loop3A_292 : vector<16xi32>
        %parallel_loop3A_294 = arith.constant 16 : i32
        %parallel_loop3A_295 = vector.broadcast %parallel_loop3A_294 : i32 to vector<16xi32>
        %parallel_loop3A_296 = arith.addi %xor3A_9, %parallel_loop3A_295 : vector<16xi32>
        %parallel_loop3A_297 = arith.select %parallel_loop3A_293, %parallel_loop3A_296, %xor3A_9 : vector<16xi1>, vector<16xi32>
        %parallel_loop3A_298 = vector.shape_cast %parallel_loop3A_297 : vector<16xi32> to vector<16x1xi32>
        %parallel_loop3A_299 = vector.shape_cast %parallel_loop3A_298 : vector<16x1xi32> to vector<16xi32>
        %parallel_loop3A_300 = tpu.dynamic_gather %parallel_loop3A_290[%parallel_loop3A_299] in [0] : vector<16xf32>, vector<16xi32> -> vector<16xf32>
        %parallel_loop3A_301 = arith.addf %parallel_loop3A_290, %parallel_loop3A_300 : vector<16xf32>
        %parallel_loop3A_302 = arith.constant 0 : i32
        %parallel_loop3A_303 = vector.broadcast %parallel_loop3A_302 : i32 to vector<16xi32>
        %parallel_loop3A_304 = arith.cmpi slt, %xor3A_12, %parallel_loop3A_303 : vector<16xi32>
        %parallel_loop3A_305 = arith.constant 16 : i32
        %parallel_loop3A_306 = vector.broadcast %parallel_loop3A_305 : i32 to vector<16xi32>
        %parallel_loop3A_307 = arith.addi %xor3A_12, %parallel_loop3A_306 : vector<16xi32>
        %parallel_loop3A_308 = arith.select %parallel_loop3A_304, %parallel_loop3A_307, %xor3A_12 : vector<16xi1>, vector<16xi32>
        %parallel_loop3A_309 = vector.shape_cast %parallel_loop3A_308 : vector<16xi32> to vector<16x1xi32>
        %parallel_loop3A_310 = vector.shape_cast %parallel_loop3A_309 : vector<16x1xi32> to vector<16xi32>
        %parallel_loop3A_311 = tpu.dynamic_gather %parallel_loop3A_301[%parallel_loop3A_310] in [0] : vector<16xf32>, vector<16xi32> -> vector<16xf32>
        %parallel_loop3A_312 = arith.addf %parallel_loop3A_301, %parallel_loop3A_311 : vector<16xf32>
        %parallel_loop3A_313 = arith.constant 2.500000e-01 : f32
        %parallel_loop3A_314 = vector.broadcast %parallel_loop3A_313 : f32 to vector<16xf32>
        %parallel_loop3A_315 = arith.mulf %parallel_loop3A_312, %parallel_loop3A_314 : vector<16xf32>
        %parallel_loop3A_316 = arith.constant -5.000000e+00 : f32
        %parallel_loop3A_317 = arith.constant 5.000000e+00 : f32
        %parallel_loop3A_318 = vector.broadcast %parallel_loop3A_316 : f32 to vector<16xf32>
        %parallel_loop3A_319 = arith.maximumf %parallel_loop3A_318, %parallel_loop3A_315 : vector<16xf32>
        %parallel_loop3A_320 = vector.broadcast %parallel_loop3A_317 : f32 to vector<16xf32>
        %parallel_loop3A_321 = arith.minimumf %parallel_loop3A_320, %parallel_loop3A_319 : vector<16xf32>
        %parallel_loop3A_322 = math.exp %parallel_loop3A_321 : vector<16xf32>
        %parallel_loop3A_323 = arith.constant 0 : i32
        %parallel_loop3A_324 = vector.broadcast %parallel_loop3A_323 : i32 to vector<16xi32>
        %parallel_loop3A_325 = arith.cmpi slt, %mul3A_15, %parallel_loop3A_324 : vector<16xi32>
        %parallel_loop3A_326 = arith.constant 16 : i32
        %parallel_loop3A_327 = vector.broadcast %parallel_loop3A_326 : i32 to vector<16xi32>
        %parallel_loop3A_328 = arith.addi %mul3A_15, %parallel_loop3A_327 : vector<16xi32>
        %parallel_loop3A_329 = arith.select %parallel_loop3A_325, %parallel_loop3A_328, %mul3A_15 : vector<16xi1>, vector<16xi32>
        %parallel_loop3A_330 = vector.shape_cast %parallel_loop3A_329 : vector<16xi32> to vector<16x1xi32>
        %parallel_loop3A_331 = vector.shape_cast %parallel_loop3A_330 : vector<16x1xi32> to vector<16xi32>
        %parallel_loop3A_332 = tpu.dynamic_gather %parallel_loop3A_322[%parallel_loop3A_331] in [0] : vector<16xf32>, vector<16xi32> -> vector<16xf32>
        %parallel_loop3A_333 = arith.constant 0 : i32
        %parallel_loop3A_334 = vector.broadcast %parallel_loop3A_333 : i32 to vector<16xi32>
        %parallel_loop3A_335 = arith.cmpi slt, %add3A_17, %parallel_loop3A_334 : vector<16xi32>
        %parallel_loop3A_336 = arith.constant 16 : i32
        %parallel_loop3A_337 = vector.broadcast %parallel_loop3A_336 : i32 to vector<16xi32>
        %parallel_loop3A_338 = arith.addi %add3A_17, %parallel_loop3A_337 : vector<16xi32>
        %parallel_loop3A_339 = arith.select %parallel_loop3A_335, %parallel_loop3A_338, %add3A_17 : vector<16xi1>, vector<16xi32>
        %parallel_loop3A_340 = vector.shape_cast %parallel_loop3A_339 : vector<16xi32> to vector<16x1xi32>
        %parallel_loop3A_341 = vector.shape_cast %parallel_loop3A_340 : vector<16x1xi32> to vector<16xi32>
        %parallel_loop3A_342 = tpu.dynamic_gather %parallel_loop3A_322[%parallel_loop3A_341] in [0] : vector<16xf32>, vector<16xi32> -> vector<16xf32>
        %parallel_loop3A_343 = arith.index_cast %parallel_loop3A_264 : i32 to index
        %parallel_loop3A_344 = arith.constant 0 : index
        %parallel_loop3A_345 = tpu.vector_load %arg16[%parallel_loop3A_343, %parallel_loop3A_344] {strides = array<i32>} : memref<128x64xbf16, #tpu.memory_space<vmem>>, vector<32xbf16>,
        %parallel_loop3A_346 = tpu.unpack_subelements %parallel_loop3A_345, 0 {pack_format = #tpu.pack_format<interleaved>} : vector<32xbf16> -> vector<16xf32>
        %parallel_loop3A_347 = tpu.unpack_subelements %parallel_loop3A_345, 1 {pack_format = #tpu.pack_format<interleaved>} : vector<32xbf16> -> vector<16xf32>
        %parallel_loop3A_348 = arith.mulf %parallel_loop3A_346, %parallel_loop3A_322 : vector<16xf32>
        %parallel_loop3A_349 = arith.index_cast %parallel_loop3A_264 : i32 to index
        %parallel_loop3A_350 = arith.constant 0 : index
        %parallel_loop3A_351 = tpu.vector_load %arg17[%parallel_loop3A_349, %parallel_loop3A_350] {strides = array<i32>} : memref<128x80xf32, #tpu.memory_space<vmem>>, vector<16xf32>,
        tpu.vector_store %arg17[%parallel_loop3A_349, %parallel_loop3A_350], %parallel_loop3A_348 {strides = array<i32>} : memref<128x80xf32, #tpu.memory_space<vmem>>, vector<16xf32>,
        %parallel_loop3A_352 = arith.mulf %parallel_loop3A_347, %parallel_loop3A_322 : vector<16xf32>
        %parallel_loop3A_353 = arith.index_cast %parallel_loop3A_264 : i32 to index
        %parallel_loop3A_354 = arith.constant 16 : index
        %parallel_loop3A_355 = tpu.vector_load %arg17[%parallel_loop3A_353, %parallel_loop3A_354] {strides = array<i32>} : memref<128x80xf32, #tpu.memory_space<vmem>>, vector<16xf32>,
        tpu.vector_store %arg17[%parallel_loop3A_353, %parallel_loop3A_354], %parallel_loop3A_352 {strides = array<i32>} : memref<128x80xf32, #tpu.memory_space<vmem>>, vector<16xf32>,
        %parallel_loop3A_356 = arith.constant 0 : i32
        %parallel_loop3A_357 = vector.broadcast %parallel_loop3A_356 : i32 to vector<16xi32>
        %parallel_loop3A_358 = arith.cmpi eq, %iota3A, %parallel_loop3A_357 : vector<16xi32>
        %parallel_loop3A_359 = arith.select %parallel_loop3A_358, %parallel_loop3A_332, %parallel_loop3A_266 : vector<16xi1>, vector<16xf32>
        %parallel_loop3A_360 = arith.constant 1 : i32
        %parallel_loop3A_361 = vector.broadcast %parallel_loop3A_360 : i32 to vector<16xi32>
        %parallel_loop3A_362 = arith.cmpi eq, %iota3A, %parallel_loop3A_361 : vector<16xi32>
        %parallel_loop3A_363 = arith.select %parallel_loop3A_362, %parallel_loop3A_342, %parallel_loop3A_359 : vector<16xi1>, vector<16xf32>
        %parallel_loop3A_364 = arith.index_cast %parallel_loop3A_264 : i32 to index
        %parallel_loop3A_365 = arith.constant 32 : index
        %parallel_loop3A_366 = tpu.vector_load %arg12[%parallel_loop3A_364, %parallel_loop3A_365] {strides = array<i32>} : memref<128x64xbf16, #tpu.memory_space<vmem>>, vector<32xbf16>,
        %parallel_loop3A_367 = arith.index_cast %parallel_loop3A_264 : i32 to index
        %parallel_loop3A_368 = arith.constant 32 : index
        %parallel_loop3A_369 = tpu.vector_load %arg14[%parallel_loop3A_367, %parallel_loop3A_368] {strides = array<i32>} : memref<128x64xbf16, #tpu.memory_space<vmem>>, vector<32xbf16>,
        %parallel_loop3A_370 = tpu.unpack_subelements %parallel_loop3A_366, 0 {pack_format = #tpu.pack_format<interleaved>} : vector<32xbf16> -> vector<16xf32>
        %parallel_loop3A_371 = tpu.unpack_subelements %parallel_loop3A_366, 1 {pack_format = #tpu.pack_format<interleaved>} : vector<32xbf16> -> vector<16xf32>
        %parallel_loop3A_372 = tpu.unpack_subelements %parallel_loop3A_369, 0 {pack_format = #tpu.pack_format<interleaved>} : vector<32xbf16> -> vector<16xf32>
        %parallel_loop3A_373 = tpu.unpack_subelements %parallel_loop3A_369, 1 {pack_format = #tpu.pack_format<interleaved>} : vector<32xbf16> -> vector<16xf32>
        %parallel_loop3A_374 = arith.mulf %parallel_loop3A_370, %parallel_loop3A_372 : vector<16xf32>
        %parallel_loop3A_375 = arith.mulf %parallel_loop3A_371, %parallel_loop3A_373 : vector<16xf32>
        %parallel_loop3A_376 = arith.addf %parallel_loop3A_374, %parallel_loop3A_375 : vector<16xf32>
        %parallel_loop3A_377 = arith.constant 0 : i32
        %parallel_loop3A_378 = vector.broadcast %parallel_loop3A_377 : i32 to vector<16xi32>
        %parallel_loop3A_379 = arith.cmpi slt, %xor3A_6, %parallel_loop3A_378 : vector<16xi32>
        %parallel_loop3A_380 = arith.constant 16 : i32
        %parallel_loop3A_381 = vector.broadcast %parallel_loop3A_380 : i32 to vector<16xi32>
        %parallel_loop3A_382 = arith.addi %xor3A_6, %parallel_loop3A_381 : vector<16xi32>
        %parallel_loop3A_383 = arith.select %parallel_loop3A_379, %parallel_loop3A_382, %xor3A_6 : vector<16xi1>, vector<16xi32>
        %parallel_loop3A_384 = vector.shape_cast %parallel_loop3A_383 : vector<16xi32> to vector<16x1xi32>
        %parallel_loop3A_385 = vector.shape_cast %parallel_loop3A_384 : vector<16x1xi32> to vector<16xi32>
        %parallel_loop3A_386 = tpu.dynamic_gather %parallel_loop3A_376[%parallel_loop3A_385] in [0] : vector<16xf32>, vector<16xi32> -> vector<16xf32>
        %parallel_loop3A_387 = arith.addf %parallel_loop3A_376, %parallel_loop3A_386 : vector<16xf32>
        %parallel_loop3A_388 = arith.constant 0 : i32
        %parallel_loop3A_389 = vector.broadcast %parallel_loop3A_388 : i32 to vector<16xi32>
        %parallel_loop3A_390 = arith.cmpi slt, %xor3A_9, %parallel_loop3A_389 : vector<16xi32>
        %parallel_loop3A_391 = arith.constant 16 : i32
        %parallel_loop3A_392 = vector.broadcast %parallel_loop3A_391 : i32 to vector<16xi32>
        %parallel_loop3A_393 = arith.addi %xor3A_9, %parallel_loop3A_392 : vector<16xi32>
        %parallel_loop3A_394 = arith.select %parallel_loop3A_390, %parallel_loop3A_393, %xor3A_9 : vector<16xi1>, vector<16xi32>
        %parallel_loop3A_395 = vector.shape_cast %parallel_loop3A_394 : vector<16xi32> to vector<16x1xi32>
        %parallel_loop3A_396 = vector.shape_cast %parallel_loop3A_395 : vector<16x1xi32> to vector<16xi32>
        %parallel_loop3A_397 = tpu.dynamic_gather %parallel_loop3A_387[%parallel_loop3A_396] in [0] : vector<16xf32>, vector<16xi32> -> vector<16xf32>
        %parallel_loop3A_398 = arith.addf %parallel_loop3A_387, %parallel_loop3A_397 : vector<16xf32>
        %parallel_loop3A_399 = arith.constant 0 : i32
        %parallel_loop3A_400 = vector.broadcast %parallel_loop3A_399 : i32 to vector<16xi32>
        %parallel_loop3A_401 = arith.cmpi slt, %xor3A_12, %parallel_loop3A_400 : vector<16xi32>
        %parallel_loop3A_402 = arith.constant 16 : i32
        %parallel_loop3A_403 = vector.broadcast %parallel_loop3A_402 : i32 to vector<16xi32>
        %parallel_loop3A_404 = arith.addi %xor3A_12, %parallel_loop3A_403 : vector<16xi32>
        %parallel_loop3A_405 = arith.select %parallel_loop3A_401, %parallel_loop3A_404, %xor3A_12 : vector<16xi1>, vector<16xi32>
        %parallel_loop3A_406 = vector.shape_cast %parallel_loop3A_405 : vector<16xi32> to vector<16x1xi32>
        %parallel_loop3A_407 = vector.shape_cast %parallel_loop3A_406 : vector<16x1xi32> to vector<16xi32>
        %parallel_loop3A_408 = tpu.dynamic_gather %parallel_loop3A_398[%parallel_loop3A_407] in [0] : vector<16xf32>, vector<16xi32> -> vector<16xf32>
        %parallel_loop3A_409 = arith.addf %parallel_loop3A_398, %parallel_loop3A_408 : vector<16xf32>
        %parallel_loop3A_410 = arith.constant 2.500000e-01 : f32
        %parallel_loop3A_411 = vector.broadcast %parallel_loop3A_410 : f32 to vector<16xf32>
        %parallel_loop3A_412 = arith.mulf %parallel_loop3A_409, %parallel_loop3A_411 : vector<16xf32>
        %parallel_loop3A_413 = arith.constant -5.000000e+00 : f32
        %parallel_loop3A_414 = arith.constant 5.000000e+00 : f32
        %parallel_loop3A_415 = vector.broadcast %parallel_loop3A_413 : f32 to vector<16xf32>
        %parallel_loop3A_416 = arith.maximumf %parallel_loop3A_415, %parallel_loop3A_412 : vector<16xf32>
        %parallel_loop3A_417 = vector.broadcast %parallel_loop3A_414 : f32 to vector<16xf32>
        %parallel_loop3A_418 = arith.minimumf %parallel_loop3A_417, %parallel_loop3A_416 : vector<16xf32>
        %parallel_loop3A_419 = math.exp %parallel_loop3A_418 : vector<16xf32>
        %parallel_loop3A_420 = arith.constant 0 : i32
        %parallel_loop3A_421 = vector.broadcast %parallel_loop3A_420 : i32 to vector<16xi32>
        %parallel_loop3A_422 = arith.cmpi slt, %mul3A_15, %parallel_loop3A_421 : vector<16xi32>
        %parallel_loop3A_423 = arith.constant 16 : i32
        %parallel_loop3A_424 = vector.broadcast %parallel_loop3A_423 : i32 to vector<16xi32>
        %parallel_loop3A_425 = arith.addi %mul3A_15, %parallel_loop3A_424 : vector<16xi32>
        %parallel_loop3A_426 = arith.select %parallel_loop3A_422, %parallel_loop3A_425, %mul3A_15 : vector<16xi1>, vector<16xi32>
        %parallel_loop3A_427 = vector.shape_cast %parallel_loop3A_426 : vector<16xi32> to vector<16x1xi32>
        %parallel_loop3A_428 = vector.shape_cast %parallel_loop3A_427 : vector<16x1xi32> to vector<16xi32>
        %parallel_loop3A_429 = tpu.dynamic_gather %parallel_loop3A_419[%parallel_loop3A_428] in [0] : vector<16xf32>, vector<16xi32> -> vector<16xf32>
        %parallel_loop3A_430 = arith.constant 0 : i32
        %parallel_loop3A_431 = vector.broadcast %parallel_loop3A_430 : i32 to vector<16xi32>
        %parallel_loop3A_432 = arith.cmpi slt, %add3A_17, %parallel_loop3A_431 : vector<16xi32>
        %parallel_loop3A_433 = arith.constant 16 : i32
        %parallel_loop3A_434 = vector.broadcast %parallel_loop3A_433 : i32 to vector<16xi32>
        %parallel_loop3A_435 = arith.addi %add3A_17, %parallel_loop3A_434 : vector<16xi32>
        %parallel_loop3A_436 = arith.select %parallel_loop3A_432, %parallel_loop3A_435, %add3A_17 : vector<16xi1>, vector<16xi32>
        %parallel_loop3A_437 = vector.shape_cast %parallel_loop3A_436 : vector<16xi32> to vector<16x1xi32>
        %parallel_loop3A_438 = vector.shape_cast %parallel_loop3A_437 : vector<16x1xi32> to vector<16xi32>
        %parallel_loop3A_439 = tpu.dynamic_gather %parallel_loop3A_419[%parallel_loop3A_438] in [0] : vector<16xf32>, vector<16xi32> -> vector<16xf32>
        %parallel_loop3A_440 = arith.index_cast %parallel_loop3A_264 : i32 to index
        %parallel_loop3A_441 = arith.constant 32 : index
        %parallel_loop3A_442 = tpu.vector_load %arg16[%parallel_loop3A_440, %parallel_loop3A_441] {strides = array<i32>} : memref<128x64xbf16, #tpu.memory_space<vmem>>, vector<32xbf16>,
        %parallel_loop3A_443 = tpu.unpack_subelements %parallel_loop3A_442, 0 {pack_format = #tpu.pack_format<interleaved>} : vector<32xbf16> -> vector<16xf32>
        %parallel_loop3A_444 = tpu.unpack_subelements %parallel_loop3A_442, 1 {pack_format = #tpu.pack_format<interleaved>} : vector<32xbf16> -> vector<16xf32>
        %parallel_loop3A_445 = arith.mulf %parallel_loop3A_443, %parallel_loop3A_419 : vector<16xf32>
        %parallel_loop3A_446 = arith.index_cast %parallel_loop3A_264 : i32 to index
        %parallel_loop3A_447 = arith.constant 32 : index
        %parallel_loop3A_448 = tpu.vector_load %arg17[%parallel_loop3A_446, %parallel_loop3A_447] {strides = array<i32>} : memref<128x80xf32, #tpu.memory_space<vmem>>, vector<16xf32>,
        tpu.vector_store %arg17[%parallel_loop3A_446, %parallel_loop3A_447], %parallel_loop3A_445 {strides = array<i32>} : memref<128x80xf32, #tpu.memory_space<vmem>>, vector<16xf32>,
        %parallel_loop3A_449 = arith.mulf %parallel_loop3A_444, %parallel_loop3A_419 : vector<16xf32>
        %parallel_loop3A_450 = arith.index_cast %parallel_loop3A_264 : i32 to index
        %parallel_loop3A_451 = arith.constant 48 : index
        %parallel_loop3A_452 = tpu.vector_load %arg17[%parallel_loop3A_450, %parallel_loop3A_451] {strides = array<i32>} : memref<128x80xf32, #tpu.memory_space<vmem>>, vector<16xf32>,
        tpu.vector_store %arg17[%parallel_loop3A_450, %parallel_loop3A_451], %parallel_loop3A_449 {strides = array<i32>} : memref<128x80xf32, #tpu.memory_space<vmem>>, vector<16xf32>,
        %parallel_loop3A_453 = arith.constant 2 : i32
        %parallel_loop3A_454 = vector.broadcast %parallel_loop3A_453 : i32 to vector<16xi32>
        %parallel_loop3A_455 = arith.cmpi eq, %iota3A, %parallel_loop3A_454 : vector<16xi32>
        %parallel_loop3A_456 = arith.select %parallel_loop3A_455, %parallel_loop3A_429, %parallel_loop3A_363 : vector<16xi1>, vector<16xf32>
        %parallel_loop3A_457 = arith.constant 3 : i32
        %parallel_loop3A_458 = vector.broadcast %parallel_loop3A_457 : i32 to vector<16xi32>
        %parallel_loop3A_459 = arith.cmpi eq, %iota3A, %parallel_loop3A_458 : vector<16xi32>
        %parallel_loop3A_460 = arith.select %parallel_loop3A_459, %parallel_loop3A_439, %parallel_loop3A_456 : vector<16xi1>, vector<16xf32>
        %parallel_loop3A_461 = arith.index_cast %parallel_loop3A_264 : i32 to index
        %parallel_loop3A_462 = arith.constant 64 : index
        %parallel_loop3A_463 = tpu.vector_load %arg17[%parallel_loop3A_461, %parallel_loop3A_462] {strides = array<i32>} : memref<128x80xf32, #tpu.memory_space<vmem>>, vector<16xf32>,
        tpu.vector_store %arg17[%parallel_loop3A_461, %parallel_loop3A_462], %parallel_loop3A_460 {strides = array<i32>} : memref<128x80xf32, #tpu.memory_space<vmem>>, vector<16xf32>,
      } {sc.loop_unroll_factor = 8 : i64, sc.parallel_access}
      %dma_start3A_258 = arith.constant 0 : i32
      %dma_start3A_259 = tpu.memref_slice %arg10[%add3A_111, %dma_start3A_258] : memref<160x128xi32, #tpu.memory_space<vmem>> -> memref<1x128xi32, #tpu.memory_space<vmem>>
      %dma_start3A_260 = tpu.memref_squeeze %dma_start3A_259 : memref<1x128xi32, #tpu.memory_space<vmem>> -> memref<128xi32, #tpu.memory_space<vmem>>
      %dma_start3A_261 = arith.constant 0 : i32
      %dma_start3A_262 = arith.constant 0 : i32
      %dma_start3A_263 = tpu.memref_slice %arg18[%dma_start3A_261, %dma_start3A_262] : memref<10240x80xf32, #tpu.memory_space<vmem_shared>> -> memref<10240x80xf32, #tpu.memory_space<vmem_shared>>
      tpu.enqueue_indirect_dma source(%arg17 : memref<128x80xf32, #tpu.memory_space<vmem>>) target(%dma_start3A_263 : memref<10240x80xf32, #tpu.memory_space<vmem_shared>>) offsets(%dma_start3A_260 : memref<128xi32, #tpu.memory_space<vmem>>) semaphore(%arg21 : memref<!tpu.dma_semaphore, #tpu.memory_space<semaphore_mem>>) {add = true}
    }
    %scan3A_60 = arith.constant 80 : i32
    %dma_wait3A = arith.constant 0 : i32
    %dma_wait3A_61 = arith.constant 0 : i32
    %dma_wait3A_62 = tpu.memref_slice %arg10[%dma_wait3A, %dma_wait3A_61] : memref<160x128xi32, #tpu.memory_space<vmem>> -> memref<1x128xi32, #tpu.memory_space<vmem>>
    %dma_wait3A_63 = tpu.memref_squeeze %dma_wait3A_62 : memref<1x128xi32, #tpu.memory_space<vmem>> -> memref<128xi32, #tpu.memory_space<vmem>>
    %dma_wait3A_64 = arith.constant 0 : i32
    %dma_wait3A_65 = arith.constant 0 : i32
    %dma_wait3A_66 = tpu.memref_slice %arg18[%dma_wait3A_64, %dma_wait3A_65] : memref<10240x80xf32, #tpu.memory_space<vmem_shared>> -> memref<10240x80xf32, #tpu.memory_space<vmem_shared>>
    tpu.wait_indirect_dma semaphore(%arg21 : memref<!tpu.dma_semaphore, #tpu.memory_space<semaphore_mem>>) src(%arg17 : memref<128x80xf32, #tpu.memory_space<vmem>>) dst(%dma_wait3A_66 : memref<10240x80xf32, #tpu.memory_space<vmem_shared>>)
    %dma_wait3A_67 = arith.constant 0 : i32
    %dma_wait3A_68 = arith.constant 0 : i32
    %dma_wait3A_69 = tpu.memref_slice %arg9[%dma_wait3A_67, %dma_wait3A_68] : memref<160x128xi32, #tpu.memory_space<vmem>> -> memref<1x128xi32, #tpu.memory_space<vmem>>
    %dma_wait3A_70 = tpu.memref_squeeze %dma_wait3A_69 : memref<1x128xi32, #tpu.memory_space<vmem>> -> memref<128xi32, #tpu.memory_space<vmem>>
    %dma_wait3A_71 = arith.constant 0 : i32
    %dma_wait3A_72 = arith.constant 0 : i32
    %dma_wait3A_73 = tpu.memref_slice %arg2[%arg0, %dma_wait3A_71, %dma_wait3A_72] : memref<2x10240x64xbf16, #tpu.memory_space<hbm>> -> memref<1x10240x64xbf16, #tpu.memory_space<hbm>>
    %dma_wait3A_74 = tpu.memref_squeeze %dma_wait3A_73 : memref<1x10240x64xbf16, #tpu.memory_space<hbm>> -> memref<10240x64xbf16, #tpu.memory_space<hbm>>
    %dma_wait3A_75 = arith.constant 0 : i32
    %dma_wait3A_76 = arith.constant 0 : i32
    %dma_wait3A_77 = tpu.memref_slice %dma_wait3A_74[%dma_wait3A_75, %dma_wait3A_76] : memref<10240x64xbf16, #tpu.memory_space<hbm>> -> memref<10240x64xbf16, #tpu.memory_space<hbm>>
    tpu.wait_indirect_dma semaphore(%arg19 : memref<!tpu.dma_semaphore, #tpu.memory_space<semaphore_mem>>) src(%dma_wait3A_77 : memref<10240x64xbf16, #tpu.memory_space<hbm>>) dst(%arg11 : memref<128x64xbf16, #tpu.memory_space<vmem>>)
    %dma_wait3A_78 = arith.constant 0 : i32
    %dma_wait3A_79 = arith.constant 0 : i32
    %dma_wait3A_80 = tpu.memref_slice %arg10[%dma_wait3A_78, %dma_wait3A_79] : memref<160x128xi32, #tpu.memory_space<vmem>> -> memref<1x128xi32, #tpu.memory_space<vmem>>
    %dma_wait3A_81 = tpu.memref_squeeze %dma_wait3A_80 : memref<1x128xi32, #tpu.memory_space<vmem>> -> memref<128xi32, #tpu.memory_space<vmem>>
    %dma_wait3A_82 = arith.constant 0 : i32
    %dma_wait3A_83 = arith.constant 0 : i32
    %dma_wait3A_84 = tpu.memref_slice %arg3[%arg0, %dma_wait3A_82, %dma_wait3A_83] : memref<2x10240x64xbf16, #tpu.memory_space<hbm>> -> memref<1x10240x64xbf16, #tpu.memory_space<hbm>>
    %dma_wait3A_85 = tpu.memref_squeeze %dma_wait3A_84 : memref<1x10240x64xbf16, #tpu.memory_space<hbm>> -> memref<10240x64xbf16, #tpu.memory_space<hbm>>
    %dma_wait3A_86 = arith.constant 0 : i32
    %dma_wait3A_87 = arith.constant 0 : i32
    %dma_wait3A_88 = tpu.memref_slice %dma_wait3A_85[%dma_wait3A_86, %dma_wait3A_87] : memref<10240x64xbf16, #tpu.memory_space<hbm>> -> memref<10240x64xbf16, #tpu.memory_space<hbm>>
    tpu.wait_indirect_dma semaphore(%arg19 : memref<!tpu.dma_semaphore, #tpu.memory_space<semaphore_mem>>) src(%dma_wait3A_88 : memref<10240x64xbf16, #tpu.memory_space<hbm>>) dst(%arg13 : memref<128x64xbf16, #tpu.memory_space<vmem>>)
    %dma_wait3A_89 = arith.constant 0 : i32
    %dma_wait3A_90 = arith.constant 0 : i32
    %dma_wait3A_91 = tpu.memref_slice %arg9[%dma_wait3A_89, %dma_wait3A_90] : memref<160x128xi32, #tpu.memory_space<vmem>> -> memref<1x128xi32, #tpu.memory_space<vmem>>
    %dma_wait3A_92 = tpu.memref_squeeze %dma_wait3A_91 : memref<1x128xi32, #tpu.memory_space<vmem>> -> memref<128xi32, #tpu.memory_space<vmem>>
    %dma_wait3A_93 = arith.constant 0 : i32
    %dma_wait3A_94 = arith.constant 0 : i32
    %dma_wait3A_95 = tpu.memref_slice %arg4[%arg0, %dma_wait3A_93, %dma_wait3A_94] : memref<2x10240x64xbf16, #tpu.memory_space<hbm>> -> memref<1x10240x64xbf16, #tpu.memory_space<hbm>>
    %dma_wait3A_96 = tpu.memref_squeeze %dma_wait3A_95 : memref<1x10240x64xbf16, #tpu.memory_space<hbm>> -> memref<10240x64xbf16, #tpu.memory_space<hbm>>
    %dma_wait3A_97 = arith.constant 0 : i32
    %dma_wait3A_98 = arith.constant 0 : i32
    %dma_wait3A_99 = tpu.memref_slice %dma_wait3A_96[%dma_wait3A_97, %dma_wait3A_98] : memref<10240x64xbf16, #tpu.memory_space<hbm>> -> memref<10240x64xbf16, #tpu.memory_space<hbm>>
    tpu.wait_indirect_dma semaphore(%arg19 : memref<!tpu.dma_semaphore, #tpu.memory_space<semaphore_mem>>) src(%dma_wait3A_99 : memref<10240x64xbf16, #tpu.memory_space<hbm>>) dst(%arg15 : memref<128x64xbf16, #tpu.memory_space<vmem>>)
    %barrier3A_100 = arith.constant 0 : index
    tpu.barrier barrier_id(%barrier3A_100)
    "tpu.region"() ({
      %run_scoped3A = tpu.sem_alloc : memref<!tpu.dma_semaphore, #tpu.memory_space<semaphore_mem>>
      %dma_start3A_101 = arith.constant 0 : i32
      %dma_start3A_102 = tpu.memref_slice %arg8[%arg0, %mul3A_0, %dma_start3A_101] : memref<2x10240x80xf32, #tpu.memory_space<hbm>> -> memref<1x640x80xf32, #tpu.memory_space<hbm>>
      %dma_start3A_103 = tpu.memref_squeeze %dma_start3A_102 : memref<1x640x80xf32, #tpu.memory_space<hbm>> -> memref<640x80xf32, #tpu.memory_space<hbm>>
      %dma_start3A_104 = arith.constant 0 : i32
      %dma_start3A_105 = tpu.memref_slice %arg18[%mul3A_0, %dma_start3A_104] : memref<10240x80xf32, #tpu.memory_space<vmem_shared>> -> memref<640x80xf32, #tpu.memory_space<vmem_shared>>
      tpu.enqueue_dma source(%dma_start3A_105 : memref<640x80xf32, #tpu.memory_space<vmem_shared>>) target(%dma_start3A_103 : memref<640x80xf32, #tpu.memory_space<hbm>>) target_semaphore(%run_scoped3A : memref<!tpu.dma_semaphore, #tpu.memory_space<semaphore_mem>>)
      %dma_wait3A_106 = arith.constant 0 : i32
      %dma_wait3A_107 = tpu.memref_slice %arg8[%arg0, %mul3A_0, %dma_wait3A_106] : memref<2x10240x80xf32, #tpu.memory_space<hbm>> -> memref<1x640x80xf32, #tpu.memory_space<hbm>>
      %dma_wait3A_108 = tpu.memref_squeeze %dma_wait3A_107 : memref<1x640x80xf32, #tpu.memory_space<hbm>> -> memref<640x80xf32, #tpu.memory_space<hbm>>
      %dma_wait3A_109 = arith.constant 0 : i32
      %dma_wait3A_110 = tpu.memref_slice %arg18[%mul3A_0, %dma_wait3A_109] : memref<10240x80xf32, #tpu.memory_space<vmem_shared>> -> memref<640x80xf32, #tpu.memory_space<vmem_shared>>
      tpu.wait_dma2 semaphore(%run_scoped3A : memref<!tpu.dma_semaphore, #tpu.memory_space<semaphore_mem>>) src(%dma_wait3A_110 : memref<640x80xf32, #tpu.memory_space<vmem_shared>>) dst(%dma_wait3A_108 : memref<640x80xf32, #tpu.memory_space<hbm>>)
      tpu.yield
    }) : () -> ()
    return
  }
}

module attributes {stable_mosaic.version = 14 : i64} {
  func.func @_qkv_body(%arg0: i32, %arg1: memref<256x128xf32, #tpu.memory_space<vmem>>, %arg2: memref<128x128xf32, #tpu.memory_space<vmem>>, %arg3: memref<128x128xf32, #tpu.memory_space<vmem>>, %arg4: memref<128x128xf32, #tpu.memory_space<vmem>>, %arg5: memref<2x256x64xbf16, #tpu.memory_space<vmem>>, %arg6: memref<2x256x64xbf16, #tpu.memory_space<vmem>>, %arg7: memref<2x256x64xbf16, #tpu.memory_space<vmem>>) attributes {dimension_semantics = [#tpu.dimension_semantics<arbitrary>], iteration_bounds = array<i64: 40>, scalar_prefetch = 0 : i64, scratch_operands = 0 : i64, tpu.core_type = #tpu.core_type<tc>, window_params = [{transform_indices = @transform_0, window_bounds = array<i64: 256, 128>}, {pipeline_mode = #tpu.pipeline_mode<synchronous>, transform_indices = @transform_1, window_bounds = array<i64: 128, 128>}, {pipeline_mode = #tpu.pipeline_mode<synchronous>, transform_indices = @transform_2, window_bounds = array<i64: 128, 128>}, {pipeline_mode = #tpu.pipeline_mode<synchronous>, transform_indices = @transform_3, window_bounds = array<i64: 128, 128>}, {transform_indices = @transform_4, window_bounds = array<i64: 2, 256, 64>}, {transform_indices = @transform_5, window_bounds = array<i64: 2, 256, 64>}, {transform_indices = @transform_6, window_bounds = array<i64: 2, 256, 64>}]} {
    %get3A = arith.constant 0 : index
    %get3A_0 = arith.constant 0 : index
    %get3A_1 = vector.load %arg1[%get3A, %get3A_0] : memref<256x128xf32, #tpu.memory_space<vmem>>, vector<256x128xf32>
    %get3A_2 = arith.constant 0 : index
    %get3A_3 = arith.constant 0 : index
    %get3A_4 = vector.load %arg2[%get3A_2, %get3A_3] : memref<128x128xf32, #tpu.memory_space<vmem>>, vector<128x128xf32>
    %dot_general3A = arith.constant dense<0.000000e+00> : vector<256x128xf32>
    %dot_general3A_5 = tpu.matmul %get3A_1, %get3A_4, %dot_general3A {dimension_numbers = #tpu.dot_dimension_numbers<[1], [1], [0], [0], [0, 0, 1, 0], [], []>, transpose_lhs_hint = false} : vector<256x128xf32>, vector<128x128xf32>, vector<256x128xf32> -> vector<256x128xf32>
    %get3A_6 = arith.constant 0 : index
    %get3A_7 = arith.constant 0 : index
    %get3A_8 = vector.load %arg3[%get3A_6, %get3A_7] : memref<128x128xf32, #tpu.memory_space<vmem>>, vector<128x128xf32>
    %dot_general3A_9 = arith.constant dense<0.000000e+00> : vector<256x128xf32>
    %dot_general3A_10 = tpu.matmul %get3A_1, %get3A_8, %dot_general3A_9 {dimension_numbers = #tpu.dot_dimension_numbers<[1], [1], [0], [0], [0, 0, 1, 0], [], []>, transpose_lhs_hint = false} : vector<256x128xf32>, vector<128x128xf32>, vector<256x128xf32> -> vector<256x128xf32>
    %get3A_11 = arith.constant 0 : index
    %get3A_12 = arith.constant 0 : index
    %get3A_13 = vector.load %arg4[%get3A_11, %get3A_12] : memref<128x128xf32, #tpu.memory_space<vmem>>, vector<128x128xf32>
    %dot_general3A_14 = arith.constant dense<0.000000e+00> : vector<256x128xf32>
    %dot_general3A_15 = tpu.matmul %get3A_1, %get3A_13, %dot_general3A_14 {dimension_numbers = #tpu.dot_dimension_numbers<[1], [1], [0], [0], [0, 0, 1, 0], [], []>, transpose_lhs_hint = false} : vector<256x128xf32>, vector<128x128xf32>, vector<256x128xf32> -> vector<256x128xf32>
    %slice3A = vector.extract_strided_slice %dot_general3A_10 {offsets = [0, 0], sizes = [256, 64], strides = [1, 1]} : vector<256x128xf32> to vector<256x64xf32>
    %convert_element_type3A = arith.truncf %slice3A : vector<256x64xf32> to vector<256x64xbf16>
    %swap3A = arith.constant 0 : index
    %swap3A_16 = arith.constant 0 : index
    %swap3A_17 = arith.constant 0 : index
    %swap3A_18 = vector.load %arg5[%swap3A, %swap3A_16, %swap3A_17] : memref<2x256x64xbf16, #tpu.memory_space<vmem>>, vector<1x256x64xbf16>
    %swap3A_19 = vector.shape_cast %swap3A_18 : vector<1x256x64xbf16> to vector<256x64xbf16>
    %swap3A_20 = vector.shape_cast %convert_element_type3A : vector<256x64xbf16> to vector<1x256x64xbf16>
    tpu.vector_store %arg5[%swap3A, %swap3A_16, %swap3A_17], %swap3A_20 {strides = array<i32>} : memref<2x256x64xbf16, #tpu.memory_space<vmem>>, vector<1x256x64xbf16>,
    %slice3A_21 = vector.extract_strided_slice %dot_general3A_10 {offsets = [0, 64], sizes = [256, 64], strides = [1, 1]} : vector<256x128xf32> to vector<256x64xf32>
    %convert_element_type3A_22 = arith.truncf %slice3A_21 : vector<256x64xf32> to vector<256x64xbf16>
    %swap3A_23 = arith.constant 1 : index
    %swap3A_24 = arith.constant 0 : index
    %swap3A_25 = arith.constant 0 : index
    %swap3A_26 = vector.load %arg5[%swap3A_23, %swap3A_24, %swap3A_25] : memref<2x256x64xbf16, #tpu.memory_space<vmem>>, vector<1x256x64xbf16>
    %swap3A_27 = vector.shape_cast %swap3A_26 : vector<1x256x64xbf16> to vector<256x64xbf16>
    %swap3A_28 = vector.shape_cast %convert_element_type3A_22 : vector<256x64xbf16> to vector<1x256x64xbf16>
    tpu.vector_store %arg5[%swap3A_23, %swap3A_24, %swap3A_25], %swap3A_28 {strides = array<i32>} : memref<2x256x64xbf16, #tpu.memory_space<vmem>>, vector<1x256x64xbf16>,
    %slice3A_29 = vector.extract_strided_slice %dot_general3A_5 {offsets = [0, 0], sizes = [256, 64], strides = [1, 1]} : vector<256x128xf32> to vector<256x64xf32>
    %convert_element_type3A_30 = arith.truncf %slice3A_29 : vector<256x64xf32> to vector<256x64xbf16>
    %swap3A_31 = arith.constant 0 : index
    %swap3A_32 = arith.constant 0 : index
    %swap3A_33 = arith.constant 0 : index
    %swap3A_34 = vector.load %arg6[%swap3A_31, %swap3A_32, %swap3A_33] : memref<2x256x64xbf16, #tpu.memory_space<vmem>>, vector<1x256x64xbf16>
    %swap3A_35 = vector.shape_cast %swap3A_34 : vector<1x256x64xbf16> to vector<256x64xbf16>
    %swap3A_36 = vector.shape_cast %convert_element_type3A_30 : vector<256x64xbf16> to vector<1x256x64xbf16>
    tpu.vector_store %arg6[%swap3A_31, %swap3A_32, %swap3A_33], %swap3A_36 {strides = array<i32>} : memref<2x256x64xbf16, #tpu.memory_space<vmem>>, vector<1x256x64xbf16>,
    %slice3A_37 = vector.extract_strided_slice %dot_general3A_5 {offsets = [0, 64], sizes = [256, 64], strides = [1, 1]} : vector<256x128xf32> to vector<256x64xf32>
    %convert_element_type3A_38 = arith.truncf %slice3A_37 : vector<256x64xf32> to vector<256x64xbf16>
    %swap3A_39 = arith.constant 1 : index
    %swap3A_40 = arith.constant 0 : index
    %swap3A_41 = arith.constant 0 : index
    %swap3A_42 = vector.load %arg6[%swap3A_39, %swap3A_40, %swap3A_41] : memref<2x256x64xbf16, #tpu.memory_space<vmem>>, vector<1x256x64xbf16>
    %swap3A_43 = vector.shape_cast %swap3A_42 : vector<1x256x64xbf16> to vector<256x64xbf16>
    %swap3A_44 = vector.shape_cast %convert_element_type3A_38 : vector<256x64xbf16> to vector<1x256x64xbf16>
    tpu.vector_store %arg6[%swap3A_39, %swap3A_40, %swap3A_41], %swap3A_44 {strides = array<i32>} : memref<2x256x64xbf16, #tpu.memory_space<vmem>>, vector<1x256x64xbf16>,
    %slice3A_45 = vector.extract_strided_slice %dot_general3A_15 {offsets = [0, 0], sizes = [256, 64], strides = [1, 1]} : vector<256x128xf32> to vector<256x64xf32>
    %convert_element_type3A_46 = arith.truncf %slice3A_45 : vector<256x64xf32> to vector<256x64xbf16>
    %swap3A_47 = arith.constant 0 : index
    %swap3A_48 = arith.constant 0 : index
    %swap3A_49 = arith.constant 0 : index
    %swap3A_50 = vector.load %arg7[%swap3A_47, %swap3A_48, %swap3A_49] : memref<2x256x64xbf16, #tpu.memory_space<vmem>>, vector<1x256x64xbf16>
    %swap3A_51 = vector.shape_cast %swap3A_50 : vector<1x256x64xbf16> to vector<256x64xbf16>
    %swap3A_52 = vector.shape_cast %convert_element_type3A_46 : vector<256x64xbf16> to vector<1x256x64xbf16>
    tpu.vector_store %arg7[%swap3A_47, %swap3A_48, %swap3A_49], %swap3A_52 {strides = array<i32>} : memref<2x256x64xbf16, #tpu.memory_space<vmem>>, vector<1x256x64xbf16>,
    %slice3A_53 = vector.extract_strided_slice %dot_general3A_15 {offsets = [0, 64], sizes = [256, 64], strides = [1, 1]} : vector<256x128xf32> to vector<256x64xf32>
    %convert_element_type3A_54 = arith.truncf %slice3A_53 : vector<256x64xf32> to vector<256x64xbf16>
    %swap3A_55 = arith.constant 1 : index
    %swap3A_56 = arith.constant 0 : index
    %swap3A_57 = arith.constant 0 : index
    %swap3A_58 = vector.load %arg7[%swap3A_55, %swap3A_56, %swap3A_57] : memref<2x256x64xbf16, #tpu.memory_space<vmem>>, vector<1x256x64xbf16>
    %swap3A_59 = vector.shape_cast %swap3A_58 : vector<1x256x64xbf16> to vector<256x64xbf16>
    %swap3A_60 = vector.shape_cast %convert_element_type3A_54 : vector<256x64xbf16> to vector<1x256x64xbf16>
    tpu.vector_store %arg7[%swap3A_55, %swap3A_56, %swap3A_57], %swap3A_60 {strides = array<i32>} : memref<2x256x64xbf16, #tpu.memory_space<vmem>>, vector<1x256x64xbf16>,
    return
  }
  func.func @transform_0(%arg0: i32) -> (i32, i32) {
    %c0_i32 = arith.constant 0 : i32
    %c0_i32_0 = arith.constant 0 : i32
    return %arg0, %c0_i32 : i32, i32
  }
  func.func @transform_1(%arg0: i32) -> (i32, i32) {
    %c0_i32 = arith.constant 0 : i32
    %c0_i32_0 = arith.constant 0 : i32
    %c0_i32_1 = arith.constant 0 : i32
    return %c0_i32, %c0_i32_0 : i32, i32
  }
  func.func @transform_2(%arg0: i32) -> (i32, i32) {
    %c0_i32 = arith.constant 0 : i32
    %c0_i32_0 = arith.constant 0 : i32
    %c0_i32_1 = arith.constant 0 : i32
    return %c0_i32, %c0_i32_0 : i32, i32
  }
  func.func @transform_3(%arg0: i32) -> (i32, i32) {
    %c0_i32 = arith.constant 0 : i32
    %c0_i32_0 = arith.constant 0 : i32
    %c0_i32_1 = arith.constant 0 : i32
    return %c0_i32, %c0_i32_0 : i32, i32
  }
  func.func @transform_4(%arg0: i32) -> (i32, i32, i32) {
    %c0_i32 = arith.constant 0 : i32
    %c0_i32_0 = arith.constant 0 : i32
    %c0_i32_1 = arith.constant 0 : i32
    return %c0_i32, %arg0, %c0_i32_0 : i32, i32, i32
  }
  func.func @transform_5(%arg0: i32) -> (i32, i32, i32) {
    %c0_i32 = arith.constant 0 : i32
    %c0_i32_0 = arith.constant 0 : i32
    %c0_i32_1 = arith.constant 0 : i32
    return %c0_i32, %arg0, %c0_i32_0 : i32, i32, i32
  }
  func.func @transform_6(%arg0: i32) -> (i32, i32, i32) {
    %c0_i32 = arith.constant 0 : i32
    %c0_i32_0 = arith.constant 0 : i32
    %c0_i32_1 = arith.constant 0 : i32
    return %c0_i32, %arg0, %c0_i32_0 : i32, i32, i32
  }
}

module attributes {stable_mosaic.version = 14 : i64} {
  func.func @_norm_body(%arg0: i32, %arg1: memref<256x80xf32, #tpu.memory_space<vmem>>, %arg2: memref<256x64xf32, #tpu.memory_space<vmem>>) attributes {dimension_semantics = [#tpu.dimension_semantics<arbitrary>], iteration_bounds = array<i64: 80>, scalar_prefetch = 0 : i64, scratch_operands = 0 : i64, tpu.core_type = #tpu.core_type<tc>, window_params = [{transform_indices = @transform_0, window_bounds = array<i64: 256, 80>}, {transform_indices = @transform_1, window_bounds = array<i64: 256, 64>}]} {
    %get3A = arith.constant 0 : index
    %get3A_0 = arith.constant 0 : index
    %get3A_1 = vector.load %arg1[%get3A, %get3A_0] : memref<256x80xf32, #tpu.memory_space<vmem>>, vector<256x80xf32>
    %slice3A = vector.extract_strided_slice %get3A_1 {offsets = [0, 0], sizes = [256, 64], strides = [1, 1]} : vector<256x80xf32> to vector<256x64xf32>
    %slice3A_2 = vector.extract_strided_slice %get3A_1 {offsets = [0, 64], sizes = [256, 4], strides = [1, 1]} : vector<256x80xf32> to vector<256x4xf32>
    %iota3A = tpu.iota {dimensions = array<i32: 0>} : vector<4x64xi32>
    %iota3A_3 = tpu.iota {dimensions = array<i32: 1>} : vector<4x64xi32>
    %jit3A = arith.constant 32 : i32
    %div3A = vector.broadcast %jit3A : i32 to vector<4x64xi32>
    %div3A_4 = arith.divsi %iota3A_3, %div3A : vector<4x64xi32>
    %sign3A = arith.constant 0 : i32
    %sign3A_5 = vector.broadcast %sign3A : i32 to vector<4x64xi32>
    %sign3A_6 = arith.cmpi sgt, %iota3A_3, %sign3A_5 : vector<4x64xi32>
    %sign3A_7 = arith.extui %sign3A_6 : vector<4x64xi1> to vector<4x64xi32>
    %sign3A_8 = arith.constant 0 : i32
    %sign3A_9 = vector.broadcast %sign3A_8 : i32 to vector<4x64xi32>
    %sign3A_10 = arith.cmpi slt, %iota3A_3, %sign3A_9 : vector<4x64xi32>
    %sign3A_11 = arith.extui %sign3A_10 : vector<4x64xi1> to vector<4x64xi32>
    %sign3A_12 = arith.subi %sign3A_7, %sign3A_11 : vector<4x64xi32>
    %sign3A_13 = arith.constant 0 : i32
    %sign3A_14 = arith.cmpi sgt, %jit3A, %sign3A_13 : i32
    %sign3A_15 = arith.extui %sign3A_14 : i1 to i32
    %sign3A_16 = arith.constant 0 : i32
    %sign3A_17 = arith.cmpi slt, %jit3A, %sign3A_16 : i32
    %sign3A_18 = arith.extui %sign3A_17 : i1 to i32
    %sign3A_19 = arith.subi %sign3A_15, %sign3A_18 : i32
    %ne3A = vector.broadcast %sign3A_19 : i32 to vector<4x64xi32>
    %ne3A_20 = arith.cmpi ne, %sign3A_12, %ne3A : vector<4x64xi32>
    %rem3A = vector.broadcast %jit3A : i32 to vector<4x64xi32>
    %rem3A_21 = arith.remsi %iota3A_3, %rem3A : vector<4x64xi32>
    %ne3A_22 = arith.constant 0 : i32
    %ne3A_23 = vector.broadcast %ne3A_22 : i32 to vector<4x64xi32>
    %ne3A_24 = arith.cmpi ne, %rem3A_21, %ne3A_23 : vector<4x64xi32>
    %and3A = arith.andi %ne3A_20, %ne3A_24 : vector<4x64xi1>
    %sub3A = arith.constant 1 : i32
    %sub3A_25 = vector.broadcast %sub3A : i32 to vector<4x64xi32>
    %sub3A_26 = arith.subi %div3A_4, %sub3A_25 : vector<4x64xi32>
    %select_n3A = arith.select %and3A, %sub3A_26, %div3A_4 : vector<4x64xi1>, vector<4x64xi32>
    %mul3A = arith.constant 2 : i32
    %mul3A_27 = vector.broadcast %mul3A : i32 to vector<4x64xi32>
    %mul3A_28 = arith.muli %mul3A_27, %select_n3A : vector<4x64xi32>
    %jit3A_29 = arith.constant 16 : i32
    %eq3A = arith.constant 0 : i32
    %eq3A_30 = arith.cmpi eq, %jit3A_29, %eq3A : i32
    %jit3A_31 = arith.constant 1 : i32
    %select_n3A_32 = arith.select %eq3A_30, %jit3A_31, %jit3A_29 : i32
    %rem3A_33 = vector.broadcast %select_n3A_32 : i32 to vector<4x64xi32>
    %rem3A_34 = arith.remsi %iota3A_3, %rem3A_33 : vector<4x64xi32>
    %ne3A_35 = arith.constant 0 : i32
    %ne3A_36 = vector.broadcast %ne3A_35 : i32 to vector<4x64xi32>
    %ne3A_37 = arith.cmpi ne, %rem3A_34, %ne3A_36 : vector<4x64xi32>
    %lt3A = arith.constant 0 : i32
    %lt3A_38 = vector.broadcast %lt3A : i32 to vector<4x64xi32>
    %lt3A_39 = arith.cmpi slt, %rem3A_34, %lt3A_38 : vector<4x64xi32>
    %lt3A_40 = arith.constant 0 : i32
    %lt3A_41 = arith.cmpi slt, %select_n3A_32, %lt3A_40 : i32
    %ne3A_42 = vector.broadcast %lt3A_41 : i1 to vector<4x64xi1>
    %ne3A_43 = vector.broadcast %ne3A_42 : vector<4x64xi1> to vector<4x64xi1>
    %ne3A_44 = arith.xori %lt3A_39, %ne3A_43 : vector<4x64xi1>
    %and3A_45 = arith.andi %ne3A_44, %ne3A_37 : vector<4x64xi1>
    %add3A = vector.broadcast %select_n3A_32 : i32 to vector<4x64xi32>
    %add3A_46 = arith.addi %rem3A_34, %add3A : vector<4x64xi32>
    %select_n3A_47 = arith.select %and3A_45, %add3A_46, %rem3A_34 : vector<4x64xi1>, vector<4x64xi32>
    %jit3A_48 = arith.constant 8 : i32
    %div3A_49 = vector.broadcast %jit3A_48 : i32 to vector<4x64xi32>
    %div3A_50 = arith.divsi %select_n3A_47, %div3A_49 : vector<4x64xi32>
    %sign3A_51 = arith.constant 0 : i32
    %sign3A_52 = vector.broadcast %sign3A_51 : i32 to vector<4x64xi32>
    %sign3A_53 = arith.cmpi sgt, %select_n3A_47, %sign3A_52 : vector<4x64xi32>
    %sign3A_54 = arith.extui %sign3A_53 : vector<4x64xi1> to vector<4x64xi32>
    %sign3A_55 = arith.constant 0 : i32
    %sign3A_56 = vector.broadcast %sign3A_55 : i32 to vector<4x64xi32>
    %sign3A_57 = arith.cmpi slt, %select_n3A_47, %sign3A_56 : vector<4x64xi32>
    %sign3A_58 = arith.extui %sign3A_57 : vector<4x64xi1> to vector<4x64xi32>
    %sign3A_59 = arith.subi %sign3A_54, %sign3A_58 : vector<4x64xi32>
    %sign3A_60 = arith.constant 0 : i32
    %sign3A_61 = arith.cmpi sgt, %jit3A_48, %sign3A_60 : i32
    %sign3A_62 = arith.extui %sign3A_61 : i1 to i32
    %sign3A_63 = arith.constant 0 : i32
    %sign3A_64 = arith.cmpi slt, %jit3A_48, %sign3A_63 : i32
    %sign3A_65 = arith.extui %sign3A_64 : i1 to i32
    %sign3A_66 = arith.subi %sign3A_62, %sign3A_65 : i32
    %ne3A_67 = vector.broadcast %sign3A_66 : i32 to vector<4x64xi32>
    %ne3A_68 = arith.cmpi ne, %sign3A_59, %ne3A_67 : vector<4x64xi32>
    %rem3A_69 = vector.broadcast %jit3A_48 : i32 to vector<4x64xi32>
    %rem3A_70 = arith.remsi %select_n3A_47, %rem3A_69 : vector<4x64xi32>
    %ne3A_71 = arith.constant 0 : i32
    %ne3A_72 = vector.broadcast %ne3A_71 : i32 to vector<4x64xi32>
    %ne3A_73 = arith.cmpi ne, %rem3A_70, %ne3A_72 : vector<4x64xi32>
    %and3A_74 = arith.andi %ne3A_68, %ne3A_73 : vector<4x64xi1>
    %sub3A_75 = arith.constant 1 : i32
    %sub3A_76 = vector.broadcast %sub3A_75 : i32 to vector<4x64xi32>
    %sub3A_77 = arith.subi %div3A_50, %sub3A_76 : vector<4x64xi32>
    %select_n3A_78 = arith.select %and3A_74, %sub3A_77, %div3A_50 : vector<4x64xi1>, vector<4x64xi32>
    %add3A_79 = arith.addi %mul3A_28, %select_n3A_78 : vector<4x64xi32>
    %eq3A_80 = arith.cmpi eq, %add3A_79, %iota3A : vector<4x64xi32>
    %convert_element_type3A = arith.extui %eq3A_80 : vector<4x64xi1> to vector<4x64xi32>
    %convert_element_type3A_81 = arith.sitofp %convert_element_type3A : vector<4x64xi32> to vector<4x64xf32>
    %dot_general3A = arith.constant dense<0.000000e+00> : vector<256x64xf32>
    %dot_general3A_82 = tpu.matmul %slice3A_2, %convert_element_type3A_81, %dot_general3A {dimension_numbers = #tpu.dot_dimension_numbers<[1], [0], [0], [1], [0, 0, 1, 1], [], []>, transpose_lhs_hint = false} : vector<256x4xf32>, vector<4x64xf32>, vector<256x64xf32> -> vector<256x64xf32>
    %add3A_83 = arith.constant 9.99999997E-7 : f32
    %add3A_84 = vector.broadcast %add3A_83 : f32 to vector<256x64xf32>
    %add3A_85 = arith.addf %dot_general3A_82, %add3A_84 : vector<256x64xf32>
    %iota3A_86 = tpu.iota {dimensions = array<i32: 0>} : vector<64x64xi32>
    %iota3A_87 = tpu.iota {dimensions = array<i32: 1>} : vector<64x64xi32>
    %jit3A_88 = arith.constant 32 : i32
    %eq3A_89 = arith.constant 0 : i32
    %eq3A_90 = arith.cmpi eq, %jit3A_88, %eq3A_89 : i32
    %jit3A_91 = arith.constant 1 : i32
    %select_n3A_92 = arith.select %eq3A_90, %jit3A_91, %jit3A_88 : i32
    %rem3A_93 = vector.broadcast %select_n3A_92 : i32 to vector<64x64xi32>
    %rem3A_94 = arith.remsi %iota3A_86, %rem3A_93 : vector<64x64xi32>
    %ne3A_95 = arith.constant 0 : i32
    %ne3A_96 = vector.broadcast %ne3A_95 : i32 to vector<64x64xi32>
    %ne3A_97 = arith.cmpi ne, %rem3A_94, %ne3A_96 : vector<64x64xi32>
    %lt3A_98 = arith.constant 0 : i32
    %lt3A_99 = vector.broadcast %lt3A_98 : i32 to vector<64x64xi32>
    %lt3A_100 = arith.cmpi slt, %rem3A_94, %lt3A_99 : vector<64x64xi32>
    %lt3A_101 = arith.constant 0 : i32
    %lt3A_102 = arith.cmpi slt, %select_n3A_92, %lt3A_101 : i32
    %ne3A_103 = vector.broadcast %lt3A_102 : i1 to vector<64x64xi1>
    %ne3A_104 = vector.broadcast %ne3A_103 : vector<64x64xi1> to vector<64x64xi1>
    %ne3A_105 = arith.xori %lt3A_100, %ne3A_104 : vector<64x64xi1>
    %and3A_106 = arith.andi %ne3A_105, %ne3A_97 : vector<64x64xi1>
    %add3A_107 = vector.broadcast %select_n3A_92 : i32 to vector<64x64xi32>
    %add3A_108 = arith.addi %rem3A_94, %add3A_107 : vector<64x64xi32>
    %select_n3A_109 = arith.select %and3A_106, %add3A_108, %rem3A_94 : vector<64x64xi1>, vector<64x64xi32>
    %jit3A_110 = arith.constant 16 : i32
    %eq3A_111 = arith.constant 0 : i32
    %eq3A_112 = arith.cmpi eq, %jit3A_110, %eq3A_111 : i32
    %jit3A_113 = arith.constant 1 : i32
    %select_n3A_114 = arith.select %eq3A_112, %jit3A_113, %jit3A_110 : i32
    %rem3A_115 = vector.broadcast %select_n3A_114 : i32 to vector<64x64xi32>
    %rem3A_116 = arith.remsi %select_n3A_109, %rem3A_115 : vector<64x64xi32>
    %ne3A_117 = arith.constant 0 : i32
    %ne3A_118 = vector.broadcast %ne3A_117 : i32 to vector<64x64xi32>
    %ne3A_119 = arith.cmpi ne, %rem3A_116, %ne3A_118 : vector<64x64xi32>
    %lt3A_120 = arith.constant 0 : i32
    %lt3A_121 = vector.broadcast %lt3A_120 : i32 to vector<64x64xi32>
    %lt3A_122 = arith.cmpi slt, %rem3A_116, %lt3A_121 : vector<64x64xi32>
    %lt3A_123 = arith.constant 0 : i32
    %lt3A_124 = arith.cmpi slt, %select_n3A_114, %lt3A_123 : i32
    %ne3A_125 = vector.broadcast %lt3A_124 : i1 to vector<64x64xi1>
    %ne3A_126 = vector.broadcast %ne3A_125 : vector<64x64xi1> to vector<64x64xi1>
    %ne3A_127 = arith.xori %lt3A_122, %ne3A_126 : vector<64x64xi1>
    %and3A_128 = arith.andi %ne3A_127, %ne3A_119 : vector<64x64xi1>
    %add3A_129 = vector.broadcast %select_n3A_114 : i32 to vector<64x64xi32>
    %add3A_130 = arith.addi %rem3A_116, %add3A_129 : vector<64x64xi32>
    %select_n3A_131 = arith.select %and3A_128, %add3A_130, %rem3A_116 : vector<64x64xi1>, vector<64x64xi32>
    %jit3A_132 = arith.constant 32 : i32
    %div3A_133 = vector.broadcast %jit3A_132 : i32 to vector<64x64xi32>
    %div3A_134 = arith.divsi %iota3A_86, %div3A_133 : vector<64x64xi32>
    %sign3A_135 = arith.constant 0 : i32
    %sign3A_136 = vector.broadcast %sign3A_135 : i32 to vector<64x64xi32>
    %sign3A_137 = arith.cmpi sgt, %iota3A_86, %sign3A_136 : vector<64x64xi32>
    %sign3A_138 = arith.extui %sign3A_137 : vector<64x64xi1> to vector<64x64xi32>
    %sign3A_139 = arith.constant 0 : i32
    %sign3A_140 = vector.broadcast %sign3A_139 : i32 to vector<64x64xi32>
    %sign3A_141 = arith.cmpi slt, %iota3A_86, %sign3A_140 : vector<64x64xi32>
    %sign3A_142 = arith.extui %sign3A_141 : vector<64x64xi1> to vector<64x64xi32>
    %sign3A_143 = arith.subi %sign3A_138, %sign3A_142 : vector<64x64xi32>
    %sign3A_144 = arith.constant 0 : i32
    %sign3A_145 = arith.cmpi sgt, %jit3A_132, %sign3A_144 : i32
    %sign3A_146 = arith.extui %sign3A_145 : i1 to i32
    %sign3A_147 = arith.constant 0 : i32
    %sign3A_148 = arith.cmpi slt, %jit3A_132, %sign3A_147 : i32
    %sign3A_149 = arith.extui %sign3A_148 : i1 to i32
    %sign3A_150 = arith.subi %sign3A_146, %sign3A_149 : i32
    %ne3A_151 = vector.broadcast %sign3A_150 : i32 to vector<64x64xi32>
    %ne3A_152 = arith.cmpi ne, %sign3A_143, %ne3A_151 : vector<64x64xi32>
    %rem3A_153 = vector.broadcast %jit3A_132 : i32 to vector<64x64xi32>
    %rem3A_154 = arith.remsi %iota3A_86, %rem3A_153 : vector<64x64xi32>
    %ne3A_155 = arith.constant 0 : i32
    %ne3A_156 = vector.broadcast %ne3A_155 : i32 to vector<64x64xi32>
    %ne3A_157 = arith.cmpi ne, %rem3A_154, %ne3A_156 : vector<64x64xi32>
    %and3A_158 = arith.andi %ne3A_152, %ne3A_157 : vector<64x64xi1>
    %sub3A_159 = arith.constant 1 : i32
    %sub3A_160 = vector.broadcast %sub3A_159 : i32 to vector<64x64xi32>
    %sub3A_161 = arith.subi %div3A_134, %sub3A_160 : vector<64x64xi32>
    %select_n3A_162 = arith.select %and3A_158, %sub3A_161, %div3A_134 : vector<64x64xi1>, vector<64x64xi32>
    %mul3A_163 = arith.constant 32 : i32
    %mul3A_164 = vector.broadcast %mul3A_163 : i32 to vector<64x64xi32>
    %mul3A_165 = arith.muli %select_n3A_162, %mul3A_164 : vector<64x64xi32>
    %jit3A_166 = arith.constant 8 : i32
    %div3A_167 = vector.broadcast %jit3A_166 : i32 to vector<64x64xi32>
    %div3A_168 = arith.divsi %select_n3A_131, %div3A_167 : vector<64x64xi32>
    %sign3A_169 = arith.constant 0 : i32
    %sign3A_170 = vector.broadcast %sign3A_169 : i32 to vector<64x64xi32>
    %sign3A_171 = arith.cmpi sgt, %select_n3A_131, %sign3A_170 : vector<64x64xi32>
    %sign3A_172 = arith.extui %sign3A_171 : vector<64x64xi1> to vector<64x64xi32>
    %sign3A_173 = arith.constant 0 : i32
    %sign3A_174 = vector.broadcast %sign3A_173 : i32 to vector<64x64xi32>
    %sign3A_175 = arith.cmpi slt, %select_n3A_131, %sign3A_174 : vector<64x64xi32>
    %sign3A_176 = arith.extui %sign3A_175 : vector<64x64xi1> to vector<64x64xi32>
    %sign3A_177 = arith.subi %sign3A_172, %sign3A_176 : vector<64x64xi32>
    %sign3A_178 = arith.constant 0 : i32
    %sign3A_179 = arith.cmpi sgt, %jit3A_166, %sign3A_178 : i32
    %sign3A_180 = arith.extui %sign3A_179 : i1 to i32
    %sign3A_181 = arith.constant 0 : i32
    %sign3A_182 = arith.cmpi slt, %jit3A_166, %sign3A_181 : i32
    %sign3A_183 = arith.extui %sign3A_182 : i1 to i32
    %sign3A_184 = arith.subi %sign3A_180, %sign3A_183 : i32
    %ne3A_185 = vector.broadcast %sign3A_184 : i32 to vector<64x64xi32>
    %ne3A_186 = arith.cmpi ne, %sign3A_177, %ne3A_185 : vector<64x64xi32>
    %rem3A_187 = vector.broadcast %jit3A_166 : i32 to vector<64x64xi32>
    %rem3A_188 = arith.remsi %select_n3A_131, %rem3A_187 : vector<64x64xi32>
    %ne3A_189 = arith.constant 0 : i32
    %ne3A_190 = vector.broadcast %ne3A_189 : i32 to vector<64x64xi32>
    %ne3A_191 = arith.cmpi ne, %rem3A_188, %ne3A_190 : vector<64x64xi32>
    %and3A_192 = arith.andi %ne3A_186, %ne3A_191 : vector<64x64xi1>
    %sub3A_193 = arith.constant 1 : i32
    %sub3A_194 = vector.broadcast %sub3A_193 : i32 to vector<64x64xi32>
    %sub3A_195 = arith.subi %div3A_168, %sub3A_194 : vector<64x64xi32>
    %select_n3A_196 = arith.select %and3A_192, %sub3A_195, %div3A_168 : vector<64x64xi1>, vector<64x64xi32>
    %mul3A_197 = arith.constant 16 : i32
    %mul3A_198 = vector.broadcast %mul3A_197 : i32 to vector<64x64xi32>
    %mul3A_199 = arith.muli %select_n3A_196, %mul3A_198 : vector<64x64xi32>
    %add3A_200 = arith.addi %mul3A_165, %mul3A_199 : vector<64x64xi32>
    %jit3A_201 = arith.constant 8 : i32
    %eq3A_202 = arith.constant 0 : i32
    %eq3A_203 = arith.cmpi eq, %jit3A_201, %eq3A_202 : i32
    %jit3A_204 = arith.constant 1 : i32
    %select_n3A_205 = arith.select %eq3A_203, %jit3A_204, %jit3A_201 : i32
    %rem3A_206 = vector.broadcast %select_n3A_205 : i32 to vector<64x64xi32>
    %rem3A_207 = arith.remsi %select_n3A_131, %rem3A_206 : vector<64x64xi32>
    %ne3A_208 = arith.constant 0 : i32
    %ne3A_209 = vector.broadcast %ne3A_208 : i32 to vector<64x64xi32>
    %ne3A_210 = arith.cmpi ne, %rem3A_207, %ne3A_209 : vector<64x64xi32>
    %lt3A_211 = arith.constant 0 : i32
    %lt3A_212 = vector.broadcast %lt3A_211 : i32 to vector<64x64xi32>
    %lt3A_213 = arith.cmpi slt, %rem3A_207, %lt3A_212 : vector<64x64xi32>
    %lt3A_214 = arith.constant 0 : i32
    %lt3A_215 = arith.cmpi slt, %select_n3A_205, %lt3A_214 : i32
    %ne3A_216 = vector.broadcast %lt3A_215 : i1 to vector<64x64xi1>
    %ne3A_217 = vector.broadcast %ne3A_216 : vector<64x64xi1> to vector<64x64xi1>
    %ne3A_218 = arith.xori %lt3A_213, %ne3A_217 : vector<64x64xi1>
    %and3A_219 = arith.andi %ne3A_218, %ne3A_210 : vector<64x64xi1>
    %add3A_220 = vector.broadcast %select_n3A_205 : i32 to vector<64x64xi32>
    %add3A_221 = arith.addi %rem3A_207, %add3A_220 : vector<64x64xi32>
    %select_n3A_222 = arith.select %and3A_219, %add3A_221, %rem3A_207 : vector<64x64xi1>, vector<64x64xi32>
    %mul3A_223 = arith.constant 2 : i32
    %mul3A_224 = vector.broadcast %mul3A_223 : i32 to vector<64x64xi32>
    %mul3A_225 = arith.muli %select_n3A_222, %mul3A_224 : vector<64x64xi32>
    %add3A_226 = arith.addi %add3A_200, %mul3A_225 : vector<64x64xi32>
    %jit3A_227 = arith.constant 16 : i32
    %div3A_228 = vector.broadcast %jit3A_227 : i32 to vector<64x64xi32>
    %div3A_229 = arith.divsi %select_n3A_109, %div3A_228 : vector<64x64xi32>
    %sign3A_230 = arith.constant 0 : i32
    %sign3A_231 = vector.broadcast %sign3A_230 : i32 to vector<64x64xi32>
    %sign3A_232 = arith.cmpi sgt, %select_n3A_109, %sign3A_231 : vector<64x64xi32>
    %sign3A_233 = arith.extui %sign3A_232 : vector<64x64xi1> to vector<64x64xi32>
    %sign3A_234 = arith.constant 0 : i32
    %sign3A_235 = vector.broadcast %sign3A_234 : i32 to vector<64x64xi32>
    %sign3A_236 = arith.cmpi slt, %select_n3A_109, %sign3A_235 : vector<64x64xi32>
    %sign3A_237 = arith.extui %sign3A_236 : vector<64x64xi1> to vector<64x64xi32>
    %sign3A_238 = arith.subi %sign3A_233, %sign3A_237 : vector<64x64xi32>
    %sign3A_239 = arith.constant 0 : i32
    %sign3A_240 = arith.cmpi sgt, %jit3A_227, %sign3A_239 : i32
    %sign3A_241 = arith.extui %sign3A_240 : i1 to i32
    %sign3A_242 = arith.constant 0 : i32
    %sign3A_243 = arith.cmpi slt, %jit3A_227, %sign3A_242 : i32
    %sign3A_244 = arith.extui %sign3A_243 : i1 to i32
    %sign3A_245 = arith.subi %sign3A_241, %sign3A_244 : i32
    %ne3A_246 = vector.broadcast %sign3A_245 : i32 to vector<64x64xi32>
    %ne3A_247 = arith.cmpi ne, %sign3A_238, %ne3A_246 : vector<64x64xi32>
    %rem3A_248 = vector.broadcast %jit3A_227 : i32 to vector<64x64xi32>
    %rem3A_249 = arith.remsi %select_n3A_109, %rem3A_248 : vector<64x64xi32>
    %ne3A_250 = arith.constant 0 : i32
    %ne3A_251 = vector.broadcast %ne3A_250 : i32 to vector<64x64xi32>
    %ne3A_252 = arith.cmpi ne, %rem3A_249, %ne3A_251 : vector<64x64xi32>
    %and3A_253 = arith.andi %ne3A_247, %ne3A_252 : vector<64x64xi1>
    %sub3A_254 = arith.constant 1 : i32
    %sub3A_255 = vector.broadcast %sub3A_254 : i32 to vector<64x64xi32>
    %sub3A_256 = arith.subi %div3A_229, %sub3A_255 : vector<64x64xi32>
    %select_n3A_257 = arith.select %and3A_253, %sub3A_256, %div3A_229 : vector<64x64xi1>, vector<64x64xi32>
    %add3A_258 = arith.addi %add3A_226, %select_n3A_257 : vector<64x64xi32>
    %eq3A_259 = arith.cmpi eq, %iota3A_87, %add3A_258 : vector<64x64xi32>
    %convert_element_type3A_260 = arith.extui %eq3A_259 : vector<64x64xi1> to vector<64x64xi32>
    %convert_element_type3A_261 = arith.sitofp %convert_element_type3A_260 : vector<64x64xi32> to vector<64x64xf32>
    %div3A_262 = arith.divf %slice3A, %add3A_85 : vector<256x64xf32>
    %dot_general3A_263 = arith.constant dense<0.000000e+00> : vector<256x64xf32>
    %dot_general3A_264 = tpu.matmul %div3A_262, %convert_element_type3A_261, %dot_general3A_263 {dimension_numbers = #tpu.dot_dimension_numbers<[1], [0], [0], [1], [0, 0, 1, 1], [], []>, transpose_lhs_hint = false} : vector<256x64xf32>, vector<64x64xf32>, vector<256x64xf32> -> vector<256x64xf32>
    %swap3A = arith.constant 0 : index
    %swap3A_265 = arith.constant 0 : index
    %swap3A_266 = vector.load %arg2[%swap3A, %swap3A_265] : memref<256x64xf32, #tpu.memory_space<vmem>>, vector<256x64xf32>
    tpu.vector_store %arg2[%swap3A, %swap3A_265], %dot_general3A_264 {strides = array<i32>} : memref<256x64xf32, #tpu.memory_space<vmem>>, vector<256x64xf32>,
    return
  }
  func.func @transform_0(%arg0: i32) -> (i32, i32) {
    %c0_i32 = arith.constant 0 : i32
    %c0_i32_0 = arith.constant 0 : i32
    return %arg0, %c0_i32 : i32, i32
  }
  func.func @transform_1(%arg0: i32) -> (i32, i32) {
    %c0_i32 = arith.constant 0 : i32
    %c0_i32_0 = arith.constant 0 : i32
    return %arg0, %c0_i32 : i32, i32
  }
}

</mosaic_0001>

<sc_bundles>
// kernel: kernel.5.cloned.1.call-start
scs
__scs_entry_jumppad:
0x0: {  	(pc) =	sbr.rel $0x88, $3  }
0x1: {  	(tag) =	ssettag $0x0;
	lr =	simm.s32 $0x1  }
0x2: {  	[smem:$0x3F9C] =	sst lr;
	_ =	strace $0xD0000000  }
0x3: {  	_ = 	snop  }
0x4: {  	_ = 	snop  }
0x5: {  	_ = 	snop  }
0x6: {  	_ = 	snop  }
0x7: {  	_ = 	snop  }
__scs_overlays_trampoline_lowered:
0x8: {  	[smem:$0x3FAB] =	sst s0  }
0x9: {  	[smem:$0x3FAC] =	sst s1  }
0xa: {  	[smem:$0x3FAD] =	sst s2  }
0xb: {  	[smem:$0x3FAE] =	sst s3  }
0xc: {  	[smem:$0x3FAF] =	sst s4  }
0xd: {  	[smem:$0x3FB0] =	sst s5  }
0xe: {  	[smem:$0x3FB1] =	sst s6  }
0xf: {  	[smem:$0x3FB2] =	sst s7  }
0x10: {  	[smem:$0x3FB3] =	sst s8  }
0x11: {  	[smem:$0x3FB4] =	sst s9;
	s0 =	simm.s32 @!p0 $0x0  }
0x12: {  	s1 =	sld [smem:$0x3F9A];
	s0 =	simm.s32 @p0 $0x1  }
0x13: {  	[smem:$0x3FB5] =	sst s0;
	s0 =	simm.s32 @!p1 $0x0  }
0x14: {  	s2 =	sld [smem:$0x3F99];
	s0 =	simm.s32 @p1 $0x1  }
0x15: {  	[smem:$0x3FB6] =	sst s0;
	s0 =	simm.s32 @!p2 $0x0  }
0x16: {  	s3 =	sld [smem:$0x3FDB];
	s0 =	simm.s32 @p2 $0x1  }
0x17: {  	s4 =	simm.s32 $0x1BF5;
	[smem:$0x3FB8] =	sst s0  }
0x18: {  	s0 =	sld [smem:$0x3F9B];
	_ =	swait.ge [sflag:s4], $0x0  }
0x19: {  	s7 =	sld [smem:$0x3F9C]  }
0x1a: {  	s8 =	sadd.s32 $0xFFFFE003, lr  }
0x1b: {  	s9 =	sadd.s32 $0xFFFFFEF7, lr;
	s5 =	simm.s32 $0xFFFFFFFF;
	p2 =	slt.u32 s8, $0xFFFFF086  }
0x1c: {  	p1 =	slt.u32 s9, $0xF7A;
	s5 =	simm.s32 @!p2 $0x0  }
0x1d: {  	s5 =	simm.s32 @p1 $0x1;
	p0 =	seq.s32 s7, s2  }
0x1e: {  	s7 =	smul.u32 @!p0 $0xF7A, s2;
	p2 =	seq.s32 @!p0 s5, $0x0  }
0x1f: {  	s9 =	smul.u32 $0xF7A, s1;
	s8 =	simm.s32 @!p0 $0x1BF5;
	p2 =	por !p2, p0  }
0x20: {  	[sflag:s8] =	ssyncset.s32 @!p0 $0xFFFFF086;
	s6 =	sadd.s32 @!p0 s3, s7;
	s7 =	simm.s32 @!p0 $0x108  }
0x21: {  	s3 =	sadd.s32 s3, s9;
	s6 =	sadd.s32 @!p0 $0x88, s6;
	s7 =	simm.s32 @p2 $0x1082  }
0x22: {  	[simem:s7], [sflag:s8] =	dma.local @!p0 [hbm:s6], $0xF7A  }
0x23: {  	s9 =	sor.u32 $0xD0000000, s2;
	s6 =	simm.s32 $0x108;
	_ =	swait.ge @!p0 [sflag:s8], $0x0  }
0x24: {  	s3 =	sadd.s32 $0x88, s3;
	s6 =	simm.s32 @!p1 $0x1082;
	[sflag:s4] =	ssyncset.s32 $0xFFFFF086  }
0x25: {  	[simem:s6], [sflag:s4] =	dma.local [hbm:s3], $0xF7A  }
0x26: {  	[smem:$0x3F9C] =	sst s1;
	(tag) =	ssettag s2;
	_ =	strace s9  }
0x27: {  	s1 =	sld [smem:$0x3FAC]  }
0x28: {  	s2 =	sld [smem:$0x3FAD]  }
0x29: {  	s4 =	sld [smem:$0x3FAF]  }
0x2a: {  	p0 =	seq.s32 s5, $0x0;
	s5 =	sld [smem:$0x3FB0]  }
0x2b: {  	s6 =	sld [smem:$0x3FB1]  }
0x2c: {  	s7 =	sld [smem:$0x3FB2]  }
0x2d: {  	s3 =	simm.s32 $0x108;
	s8 =	sld [smem:$0x3FB3]  }
0x2e: {  	s3 =	simm.s32 @!p0 $0x1082;
	s9 =	sld [smem:$0x3FB4]  }
0x2f: {  	lr =	sadd.s32 s0, s3;
	s0 =	sld [smem:$0x3FAB]  }
0x30: {  	s3 =	sld [smem:$0x3FAE]  }
0x31: {  	[smem:$0x3FB7] =	sst s10  }
0x32: {  	s10 =	sld [smem:$0x3FB5];
	_ =	sdelay $0x3  }
0x33: {  	p0 =	seq.s32 s10, $0x1;
	s10 =	sld [smem:$0x3FB7];
	_ =	sdelay $0x3  }
0x34: {  	[smem:$0x3FB7] =	sst s10  }
0x35: {  	s10 =	sld [smem:$0x3FB6];
	_ =	sdelay $0x3  }
0x36: {  	p1 =	seq.s32 s10, $0x1;
	s10 =	sld [smem:$0x3FB7];
	_ =	sdelay $0x3  }
0x37: {  	[smem:$0x3FB7] =	sst s10  }
0x38: {  	s10 =	sld [smem:$0x3FB8]  }
0x39: {  	_ = 	snop;
	(pc) =	sbr.ind lr, $3  }
0x3a: {  	_ = 	snop  }
0x3b: {  	_ = 	snop  }
0x3c: {  	p2 =	seq.s32 s10, $0x1;
	s10 =	sld [smem:$0x3FB7]  }
0x3d: {  	_ =	shalt  }
0x3e: {  	_ =	shalt  }
0x3f: {  	_ =	shalt  }
0x40: {  	_ =	shalt  }
0x41: {  	_ =	shalt  }
0x42: {  	_ =	shalt  }
0x43: {  	_ =	shalt  }
0x44: {  	_ =	shalt  }
0x45: {  	_ =	shalt  }
0x46: {  	_ =	shalt  }
0x47: {  	_ =	shalt  }
0x48: {  	_ =	shalt  }
0x49: {  	_ =	shalt  }
0x4a: {  	_ =	shalt  }
0x4b: {  	_ =	shalt  }
0x4c: {  	_ =	shalt  }
0x4d: {  	_ =	shalt  }
0x4e: {  	_ =	shalt  }
0x4f: {  	_ =	shalt  }
0x50: {  	_ =	shalt  }
0x51: {  	_ =	shalt  }
0x52: {  	_ =	shalt  }
0x53: {  	_ =	shalt  }
0x54: {  	_ =	shalt  }
0x55: {  	_ =	shalt  }
0x56: {  	_ =	shalt  }
0x57: {  	_ =	shalt  }
0x58: {  	_ =	shalt  }
0x59: {  	_ =	shalt  }
0x5a: {  	_ =	shalt  }
0x5b: {  	_ =	shalt  }
0x5c: {  	_ =	shalt  }
0x5d: {  	_ =	shalt  }
0x5e: {  	_ =	shalt  }
0x5f: {  	_ =	shalt  }
0x60: {  	_ =	shalt  }
0x61: {  	_ =	shalt  }
0x62: {  	_ =	shalt  }
0x63: {  	_ =	shalt  }
0x64: {  	_ =	shalt  }
0x65: {  	_ =	shalt  }
0x66: {  	_ =	shalt  }
0x67: {  	_ =	shalt  }
0x68: {  	_ =	shalt  }
0x69: {  	_ =	shalt  }
0x6a: {  	_ =	shalt  }
0x6b: {  	_ =	shalt  }
0x6c: {  	_ =	shalt  }
0x6d: {  	_ =	shalt  }
0x6e: {  	_ =	shalt  }
0x6f: {  	_ =	shalt  }
0x70: {  	_ =	shalt  }
0x71: {  	_ =	shalt  }
0x72: {  	_ =	shalt  }
0x73: {  	_ =	shalt  }
0x74: {  	_ =	shalt  }
0x75: {  	_ =	shalt  }
0x76: {  	_ =	shalt  }
0x77: {  	_ =	shalt  }
0x78: {  	_ =	shalt  }
0x79: {  	_ =	shalt  }
0x7a: {  	_ =	shalt  }
0x7b: {  	_ =	shalt  }
0x7c: {  	_ =	shalt  }
0x7d: {  	_ =	shalt  }
0x7e: {  	_ =	shalt  }
0x7f: {  	_ =	shalt  }
0x80: {  	_ =	shalt  }
0x81: {  	_ =	shalt  }
0x82: {  	_ =	shalt  }
0x83: {  	_ =	shalt  }
0x84: {  	_ =	shalt  }
0x85: {  	_ =	shalt  }
0x86: {  	_ =	shalt  }
0x87: {  	_ =	shalt  }
.Lfunc_end0:
.L_simem_size_0:
called_computation_lowered:
.L_overlay_start_0:
0x88: {  	s2 =	sld [smem:$0x3FD9]  }
0x89: {  	s3 =	sld [smem:$0x3FFE];
	_ =	sdelay $0x1  }
0x8a: {  	s1 =	srdreg.scid  }
0x8b: {  	s0 =	sand.u32 $0x1, s1  }
0x8c: {  	s17 =	sshll.u32 s0, $0xA;
	s2 =	sadd.s32 s3, s2  }
0x8d: {  	s2 =	sadd.s32 s2, s17  }
0x8e: {  	[smem:$0x3FC3] =	sst s2  }
0x8f: {  	_ = 	snop  }
0x90: {  	s2 =	sld [smem:$0x3FD0];
	(tm) =	ssettm $0x1  }
0x91: {  	s18 =	sld [smem:$0x3FFB];
	_ =	sdelay $0x3  }
0x92: {  	_ =	strace s18  }
0x93: {  	s3 =	sld [smem:$0x3FFC];
	_ =	sdelay $0x3  }
0x94: {  	_ =	strace s3  }
0x95: {  	s3 =	sld [smem:$0x3FFD];
	_ =	sdelay $0x3  }
0x96: {  	_ =	strace s3  }
0x97: {  	_ =	strace $0x8FFFFFFF  }
0x98: {  	s19 =	sld [smem:$0x3FDB];
	_ =	sdelay $0x1  }
0x99: {  	s4 =	simm.s32 $_scs_section_size  }
0x9a: {  	s5 =	simm.s32 $_size__tile_overlayer_lowered;
	s6 =	simm.s32 $_tile_overlayer_lowered  }
0x9b: {  	s22 =	simm.s32 $0x1BFF;
	s21 =	sshll.u32 s6, $0x1;
	s3 =	sadd.s32 s4, s19  }
0x9c: {  	s7 =	simm.s32 $0x0;
	s20 =	sshll.u32 s5, $0x1;
	s5 =	sadd.s32 s21, s3  }
0x9d: {  	[timem:s7], [sflag:s22] =	dma.local [hbm:s5], s20  }
0x9e: {  	_ =	swait.ge [sflag:s22], s20  }
0x9f: {  	s4 =	ssub.s32 $0x0, s20;
	[sflag:s22] =	ssyncset.done $0x0  }
0xa0: {  	[sflag:s22] =	ssyncadd.s32 s4;
	_ =	sdelay $0x1  }
0xa1: {  	s23 =	simm.s32 $0x1B8B  }
0xa2: {  	_ =	swait.ge [sflag:s23], $0x1  }
0xa3: {  	[sflag:s23] =	ssyncset.done $0x0  }
0xa4: {  	s25 =	simm.s32 $0x1B8E;
	s24 =	sld [smem:$0x3FFE];
	[sflag:s23] =	ssyncadd.s32 $0xFFFFFFFF  }
0xa5: {  	s26 =	simm.s32 $execute0_lowered;
	[smem:$0x3FD2] =	sst s25  }
0xa6: {  	s5 =	sshll.u32 s26, $0x1;
	_ =	strace $0x80000046;
	[dreg:$0x1] =	wrdreg $0xFFFFFFFF  }
0xa7: {  	s28 =	simm.s32 $_size_execute0_lowered;
	s3 =	sadd.s32 s3, s5;
	[dreg:$0x0] =	wrdreg $0x0  }
0xa8: {  	s5 =	sshll.u32 s28, $0x1;
	[dreg:$0x2] =	wrdreg s3  }
0xa9: {  	[dreg:$0x3] =	wrdreg s5  }
0xaa: {  	[dreg:$0x4] =	wrdreg $0xC0  }
0xab: {  	_ =	task [dreg:s7], $0x5FFFF  }
0xac: {  	[dreg:$0x1] =	wrdreg $0xFFFFFFFF  }
0xad: {  	[dreg:$0x0] =	wrdreg $0x60  }
0xae: {  	[dreg:$0x2] =	wrdreg s2  }
0xaf: {  	[dreg:$0x3] =	wrdreg s24  }
0xb0: {  	[dreg:$0x4] =	wrdreg $0x128000  }
0xb1: {  	[dreg:$0x5] =	wrdreg $0x9  }
0xb2: {  	_ =	task.clear_ibuf [dreg:s7], $0x6FFFF;
	_ =	strace $0x90000046  }
0xb3: {  	s29 =	simm.s32 $0x9;
	_ =	strace $0x80000048  }
0xb4: {  	_ =	swait.ge [sflag:s29], $0x1  }
0xb5: {  	[sflag:s29] =	ssyncadd.s32 $0xFFFFFFFF  }
0xb6: {  	_ =	strace $0x90000048  }
0xb7: {  	_ =	sfence  }
0xb8: {  	s30 =	sld [smem:$0x0];
	_ =	sdelay $0x2  }
0xb9: {  	s31 =	sshll.u32 s1, $0xD;
	s1 =	sshrl.u32 s1, $0x2  }
0xba: {  	s3 =	sand.u32 $0x4000, s31;
	s1 =	sadd.s32 s1, s30  }
0xbb: {  	s0 =	sor.u32 s3, s0;
	s1 =	sshll.u32 s1, $0x11  }
0xbc: {  	s0 =	sor.u32 s1, s0  }
0xbd: {  	s0 =	sadd.s32 $0x8F2B, s0  }
0xbe: {  	[sflag:s0] =	ssyncadd.remote.s32 $0x1  }
0xbf: {  	_ =	sfence.sel $0xFFFF  }
0xc0: {  	[dreg:$0x0] =	wrdreg $0xFFFFFFFF;
	(pc) =	sbr.abs _section_cstart, $3  }
0xc1: {  	[dreg:$0x1] =	wrdreg $0xFFFFFFFF  }
0xc2: {  	_ =	task.clear_ibuf [dreg:s7], $0x2FFFF;
	_ =	strace $0x9FFFFFFF  }
0xc3: {  	(tm) =	ssettm $0x7FFFFFFF  }
tec
execute0_lowered:
.L_overlay_start_1:
0x0: {  	(tag) =	ssettag $0x1  }
0x1: {  	s0 =	rddreg [dreg:$0x0]  }
0x2: {  	s1 =	rddreg [dreg:$0x1];
	s3 =	srdreg.scid  }
0x3: {  	s2 =	rddreg [dreg:$0x2];
	s12 =	stileid.u32;
	s14 =	simm.s32 $0x4  }
0x4: {  	s15 =	simm.s32 $0x10000;
	s16 =	simm.s32 $0x5000;
	s17 =	simm.s32 $0x80  }
0x5: {  	s18 =	simm.s32 $0xA000;
	s19 =	simm.s32 $0xC000;
	s20 =	simm.s32 $0xE000  }
0x6: {  	s21 =	simm.s32 $0xB000;
	s22 =	simm.s32 $0xD000;
	s23 =	simm.s32 $0xF000  }
0x7: {  	s24 =	simm.s32 $0x3;
	s28 =	simm.s32 $0x0;
	s7 =	smul.u32 $0xA00, s12  }
0x8: {  	v0 =	vimm.s32 $0xEFCDAB89;
	v1 =	vimm.s32 $0x67452301;
	s5 =	sand.u32 $0x1, s3;
	s3 =	simm.s32 $0x0;
	s8 =	smul.u32 $0xC800, s12  }
0x9: {  	v2 =	vimm.s32 $0xDCFE98BA;
	v3 =	vimm.s32 $0x54761032;
	s4 =	sadd.s32 $0x3C800, s1;
	s25 =	sshll.u32 s12, $0x6;
	s6 =	smul.u32 $0xA000, s5  }
0xa: {  	v4 =	vimm.s32 $0xBA98FEDC;
	v5 =	vimm.s32 $0x32107654;
	[smem:$0x7FF] =	sst s3;
	s9 =	smul.u32 $0xC8000, s5;
	s5 =	ssub.s32 $0x2, s5  }
0xb: {  	v0 =	vunpack.c.l.s4.s8 v0;
	v1 =	vunpack.c.l.s4.s8 v1;
	v2 =	vunpack.c.l.s4.s8 v2;
	_ =	strace $0x80000047;
	s7 =	sadd.s32 s7, s1;
	s11 =	sshrl.u32 s5, $0x1  }
0xc: {  	v3 =	vunpack.c.l.s4.s8 v3;
	v4 =	vunpack.c.l.s4.s8 v4;
	v5 =	vunpack.c.l.s4.s8 v5;
	s26 =	sadd.s32 s8, s2;
	s10 =	sadd.s32 s6, s1;
	s9 =	sadd.s32 s8, s9  }
0xd: {  	v0 =	vunpack.c.0.s8.s32 v0;
	v1 =	vunpack.c.0.s8.s32 v1;
	v2 =	vunpack.c.0.s8.s32 v2;
	s11 =	ssub.s32 s5, s11;
	s5 =	sor.u32 $0x1C04, s25;
	s29 =	sadd.s32 $0x32800, s7  }
0xe: {  	v3 =	vunpack.c.0.s8.s32 v3;
	v4 =	vunpack.c.0.s8.s32 v4;
	v5 =	vunpack.c.0.s8.s32 v5;
	s7 =	sadd.s32 $0x28800, s7;
	s8 =	sadd.s32 s0, s6;
	s13 =	sshrl.u32 s26, $0x3  }
0xf: {  	vm0 =	vmmov $0x1;
	vm1 =	vcmask $0x310;
	s25 =	simm.s32 $0x1;
	s9 =	sshrl.u32 s9, $0x3;
	[dreg:$0x4] =	wrdreg s29;
	v0 =	vcombine.low v1, v0  }
0x10: {  	vm2 =	vcmask $0x710;
	[dreg:$0x5] =	wrdreg s7;
	s31 =	smax.u32 s11, $0x1;
	v1 =	vcombine.low v3, v2;
	v2 =	vcombine.low v5, v4;
	s1 =	sadd.s32 s9, s1  }
0x11: {  	vm3 =	vcmask $0xB10;
	s26 =	simm.s32 $0x2;
	v3 =	vimm.s32 $0x0;
	v4 =	vimm.s32 $0x8;
	[dreg:$0x7] =	wrdreg s31;
	s30 =	sadd.s32 $0x3E200, s1  }
0x12: {  	s9 =	sadd.s32 $0x14800, s10;
	s10 =	sadd.s32 $0x800, s10;
	v0 =	vand.u32 $0xF, v0;
	v1 =	vand.u32 $0xF, v1;
	v2 =	vand.u32 $0xF, v2;
	[dreg:$0x6] =	wrdreg s30  }
.LBB2_1:
0x13: {  	[spmem:s13], [sflag:s5] =	dma.local [hbm:s4], $0x1900  }
0x14: {  	_ =	swait.ge [sflag:s14], $0x1900  }
0x15: {  	[sflag:s14] =	ssyncset.done $0x0  }
0x16: {  	[sflag:s14] =	ssyncadd.s32 $0xFFFFE700  }
0x17: {  	[tilespmem:s15], [sflag:$0x4] =	stream.linear.gather [hbm4b:s4+s3], $0x2800, $0x38;
	[tilespmem:$0x1F000] =	vst v63  }
0x18: {  	_ =	swait.ge [sflag:s14], $0x2800  }
0x19: {  	[sflag:s14] =	ssyncset.done $0x0  }
0x1a: {  	s0 =	rddreg [dreg:$0x4];
	[sflag:s14] =	ssyncadd.s32 $0xFFFFD800  }
0x1b: {  	[tilespmem:s3], [sflag:$0x4] =	stream.linear.gather [hbm4b:s0+s3], $0x5000, $0x38;
	[tilespmem:$0x1F000] =	vst v63  }
0x1c: {  	_ =	swait.ge [sflag:s14], $0x5000  }
0x1d: {  	[sflag:s14] =	ssyncset.done $0x0  }
0x1e: {  	s31 =	rddreg [dreg:$0x5];
	[sflag:s14] =	ssyncadd.s32 $0xFFFFB000  }
0x1f: {  	[tilespmem:s16], [sflag:$0x4] =	stream.linear.gather [hbm4b:s31+s3], $0x5000, $0x38;
	[tilespmem:$0x1F000] =	vst v63  }
0x20: {  	_ =	swait.ge [sflag:s14], $0x5000  }
0x21: {  	[sflag:s14] =	ssyncset.done $0x0  }
0x22: {  	[sflag:s14] =	ssyncadd.s32 $0xFFFFB000  }
0x23: {  	[bflag:$0x0] =	sbarrier.arrive $0xFFFF  }
0x24: {  	[spmem:s2] =	stream.indirect.scatter.add.f32 [tilespmem:s15], [sflag:$0x3], $0x50, s16, s17, $0xb8;
	[tilespmem:$0x1F000] =	vst v63  }
0x25: {  	_ = 	snop  }
0x26: {  	[tilespmem:s18], [sflag:$0x1] =	stream.indirect.gather [hbm4b:s8+s17], $0x20, s3, s17, $0xb8;
	[tilespmem:$0x1F000] =	vst v63  }
0x27: {  	_ = 	snop  }
0x28: {  	[tilespmem:s19], [sflag:$0x1] =	stream.indirect.gather [hbm4b:s9+s17], $0x20, s16, s17, $0xb8;
	[tilespmem:$0x1F000] =	vst v63  }
0x29: {  	s29 =	simm.s32 $0x0  }
0x2a: {  	[tilespmem:s20], [sflag:$0x1] =	stream.indirect.gather [hbm4b:s10+s17], $0x20, s3, s17, $0xb8;
	[tilespmem:$0x1F000] =	vst v63  }
.LBB2_2:
0x2b: {  	s31 =	sshll.u32 s29, $0x8  }
0x2c: {  	s0 =	sor.u32 $0x80, s31  }
0x2d: {  	[tilespmem:s21], [sflag:$0x2] =	stream.indirect.gather [hbm4b:s8+s17], $0x20, s0, s17, $0xb8;
	[tilespmem:$0x1F000] =	vst v63  }
0x2e: {  	s30 =	sadd.s32 $0x5080, s31  }
0x2f: {  	[tilespmem:s22], [sflag:$0x2] =	stream.indirect.gather [hbm4b:s9+s17], $0x20, s30, s17, $0xb8;
	[tilespmem:$0x1F000] =	vst v63  }
0x30: {  	_ = 	snop  }
0x31: {  	[tilespmem:s23], [sflag:$0x2] =	stream.indirect.gather [hbm4b:s10+s17], $0x20, s0, s17, $0xb8;
	[tilespmem:$0x1F000] =	vst v63  }
0x32: {  	_ =	swait.ge [sflag:s24], $0x2800  }
0x33: {  	[sflag:s24] =	ssyncset.done $0x0  }
0x34: {  	[sflag:s24] =	ssyncadd.s32 $0xFFFFD800  }
0x35: {  	_ =	swait.ge [sflag:s25], $0x1000  }
0x36: {  	[sflag:s25] =	ssyncset.done $0x0  }
0x37: {  	[sflag:s25] =	ssyncadd.s32 $0xFFFFF000  }
0x38: {  	_ =	swait.ge [sflag:s25], $0x1000  }
0x39: {  	[sflag:s25] =	ssyncset.done $0x0  }
0x3a: {  	[sflag:s25] =	ssyncadd.s32 $0xFFFFF000  }
0x3b: {  	_ =	swait.ge [sflag:s25], $0x1000  }
0x3c: {  	[sflag:s25] =	ssyncset.done $0x0  }
0x3d: {  	s7 =	simm.s32 $0xA080;
	[sflag:s25] =	ssyncadd.s32 $0xFFFFF000  }
0x3e: {  	s0 =	simm.s32 $0xC080;
	v5 =	vld [tilespmem:s7+$0x60]  }
0x3f: {  	v6 =	vld [tilespmem:s0+$0x60];
	_ =	sdelay $0x3  }
0x40: {  	v7 =	vunpack.i.u.bf16.f32 v5  }
0x41: {  	v5 =	vunpack.i.l.bf16.f32 v5;
	v9 =	vunpack.i.u.bf16.f32 v6;
	v6 =	vunpack.i.l.bf16.f32 v6  }
0x42: {  	v8 =	vld [tilespmem:s0+$0xFFFFFF80];
	v5 =	vmul.f32 v6, v5;
	v6 =	vmul.f32 v9, v7  }
0x43: {  	v10 =	vld [tilespmem:s7+$0xFFFFFFA0]  }
0x44: {  	v17 =	vld [tilespmem:s0+$0x0];
	v5 =	vadd.f32 v5, v6  }
0x45: {  	v24 =	vld [tilespmem:s7+$0xFFFFFF80]  }
0x46: {  	v12 =	vperm.xlane v5, v0  }
0x47: {  	v7 =	vld [tilespmem:s0+$0xFFFFFFA0]  }
0x48: {  	v23 =	vld [tilespmem:s0+$0x40];
	v13 =	vunpack.i.u.bf16.f32 v8;
	v8 =	vunpack.i.l.bf16.f32 v8;
	v5 =	vadd.f32 v5, v12  }
0x49: {  	v15 =	vunpack.i.u.bf16.f32 v10;
	v10 =	vunpack.i.l.bf16.f32 v10;
	v26 =	vunpack.i.u.bf16.f32 v17;
	v9 =	vld [tilespmem:s7+$0xFFFFFFC0]  }
0x4a: {  	v28 =	vunpack.i.u.bf16.f32 v24;
	v24 =	vunpack.i.l.bf16.f32 v24;
	v6 =	vld [tilespmem:s0+$0xFFFFFFC0];
	v19 =	vperm.xlane v5, v1  }
0x4b: {  	v11 =	vld [tilespmem:s7+$0xFFFFFFE0];
	v17 =	vunpack.i.l.bf16.f32 v17;
	v8 =	vmul.f32 v8, v24;
	v13 =	vmul.f32 v13, v28  }
0x4c: {  	v16 =	vld [tilespmem:s7+$0x0];
	v12 =	vunpack.i.u.bf16.f32 v7;
	v7 =	vunpack.i.l.bf16.f32 v7;
	v5 =	vadd.f32 v5, v19  }
0x4d: {  	v18 =	vld [tilespmem:s7+$0x20];
	v27 =	vunpack.i.u.bf16.f32 v23;
	v8 =	vadd.f32 v8, v13;
	v7 =	vmul.f32 v7, v10  }
0x4e: {  	v10 =	vunpack.i.u.bf16.f32 v9;
	v9 =	vunpack.i.l.bf16.f32 v9;
	v25 =	vperm.xlane v5, v2  }
0x4f: {  	v14 =	vld [tilespmem:s0+$0xFFFFFFE0];
	v20 =	vunpack.i.u.bf16.f32 v6;
	v6 =	vunpack.i.l.bf16.f32 v6;
	v12 =	vmul.f32 v12, v15  }
0x50: {  	v22 =	vld [tilespmem:s7+$0x40];
	v15 =	vunpack.i.u.bf16.f32 v11;
	v11 =	vunpack.i.l.bf16.f32 v11;
	v5 =	vadd.f32 v5, v25  }
0x51: {  	v21 =	vld [tilespmem:s0+$0x20];
	v6 =	vmul.f32 v6, v9;
	v9 =	vunpack.i.u.bf16.f32 v16;
	v16 =	vunpack.i.l.bf16.f32 v16  }
0x52: {  	v10 =	vmul.f32 v20, v10;
	v20 =	vunpack.i.u.bf16.f32 v18;
	v5 =	vmul.f32 $2.500000000e-01, v5  }
0x53: {  	v18 =	vunpack.i.l.bf16.f32 v18;
	v16 =	vmul.f32 v17, v16;
	v7 =	vadd.f32 v7, v12  }
0x54: {  	v19 =	vunpack.i.u.bf16.f32 v14;
	v14 =	vunpack.i.l.bf16.f32 v14;
	v5 =	vmax.f32 v5, $-5.000000000e+00  }
0x55: {  	v11 =	vmul.f32 v14, v11;
	v14 =	vunpack.i.u.bf16.f32 v22;
	v5 =	vmin.f32 v5, $5.000000000e+00  }
0x56: {  	v25 =	vunpack.i.u.bf16.f32 v21;
	v21 =	vunpack.i.l.bf16.f32 v21;
	v5 =	vmul.f32 $1.442695020e+00, v5  }
0x57: {  	v22 =	vunpack.i.l.bf16.f32 v22;
	v15 =	vmul.f32 v19, v15;
	v12 =	vmul.f32 v21, v18  }
0x58: {  	v19 =	vunpack.i.l.bf16.f32 v23;
	v13 =	vmul.f32 v25, v20;
	(erf) = vpow2.f32 v5  }
0x59: {  	s6 =	simm.s32 $0xE080;
	v5 =	vadd.f32 v6, v10;
	v6 =	vmul.f32 v19, v22;
	v10 =	vmul.f32 v27, v14  }
0x5a: {  	v9 =	vmul.f32 v26, v9;
	v11 =	vadd.f32 v11, v15;
	v15 =	vld [tilespmem:s6+$0x60];
	v12 =	vadd.f32 v12, v13  }
0x5b: {  	v14 =	vperm.xlane v8, v0;
	v6 =	vadd.f32 v6, v10;
	v10 =	vperm.xlane v7, v0  }
0x5c: {  	v9 =	vadd.f32 v16, v9;
	v16 =	vperm.xlane v12, v0;
	v13 =	vperm.xlane v5, v0  }
0x5d: {  	v8 =	vadd.f32 v8, v14;
	v14 =	vperm.xlane v11, v0;
	v7 =	vadd.f32 v7, v10  }
0x5e: {  	v10 =	vperm.xlane v9, v0;
	v13 =	vadd.f32 v5, v13;
	v5 =	vperm.xlane v6, v0  }
0x5f: {  	v17 =	vunpack.i.l.bf16.f32 v15;
	v15 =	vunpack.i.u.bf16.f32 v15;
	v11 =	vadd.f32 v11, v14  }
0x60: {  	v14 =	vperm.xlane v8, v1;
	v9 =	vadd.f32 v9, v10;
	v10 =	vadd.f32 v12, v16  }
0x61: {  	v12 =	vperm.xlane v7, v1;
	v16 =	vperm.xlane v13, v1;
	v6 =	vadd.f32 v6, v5  }
0x62: {  	v8 =	vadd.f32 v8, v14;
	v14 =	vperm.xlane v11, v1;
	v18 =	vperm.xlane v9, v1;
	v5 =	vpop (erf)  }
0x63: {  	v7 =	vadd.f32 v7, v12;
	v12 =	vperm.xlane v10, v1;
	v17 =	vmul.f32 v5, v17  }
0x64: {  	s1 =	simm.s32 $0x10140;
	v19 =	vperm.xlane v6, v1;
	v15 =	vmul.f32 v5, v15  }
0x65: {  	v20 =	vperm.xlane v8, v2;
	v13 =	vadd.f32 v13, v16;
	v11 =	vadd.f32 v11, v14;
	[tilespmem:s1+$0xF0] =	vst v17  }
0x66: {  	v14 =	vperm.xlane v7, v2;
	v9 =	vadd.f32 v9, v18;
	v10 =	vadd.f32 v10, v12;
	[tilespmem:s1+$0x100] =	vst v15  }
0x67: {  	v12 =	vperm.xlane v13, v2;
	v6 =	vadd.f32 v6, v19;
	v16 =	vperm.xlane v11, v2;
	v15 =	vld [tilespmem:s7+$0x70]  }
0x68: {  	v8 =	vadd.f32 v8, v20;
	v17 =	vperm.xlane v9, v2;
	v7 =	vadd.f32 v7, v14;
	v18 =	vld [tilespmem:s0+$0x70]  }
0x69: {  	v14 =	vperm.xlane v10, v2;
	v19 =	vperm.xlane v6, v2;
	v12 =	vadd.f32 v13, v12  }
0x6a: {  	v8 =	vmul.f32 $2.500000000e-01, v8;
	v11 =	vadd.f32 v11, v16;
	v7 =	vmul.f32 $2.500000000e-01, v7  }
0x6b: {  	v9 =	vadd.f32 v9, v17;
	v10 =	vadd.f32 v10, v14;
	v12 =	vmul.f32 $2.500000000e-01, v12  }
0x6c: {  	v11 =	vmul.f32 $2.500000000e-01, v11;
	v6 =	vadd.f32 v6, v19;
	v13 =	vunpack.i.u.bf16.f32 v15  }
0x6d: {  	v14 =	vunpack.i.l.bf16.f32 v15;
	v15 =	vunpack.i.u.bf16.f32 v18;
	v16 =	vunpack.i.l.bf16.f32 v18  }
0x6e: {  	v8 =	vmax.f32 v8, $-5.000000000e+00;
	v14 =	vmul.f32 v16, v14;
	v13 =	vmul.f32 v15, v13  }
0x6f: {  	v8 =	vmin.f32 v8, $5.000000000e+00;
	v9 =	vmul.f32 $2.500000000e-01, v9;
	v10 =	vmul.f32 $2.500000000e-01, v10  }
0x70: {  	v7 =	vmax.f32 v7, $-5.000000000e+00;
	v12 =	vmax.f32 v12, $-5.000000000e+00;
	v13 =	vadd.f32 v14, v13  }
0x71: {  	v6 =	vmul.f32 $2.500000000e-01, v6;
	v11 =	vmax.f32 v11, $-5.000000000e+00;
	v8 =	vmul.f32 $1.442695020e+00, v8  }
0x72: {  	v7 =	vmin.f32 v7, $5.000000000e+00;
	v12 =	vmin.f32 v12, $5.000000000e+00;
	v14 =	vperm.xlane v13, v0  }
0x73: {  	v11 =	vmin.f32 v11, $5.000000000e+00;
	v9 =	vmax.f32 v9, $-5.000000000e+00;
	v7 =	vmul.f32 $1.442695020e+00, v7  }
0x74: {  	v12 =	vmul.f32 $1.442695020e+00, v12;
	v10 =	vmax.f32 v10, $-5.000000000e+00;
	v13 =	vadd.f32 v13, v14  }
0x75: {  	v11 =	vmul.f32 $1.442695020e+00, v11;
	(erf) = vpow2.f32 v8;
	v6 =	vmax.f32 v6, $-5.000000000e+00  }
0x76: {  	v9 =	vmin.f32 v9, $5.000000000e+00;
	v10 =	vmin.f32 v10, $5.000000000e+00;
	v15 =	vperm.xlane v13, v1  }
0x77: {  	v6 =	vmin.f32 v6, $5.000000000e+00;
	(erf) = vpow2.f32 v7;
	v9 =	vmul.f32 $1.442695020e+00, v9  }
0x78: {  	v10 =	vmul.f32 $1.442695020e+00, v10;
	(erf) = vpow2.f32 v12;
	v13 =	vadd.f32 v13, v15  }
0x79: {  	v8 =	vld [tilespmem:s6+$0xFFFFFFA0];
	v6 =	vmul.f32 $1.442695020e+00, v6;
	(erf) = vpow2.f32 v11  }
0x7a: {  	v7 =	vld [tilespmem:s6+$0xFFFFFFC0];
	(erf) = vpow2.f32 v9;
	v15 =	vperm.xlane v13, v2  }
0x7b: {  	(erf) = vpow2.f32 v10;
	v14 =	vld [tilespmem:s6+$0xFFFFFF80]  }
0x7c: {  	v12 =	vld [tilespmem:s6+$0xFFFFFFE0];
	(erf) = vpow2.f32 v6;
	v6 =	vadd.f32 v13, v15;
	_ =	sdelay $0x2  }
0x7d: {  	v16 =	vunpack.i.u.bf16.f32 v8;
	v8 =	vunpack.i.l.bf16.f32 v8;
	v10 =	vunpack.i.u.bf16.f32 v7  }
0x7e: {  	v11 =	vld [tilespmem:s6+$0x0];
	v9 =	vunpack.i.u.bf16.f32 v14;
	v14 =	vunpack.i.l.bf16.f32 v14;
	v19 =	vmul.f32 $2.500000000e-01, v6;
	v6 =	vpop (erf)  }
0x7f: {  	v17 =	vunpack.i.u.bf16.f32 v12;
	v15 =	vunpack.i.l.bf16.f32 v7;
	v14 =	vmul.f32 v6, v14  }
0x80: {  	v21 =	vmul.f32 v6, v9;
	v7 =	vpop (erf);
	v9 =	vmax.f32 v19, $-5.000000000e+00;
	v44 =	vperm.xlane v6, v4  }
0x81: {  	v20 =	vld [tilespmem:s6+$0x40];
	v12 =	vunpack.i.l.bf16.f32 v12;
	v22 =	vmul.f32 v7, v8;
	v16 =	vmul.f32 v7, v16;
	v8 =	vpop (erf)  }
0x82: {  	v13 =	vld [tilespmem:s6+$0x20];
	[tilespmem:s1+$0xFFFFFEC0] =	vst v14;
	v14 =	vmul.f32 v8, v15;
	v15 =	vmul.f32 v8, v10;
	v10 =	vmin.f32 v9, $5.000000000e+00  }
0x83: {  	v18 =	vunpack.i.u.bf16.f32 v11;
	v45 =	vperm.xlane v7, v4;
	v47 =	vperm.xlane v8, v4;
	v9 =	vpop (erf)  }
0x84: {  	v11 =	vunpack.i.l.bf16.f32 v11;
	[tilespmem:s1+$0xFFFFFED0] =	vst v21;
	v21 =	vmul.f32 v9, v12;
	v12 =	vmul.f32 $1.442695020e+00, v10  }
0x85: {  	v52 =	vld [tilespmem:s6+$0x70];
	v17 =	vmul.f32 v9, v17;
	[tilespmem:s1+$0xFFFFFF60] =	vst v14;
	v14 =	vperm.xlane v6, v3;
	v10 =	vpop (erf)  }
0x86: {  	v24 =	vunpack.i.u.bf16.f32 v20;
	v23 =	vld [tilespmem:s7+$0xFFFFFF90];
	[tilespmem:s1+$0xFFFFFF10] =	vst v22;
	v48 =	vperm.xlane v9, v4;
	v22 =	vmul.f32 v10, v11  }
0x87: {  	v19 =	vunpack.i.u.bf16.f32 v13;
	v25 =	vld [tilespmem:s0+$0xFFFFFF90];
	[tilespmem:s1+$0xFFFFFF20] =	vst v16;
	v11 =	vpop (erf);
	v18 =	vmul.f32 v10, v18;
	(erf) = vpow2.f32 v12  }
0x88: {  	v13 =	vunpack.i.l.bf16.f32 v13;
	[tilespmem:s1+$0xFFFFFFC0] =	vst v17;
	v17 =	vperm.xlane v9, v3;
	v49 =	vperm.xlane v10, v4  }
0x89: {  	v16 =	vunpack.i.l.bf16.f32 v20;
	v20 =	vld [tilespmem:s7+$0xFFFFFFB0];
	v26 =	vmul.f32 v11, v13;
	v19 =	vmul.f32 v11, v19  }
0x8a: {  	v27 =	vld [tilespmem:s0+$0xFFFFFFB0];
	[tilespmem:s1+$0xFFFFFF70] =	vst v15;
	v14 =	vnsel vm0, $0x0, v14;
	v13 =	vperm.xlane v7, v3;
	v50 =	vperm.xlane v11, v4  }
0x8b: {  	[tilespmem:s1+$0xFFFFFFB0] =	vst v21;
	v44 =	vsel vm1, v14, v44;
	v14 =	vunpack.i.l.bf16.f32 v52;
	v21 =	vunpack.i.u.bf16.f32 v23  }
0x8c: {  	v28 =	vld [tilespmem:s7+$0xFFFFFFD0];
	v12 =	vpop (erf);
	v23 =	vunpack.i.l.bf16.f32 v23;
	v30 =	vunpack.i.u.bf16.f32 v25;
	v25 =	vunpack.i.l.bf16.f32 v25  }
0x8d: {  	v29 =	vld [tilespmem:s0+$0xFFFFFFD0];
	v42 =	vnsel vm0, $0x0, v17;
	v15 =	vmul.f32 v12, v16;
	v24 =	vmul.f32 v12, v24  }
0x8e: {  	[tilespmem:s1+$0x0] =	vst v22;
	v16 =	vperm.xlane v8, v3;
	v22 =	vmul.f32 v25, v23;
	v23 =	vunpack.i.u.bf16.f32 v20  }
0x8f: {  	[tilespmem:s1+$0x10] =	vst v18;
	v20 =	vunpack.i.l.bf16.f32 v20;
	v18 =	vmul.f32 v30, v21;
	v21 =	vunpack.i.u.bf16.f32 v27  }
0x90: {  	v27 =	vunpack.i.l.bf16.f32 v27;
	[tilespmem:s1+$0x60] =	vst v19;
	v19 =	vperm.xlane v5, v3;
	v60 =	vnsel vm0, $0x0, v13  }
0x91: {  	v31 =	vld [tilespmem:s7+$0xFFFFFFF0];
	[tilespmem:s1+$0x50] =	vst v26;
	v51 =	vperm.xlane v12, v4;
	v42 =	vsel vm1, v42, v48;
	v26 =	vunpack.i.u.bf16.f32 v28  }
0x92: {  	v28 =	vunpack.i.l.bf16.f32 v28;
	v33 =	vunpack.i.u.bf16.f32 v29;
	v29 =	vunpack.i.l.bf16.f32 v29  }
0x93: {  	v20 =	vmul.f32 v27, v20;
	v21 =	vmul.f32 v21, v23;
	v62 =	vsel vm1, v60, v45  }
0x94: {  	v25 =	vld [tilespmem:s0+$0xFFFFFFF0];
	[tilespmem:s1+$0xA0] =	vst v15;
	v15 =	vperm.xlane v5, v4;
	v19 =	vnsel vm0, $0x0, v19;
	v18 =	vadd.f32 v22, v18  }
0x95: {  	v34 =	vld [tilespmem:s7+$0x30];
	v22 =	vmul.f32 v29, v28;
	v26 =	vmul.f32 v33, v26;
	v61 =	vnsel vm0, $0x0, v16  }
0x96: {  	v36 =	vld [tilespmem:s0+$0x30];
	v16 =	vperm.xlane v10, v3;
	v35 =	vunpack.i.u.bf16.f32 v31;
	v31 =	vunpack.i.l.bf16.f32 v31  }
0x97: {  	v30 =	vld [tilespmem:s7+$0x10];
	[tilespmem:s1+$0xB0] =	vst v24;
	v20 =	vadd.f32 v20, v21;
	v47 =	vsel vm1, v61, v47;
	v15 =	vsel vm1, v19, v15  }
0x98: {  	v37 =	vld [tilespmem:s7+$0x50];
	v22 =	vadd.f32 v22, v26;
	v43 =	vnsel vm0, $0x0, v16;
	v16 =	vperm.xlane v12, v3  }
0x99: {  	v39 =	vld [tilespmem:s0+$0x50];
	v38 =	vunpack.i.u.bf16.f32 v25;
	v25 =	vunpack.i.l.bf16.f32 v25;
	v28 =	vperm.xlane v20, v0  }
0x9a: {  	v63 =	vsel vm1, v43, v49;
	v40 =	vunpack.i.u.bf16.f32 v34;
	v34 =	vunpack.i.l.bf16.f32 v34  }
0x9b: {  	v32 =	vld [tilespmem:s0+$0x10];
	v5 =	vpop (erf);
	v41 =	vunpack.i.u.bf16.f32 v36;
	v36 =	vunpack.i.l.bf16.f32 v36;
	v21 =	vmul.f32 v25, v31  }
0x9c: {  	v25 =	vmul.f32 v38, v35;
	v46 =	vnsel vm0, $0x0, v16;
	v24 =	vperm.xlane v5, v3  }
0x9d: {  	v19 =	vperm.xlane v5, v4;
	v27 =	vunpack.i.u.bf16.f32 v37;
	v37 =	vunpack.i.l.bf16.f32 v37  }
0x9e: {  	v23 =	vunpack.i.u.bf16.f32 v39;
	v15 =	vsel vm2, v15, v24;
	v24 =	vunpack.i.u.bf16.f32 v30  }
0x9f: {  	v30 =	vunpack.i.l.bf16.f32 v30;
	v23 =	vmul.f32 v23, v27;
	v27 =	vperm.xlane v18, v0  }
0xa0: {  	v15 =	vsel vm3, v15, v19;
	v19 =	vunpack.i.u.bf16.f32 v32;
	v32 =	vunpack.i.l.bf16.f32 v32  }
0xa1: {  	v39 =	vunpack.i.l.bf16.f32 v39;
	v26 =	vmul.f32 v32, v30;
	v19 =	vmul.f32 v19, v24  }
0xa2: {  	v21 =	vadd.f32 v21, v25;
	v25 =	vmul.f32 v41, v40;
	v24 =	vmul.f32 v36, v34  }
0xa3: {  	v18 =	vadd.f32 v18, v27;
	v19 =	vadd.f32 v26, v19;
	v26 =	vmul.f32 v39, v37  }
0xa4: {  	v20 =	vadd.f32 v20, v28;
	v29 =	vperm.xlane v21, v0;
	v24 =	vadd.f32 v24, v25  }
0xa5: {  	v25 =	vperm.xlane v22, v0;
	v28 =	vperm.xlane v18, v1;
	v23 =	vadd.f32 v26, v23  }
0xa6: {  	v21 =	vadd.f32 v21, v29;
	v26 =	vperm.xlane v19, v0;
	v27 =	vperm.xlane v24, v0  }
0xa7: {  	v22 =	vadd.f32 v22, v25;
	v18 =	vadd.f32 v18, v28;
	v25 =	vperm.xlane v23, v0  }
0xa8: {  	v19 =	vadd.f32 v19, v26;
	v26 =	vperm.xlane v20, v1;
	v24 =	vadd.f32 v24, v27  }
0xa9: {  	v27 =	vperm.xlane v21, v1;
	v23 =	vadd.f32 v23, v25;
	v25 =	vperm.xlane v22, v1  }
0xaa: {  	v20 =	vadd.f32 v20, v26;
	v26 =	vperm.xlane v19, v1;
	v28 =	vperm.xlane v24, v1  }
0xab: {  	v21 =	vadd.f32 v21, v27;
	v27 =	vperm.xlane v18, v2;
	v22 =	vadd.f32 v22, v25  }
0xac: {  	v25 =	vperm.xlane v23, v1;
	v19 =	vadd.f32 v19, v26;
	v24 =	vadd.f32 v24, v28  }
0xad: {  	v26 =	vperm.xlane v20, v2;
	v18 =	vadd.f32 v18, v27;
	v28 =	vperm.xlane v22, v2  }
0xae: {  	v23 =	vadd.f32 v23, v25;
	v25 =	vperm.xlane v21, v2;
	v27 =	vperm.xlane v19, v2  }
0xaf: {  	v20 =	vadd.f32 v20, v26;
	v26 =	vperm.xlane v24, v2;
	v18 =	vmul.f32 $2.500000000e-01, v18  }
0xb0: {  	v29 =	vperm.xlane v23, v2;
	v22 =	vadd.f32 v22, v28;
	v21 =	vadd.f32 v21, v25  }
0xb1: {  	v20 =	vmul.f32 $2.500000000e-01, v20;
	v19 =	vadd.f32 v19, v27;
	v18 =	vmax.f32 v18, $-5.000000000e+00  }
0xb2: {  	v24 =	vadd.f32 v24, v26;
	v18 =	vmin.f32 v18, $5.000000000e+00;
	v22 =	vmul.f32 $2.500000000e-01, v22  }
0xb3: {  	v21 =	vmul.f32 $2.500000000e-01, v21;
	v23 =	vadd.f32 v23, v29;
	v19 =	vmul.f32 $2.500000000e-01, v19  }
0xb4: {  	v24 =	vmul.f32 $2.500000000e-01, v24;
	v20 =	vmax.f32 v20, $-5.000000000e+00;
	v18 =	vmul.f32 $1.442695020e+00, v18  }
0xb5: {  	v20 =	vmin.f32 v20, $5.000000000e+00;
	v22 =	vmax.f32 v22, $-5.000000000e+00;
	v23 =	vmul.f32 $2.500000000e-01, v23  }
0xb6: {  	v21 =	vmax.f32 v21, $-5.000000000e+00;
	v19 =	vmax.f32 v19, $-5.000000000e+00;
	v24 =	vmax.f32 v24, $-5.000000000e+00  }
0xb7: {  	v8 =	vld [tilespmem:s6+$0x50];
	v20 =	vmul.f32 $1.442695020e+00, v20;
	(erf) = vpow2.f32 v18;
	v22 =	vmin.f32 v22, $5.000000000e+00  }
0xb8: {  	v17 =	vld [tilespmem:s6+$0xFFFFFFB0];
	v21 =	vmin.f32 v21, $5.000000000e+00;
	v19 =	vmin.f32 v19, $5.000000000e+00;
	v22 =	vmul.f32 $1.442695020e+00, v22  }
0xb9: {  	v6 =	vld [tilespmem:s6+$0x10];
	v24 =	vmin.f32 v24, $5.000000000e+00;
	v13 =	vmul.f32 $1.442695020e+00, v21;
	(erf) = vpow2.f32 v20  }
0xba: {  	v25 =	vld [tilespmem:s6+$0xFFFFFF90];
	v23 =	vmax.f32 v23, $-5.000000000e+00;
	v21 =	vmul.f32 $1.442695020e+00, v19;
	(erf) = vpow2.f32 v22  }
0xbb: {  	v7 =	vld [tilespmem:s6+$0x30];
	v24 =	vmul.f32 $1.442695020e+00, v24;
	v23 =	vmin.f32 v23, $5.000000000e+00;
	(erf) = vpow2.f32 v13  }
0xbc: {  	v9 =	vunpack.i.l.bf16.f32 v8;
	v20 =	vld [tilespmem:s6+$0xFFFFFFD0];
	v23 =	vmul.f32 $1.442695020e+00, v23;
	(erf) = vpow2.f32 v21  }
0xbd: {  	v41 =	vsel vm1, v46, v51;
	v18 =	vperm.xlane v11, v3;
	v22 =	vld [tilespmem:s6+$0xFFFFFFF0];
	(erf) = vpow2.f32 v24  }
0xbe: {  	v26 =	vunpack.i.u.bf16.f32 v17;
	v28 =	vunpack.i.l.bf16.f32 v17;
	(erf) = vpow2.f32 v23  }
0xbf: {  	v16 =	vunpack.i.l.bf16.f32 v25;
	v19 =	vunpack.i.u.bf16.f32 v25;
	v18 =	vnsel vm0, $0x0, v18  }
0xc0: {  	v25 =	vunpack.i.l.bf16.f32 v6;
	v40 =	vsel vm1, v18, v50;
	v21 =	vunpack.i.u.bf16.f32 v6  }
0xc1: {  	v6 =	vunpack.i.u.bf16.f32 v7;
	v27 =	vunpack.i.u.bf16.f32 v20;
	v29 =	vunpack.i.l.bf16.f32 v20;
	v33 =	vpop (erf)  }
0xc2: {  	v23 =	vunpack.i.u.bf16.f32 v22;
	v24 =	vunpack.i.l.bf16.f32 v22;
	v53 =	vperm.xlane v33, v3;
	v34 =	vpop (erf)  }
0xc3: {  	v22 =	vunpack.i.l.bf16.f32 v7;
	v35 =	vperm.xlane v33, v4;
	v54 =	vperm.xlane v34, v3;
	v32 =	vpop (erf)  }
0xc4: {  	v7 =	vunpack.i.u.bf16.f32 v8;
	v37 =	vperm.xlane v34, v4;
	v55 =	vperm.xlane v32, v3;
	v31 =	vpop (erf)  }
0xc5: {  	v8 =	vunpack.i.u.bf16.f32 v52;
	v38 =	vperm.xlane v32, v4;
	v56 =	vperm.xlane v31, v3;
	v30 =	vpop (erf)  }
0xc6: {  	v45 =	vsel vm2, v44, v53;
	v36 =	vperm.xlane v31, v4;
	v57 =	vperm.xlane v30, v3;
	v10 =	vpop (erf)  }
0xc7: {  	v44 =	vsel vm2, v62, v54;
	v17 =	vperm.xlane v30, v4;
	v20 =	vperm.xlane v10, v3;
	v11 =	vpop (erf)  }
0xc8: {  	v43 =	vsel vm2, v47, v55;
	v12 =	vperm.xlane v10, v4;
	v39 =	vperm.xlane v11, v3  }
0xc9: {  	s11 =	simm.s32 $0x0;
	s12 =	simm.s32 $0xA180;
	s7 =	simm.s32 $0x10140;
	[tilespmem:s1+$0x130] =	vst v15;
	v42 =	vsel vm2, v42, v56;
	v13 =	vperm.xlane v11, v4;
	v18 =	vsel vm2, v63, v57  }
.LBB2_3:
0xca: {  	v46 =	vld [tilespmem:s12+$0x60];
	v47 =	vmul.f32 v33, v16;
	v16 =	vsel vm2, v40, v20;
	v15 =	vsel vm2, v41, v39;
	s0 =	sadd.s32 $0x100, s0  }
0xcb: {  	v19 =	vmul.f32 v33, v19;
	v33 =	vsel vm3, v45, v35;
	v28 =	vmul.f32 v34, v28;
	v20 =	vld [tilespmem:s0+$0x60]  }
0xcc: {  	v26 =	vmul.f32 v34, v26;
	v29 =	vmul.f32 v32, v29;
	v35 =	vld [tilespmem:s0+$0xFFFFFF80];
	[tilespmem:s1+$0xFFFFFF00] =	vst v33;
	v33 =	vsel vm3, v44, v37  }
0xcd: {  	s11 =	sadd.s32 $0x8, s11;
	v27 =	vmul.f32 v32, v27;
	v32 =	vsel vm3, v43, v38;
	v24 =	vmul.f32 v31, v24;
	v34 =	vld [tilespmem:s12+$0xFFFFFFA0];
	[tilespmem:s1+$0xFFFFFF50] =	vst v33  }
0xce: {  	v23 =	vmul.f32 v31, v23;
	v31 =	vsel vm3, v42, v36;
	v25 =	vmul.f32 v30, v25;
	p0 =	slt.u32 s11, $0x78;
	v33 =	vld [tilespmem:s0+$0xFFFFFFA0];
	[tilespmem:s1+$0xFFFFFFA0] =	vst v32  }
0xcf: {  	v21 =	vmul.f32 v30, v21;
	v22 =	vmul.f32 v10, v22;
	v32 =	vld [tilespmem:s12+$0xFFFFFFC0];
	v36 =	vunpack.i.u.bf16.f32 v46;
	[tilespmem:s1+$0xFFFFFFF0] =	vst v31  }
0xd0: {  	v31 =	vunpack.i.l.bf16.f32 v46;
	v30 =	vld [tilespmem:s0+$0xFFFFFFC0];
	v37 =	vunpack.i.u.bf16.f32 v20;
	v20 =	vunpack.i.l.bf16.f32 v20;
	[tilespmem:s1+$0xFFFFFEE0] =	vst v47  }
0xd1: {  	v38 =	vunpack.i.u.bf16.f32 v35;
	v39 =	vld [tilespmem:s12+$0xFFFFFFE0];
	v20 =	vmul.f32 v20, v31;
	v31 =	vmul.f32 v37, v36;
	[tilespmem:s1+$0xFFFFFEF0] =	vst v19  }
0xd2: {  	v19 =	vunpack.i.l.bf16.f32 v35;
	v35 =	vunpack.i.u.bf16.f32 v34;
	v34 =	vunpack.i.l.bf16.f32 v34;
	v36 =	vld [tilespmem:s0+$0xFFFFFFE0];
	[tilespmem:s1+$0xFFFFFF30] =	vst v28  }
0xd3: {  	v28 =	vunpack.i.u.bf16.f32 v33;
	v33 =	vunpack.i.l.bf16.f32 v33;
	v37 =	vld [tilespmem:s12+$0x0];
	v20 =	vadd.f32 v20, v31;
	[tilespmem:s1+$0xFFFFFF40] =	vst v26  }
0xd4: {  	v26 =	vmul.f32 v33, v34;
	v31 =	vunpack.i.u.bf16.f32 v32;
	v32 =	vunpack.i.l.bf16.f32 v32;
	v33 =	vld [tilespmem:s0+$0x0];
	[tilespmem:s1+$0xFFFFFF80] =	vst v29  }
0xd5: {  	v29 =	vunpack.i.u.bf16.f32 v30;
	v30 =	vunpack.i.l.bf16.f32 v30;
	v34 =	vld [tilespmem:s12+$0x20];
	v40 =	vperm.xlane v20, v0;
	[tilespmem:s1+$0xFFFFFF90] =	vst v27  }
0xd6: {  	v27 =	vmul.f32 v28, v35;
	v28 =	vunpack.i.u.bf16.f32 v39;
	v35 =	vunpack.i.l.bf16.f32 v39;
	v39 =	vld [tilespmem:s0+$0x20];
	[tilespmem:s1+$0xFFFFFFD0] =	vst v24  }
0xd7: {  	v24 =	vunpack.i.u.bf16.f32 v36;
	v36 =	vunpack.i.l.bf16.f32 v36;
	v41 =	vld [tilespmem:s12+$0x40];
	v20 =	vadd.f32 v20, v40;
	[tilespmem:s1+$0xFFFFFFE0] =	vst v23  }
0xd8: {  	v23 =	vmul.f32 v30, v32;
	v30 =	vunpack.i.u.bf16.f32 v37;
	v32 =	vunpack.i.l.bf16.f32 v37;
	v37 =	vld [tilespmem:s0+$0x40];
	[tilespmem:s1+$0x20] =	vst v25  }
0xd9: {  	v25 =	vld [tilespmem:s12+$0xFFFFFF80];
	v40 =	vunpack.i.u.bf16.f32 v33;
	v33 =	vunpack.i.l.bf16.f32 v33;
	v42 =	vperm.xlane v20, v1;
	[tilespmem:s1+$0x30] =	vst v21  }
0xda: {  	v21 =	vmul.f32 v29, v31;
	v29 =	vunpack.i.u.bf16.f32 v34;
	v31 =	vunpack.i.l.bf16.f32 v34;
	[tilespmem:s1+$0x70] =	vst v22  }
0xdb: {  	v22 =	vunpack.i.u.bf16.f32 v39;
	v34 =	vunpack.i.l.bf16.f32 v39;
	v20 =	vadd.f32 v20, v42  }
0xdc: {  	v35 =	vmul.f32 v36, v35;
	v36 =	vunpack.i.u.bf16.f32 v41;
	v39 =	vunpack.i.l.bf16.f32 v41  }
0xdd: {  	v41 =	vunpack.i.u.bf16.f32 v37;
	v37 =	vunpack.i.l.bf16.f32 v37;
	v42 =	vperm.xlane v20, v2  }
0xde: {  	v24 =	vmul.f32 v24, v28;
	v43 =	vunpack.i.u.bf16.f32 v25;
	v25 =	vunpack.i.l.bf16.f32 v25  }
0xdf: {  	v19 =	vmul.f32 v19, v25;
	v25 =	vmul.f32 v38, v43;
	v20 =	vadd.f32 v20, v42  }
0xe0: {  	v26 =	vadd.f32 v26, v27;
	v27 =	vmul.f32 v33, v32;
	v28 =	vmul.f32 v40, v30  }
0xe1: {  	v19 =	vadd.f32 v19, v25;
	v25 =	vmul.f32 v34, v31;
	v20 =	vmul.f32 $2.500000000e-01, v20  }
0xe2: {  	v21 =	vadd.f32 v23, v21;
	v22 =	vmul.f32 v22, v29;
	v23 =	vmul.f32 v37, v39  }
0xe3: {  	v24 =	vadd.f32 v35, v24;
	v29 =	vmul.f32 v41, v36;
	v20 =	vmax.f32 v20, $-5.000000000e+00  }
0xe4: {  	v27 =	vadd.f32 v27, v28;
	v22 =	vadd.f32 v25, v22;
	v20 =	vmin.f32 v20, $5.000000000e+00  }
0xe5: {  	v23 =	vadd.f32 v23, v29;
	v25 =	vperm.xlane v19, v0;
	v20 =	vmul.f32 $1.442695020e+00, v20  }
0xe6: {  	v17 =	vsel vm3, v18, v17;
	v28 =	vperm.xlane v26, v0;
	v29 =	vperm.xlane v21, v0  }
0xe7: {  	v18 =	vadd.f32 v19, v25;
	v19 =	vperm.xlane v24, v0;
	(erf) = vpow2.f32 v20;
	[tilespmem:s1+$0x40] =	vst v17  }
0xe8: {  	v25 =	vperm.xlane v22, v0;
	v17 =	vadd.f32 v26, v28;
	v20 =	vperm.xlane v27, v0  }
0xe9: {  	v21 =	vadd.f32 v21, v29;
	v19 =	vadd.f32 v24, v19;
	v24 =	vperm.xlane v23, v0  }
0xea: {  	s6 =	sadd.s32 $0x100, s6;
	v26 =	vperm.xlane v18, v1;
	v22 =	vadd.f32 v22, v25;
	v20 =	vadd.f32 v27, v20  }
0xeb: {  	v25 =	vperm.xlane v17, v1;
	v27 =	vperm.xlane v21, v1;
	v23 =	vadd.f32 v23, v24;
	v24 =	vld [tilespmem:s6+$0x60]  }
0xec: {  	v18 =	vadd.f32 v18, v26;
	v28 =	vperm.xlane v19, v1;
	v29 =	vperm.xlane v20, v1;
	v26 =	vld [tilespmem:s6+$0xFFFFFF80]  }
0xed: {  	v35 =	vperm.xlane v22, v1;
	v25 =	vadd.f32 v17, v25;
	v31 =	vperm.xlane v23, v1;
	v30 =	vld [tilespmem:s6+$0xFFFFFFA0]  }
0xee: {  	v32 =	vperm.xlane v18, v2;
	v21 =	vadd.f32 v21, v27;
	v19 =	vadd.f32 v19, v28;
	v27 =	vld [tilespmem:s6+$0xFFFFFFC0]  }
0xef: {  	v22 =	vadd.f32 v22, v35;
	v28 =	vperm.xlane v25, v2;
	v20 =	vadd.f32 v20, v29;
	v33 =	vld [tilespmem:s6+$0xFFFFFFE0]  }
0xf0: {  	v29 =	vperm.xlane v21, v2;
	v23 =	vadd.f32 v23, v31;
	v34 =	vld [tilespmem:s6+$0x0];
	v31 =	vunpack.i.l.bf16.f32 v24;
	v17 =	vpop (erf)  }
0xf1: {  	v35 =	vperm.xlane v19, v2;
	v24 =	vunpack.i.u.bf16.f32 v24;
	v36 =	vld [tilespmem:s6+$0x20];
	v31 =	vmul.f32 v17, v31  }
0xf2: {  	s1 =	sadd.s32 $0x280, s1;
	v18 =	vadd.f32 v18, v32;
	v32 =	vperm.xlane v20, v2;
	v24 =	vmul.f32 v17, v24;
	v37 =	vld [tilespmem:s6+$0x40]  }
0xf3: {  	v25 =	vadd.f32 v25, v28;
	v28 =	vperm.xlane v22, v2;
	v38 =	vperm.xlane v23, v2;
	[tilespmem:s1+$0xF0] =	vst v31  }
0xf4: {  	v18 =	vmul.f32 $2.500000000e-01, v18;
	v21 =	vadd.f32 v21, v29;
	v19 =	vadd.f32 v19, v35;
	[tilespmem:s1+$0x100] =	vst v24  }
0xf5: {  	v20 =	vadd.f32 v20, v32;
	v22 =	vadd.f32 v22, v28;
	v24 =	vmul.f32 $2.500000000e-01, v25;
	v25 =	vld [tilespmem:s12+$0x70]  }
0xf6: {  	v21 =	vmul.f32 $2.500000000e-01, v21;
	v19 =	vmul.f32 $2.500000000e-01, v19;
	v23 =	vadd.f32 v23, v38;
	v28 =	vld [tilespmem:s0+$0x70]  }
0xf7: {  	v18 =	vmax.f32 v18, $-5.000000000e+00;
	v20 =	vmul.f32 $2.500000000e-01, v20;
	v22 =	vmul.f32 $2.500000000e-01, v22  }
0xf8: {  	v21 =	vmax.f32 v21, $-5.000000000e+00;
	v23 =	vmul.f32 $2.500000000e-01, v23;
	v24 =	vmax.f32 v24, $-5.000000000e+00  }
0xf9: {  	v19 =	vmax.f32 v19, $-5.000000000e+00;
	v20 =	vmax.f32 v20, $-5.000000000e+00;
	v22 =	vmax.f32 v22, $-5.000000000e+00  }
0xfa: {  	v18 =	vmin.f32 v18, $5.000000000e+00;
	v23 =	vmax.f32 v23, $-5.000000000e+00;
	v29 =	vunpack.i.u.bf16.f32 v25  }
0xfb: {  	v25 =	vunpack.i.l.bf16.f32 v25;
	v31 =	vunpack.i.u.bf16.f32 v28;
	v28 =	vunpack.i.l.bf16.f32 v28  }
0xfc: {  	v24 =	vmin.f32 v24, $5.000000000e+00;
	v25 =	vmul.f32 v28, v25;
	v28 =	vmul.f32 v31, v29  }
0xfd: {  	v21 =	vmin.f32 v21, $5.000000000e+00;
	v19 =	vmin.f32 v19, $5.000000000e+00;
	v20 =	vmin.f32 v20, $5.000000000e+00  }
0xfe: {  	v22 =	vmin.f32 v22, $5.000000000e+00;
	v23 =	vmin.f32 v23, $5.000000000e+00;
	v25 =	vadd.f32 v25, v28  }
0xff: {  	v18 =	vmul.f32 $1.442695020e+00, v18;
	v24 =	vmul.f32 $1.442695020e+00, v24;
	v28 =	vunpack.i.u.bf16.f32 v26  }
0x100: {  	v21 =	vmul.f32 $1.442695020e+00, v21;
	v26 =	vunpack.i.l.bf16.f32 v26;
	v29 =	vperm.xlane v25, v0  }
0x101: {  	v19 =	vmul.f32 $1.442695020e+00, v19;
	v20 =	vmul.f32 $1.442695020e+00, v20;
	v31 =	vunpack.i.u.bf16.f32 v30  }
0x102: {  	v22 =	vmul.f32 $1.442695020e+00, v22;
	v23 =	vmul.f32 $1.442695020e+00, v23;
	v25 =	vadd.f32 v25, v29  }
0x103: {  	v29 =	vunpack.i.l.bf16.f32 v30;
	v30 =	vunpack.i.u.bf16.f32 v27;
	(erf) = vpow2.f32 v18  }
0x104: {  	v18 =	vunpack.i.l.bf16.f32 v27;
	v27 =	vperm.xlane v25, v1;
	(erf) = vpow2.f32 v24  }
0x105: {  	v32 =	vunpack.i.l.bf16.f32 v33;
	v24 =	vunpack.i.u.bf16.f32 v33;
	(erf) = vpow2.f32 v21  }
0x106: {  	v21 =	vunpack.i.u.bf16.f32 v34;
	v25 =	vadd.f32 v25, v27;
	(erf) = vpow2.f32 v19  }
0x107: {  	v19 =	vunpack.i.l.bf16.f32 v34;
	v27 =	vunpack.i.u.bf16.f32 v36;
	(erf) = vpow2.f32 v20  }
0x108: {  	v20 =	vunpack.i.l.bf16.f32 v36;
	v33 =	vperm.xlane v25, v2;
	(erf) = vpow2.f32 v22  }
0x109: {  	v34 =	vunpack.i.l.bf16.f32 v37;
	v22 =	vunpack.i.u.bf16.f32 v37;
	(erf) = vpow2.f32 v23  }
0x10a: {  	v10 =	vmul.f32 v10, v6;
	v23 =	vadd.f32 v25, v33;
	v25 =	vmul.f32 v11, v9  }
0x10b: {  	v14 =	vmul.f32 v5, v14;
	v9 =	vsel vm3, v16, v12;
	v33 =	vmul.f32 v11, v7  }
0x10c: {  	v11 =	vmul.f32 $2.500000000e-01, v23;
	v6 =	vpop (erf);
	[tilespmem:s7+$0x90] =	vst v9;
	v9 =	vsel vm3, v15, v13;
	v23 =	vmul.f32 v5, v8  }
0x10d: {  	v5 =	vmul.f32 v6, v26;
	v12 =	vmul.f32 v6, v28;
	v7 =	vpop (erf);
	[tilespmem:s7+$0xE0] =	vst v9  }
0x10e: {  	v13 =	vmul.f32 v7, v29;
	v15 =	vmul.f32 v7, v31;
	v11 =	vmax.f32 v11, $-5.000000000e+00;
	v8 =	vpop (erf);
	[tilespmem:s7+$0x80] =	vst v10  }
0x10f: {  	[tilespmem:s1+$0xFFFFFEC0] =	vst v5;
	v5 =	vmul.f32 v8, v18;
	v16 =	vmul.f32 v8, v30;
	v29 =	vmin.f32 v11, $5.000000000e+00;
	v9 =	vpop (erf)  }
0x110: {  	[tilespmem:s1+$0xFFFFFED0] =	vst v12;
	v18 =	vmul.f32 v9, v32;
	v26 =	vmul.f32 $1.442695020e+00, v29;
	v10 =	vpop (erf)  }
0x111: {  	v24 =	vmul.f32 v9, v24;
	v28 =	vld [tilespmem:s12+$0xFFFFFF90];
	[tilespmem:s1+$0xFFFFFF10] =	vst v13;
	v19 =	vmul.f32 v10, v19;
	v11 =	vpop (erf)  }
0x112: {  	v21 =	vmul.f32 v10, v21;
	v29 =	vld [tilespmem:s0+$0xFFFFFF90];
	[tilespmem:s1+$0xFFFFFF20] =	vst v15;
	v12 =	vpop (erf);
	(erf) = vpow2.f32 v26  }
0x113: {  	v26 =	vld [tilespmem:s12+$0xFFFFFFB0];
	[tilespmem:s1+$0xFFFFFF60] =	vst v5;
	v5 =	vmul.f32 v11, v20;
	v20 =	vmul.f32 v11, v27  }
0x114: {  	v30 =	vmul.f32 v12, v34;
	v22 =	vmul.f32 v12, v22;
	v27 =	vld [tilespmem:s0+$0xFFFFFFB0];
	[tilespmem:s1+$0xFFFFFF70] =	vst v16  }
0x115: {  	v13 =	vperm.xlane v7, v3;
	v16 =	vperm.xlane v6, v3;
	v31 =	vld [tilespmem:s12+$0xFFFFFFD0];
	[tilespmem:s1+$0xFFFFFFB0] =	vst v18  }
0x116: {  	v15 =	vperm.xlane v8, v3;
	v32 =	vunpack.i.u.bf16.f32 v28;
	v28 =	vunpack.i.l.bf16.f32 v28;
	v34 =	vld [tilespmem:s0+$0xFFFFFFD0];
	[tilespmem:s1+$0xFFFFFFC0] =	vst v24  }
0x117: {  	v18 =	vperm.xlane v9, v3;
	v24 =	vunpack.i.u.bf16.f32 v29;
	v29 =	vunpack.i.l.bf16.f32 v29;
	v35 =	vld [tilespmem:s12+$0xFFFFFFF0];
	[tilespmem:s1+$0x0] =	vst v19  }
0x118: {  	v19 =	vmul.f32 v29, v28;
	v28 =	vunpack.i.u.bf16.f32 v26;
	v26 =	vunpack.i.l.bf16.f32 v26;
	v29 =	vld [tilespmem:s0+$0xFFFFFFF0];
	[tilespmem:s1+$0x10] =	vst v21  }
0x119: {  	v32 =	vmul.f32 v24, v32;
	v24 =	vunpack.i.u.bf16.f32 v27;
	v27 =	vunpack.i.l.bf16.f32 v27;
	v21 =	vld [tilespmem:s12+$0x10];
	[tilespmem:s1+$0x50] =	vst v5  }
0x11a: {  	v36 =	vunpack.i.u.bf16.f32 v31;
	v31 =	vunpack.i.l.bf16.f32 v31;
	v37 =	vld [tilespmem:s0+$0x10];
	[tilespmem:s1+$0x60] =	vst v20;
	v20 =	vperm.xlane v17, v3  }
0x11b: {  	v17 =	vperm.xlane v17, v4;
	v38 =	vunpack.i.u.bf16.f32 v34;
	v34 =	vunpack.i.l.bf16.f32 v34;
	v39 =	vld [tilespmem:s12+$0x30];
	[tilespmem:s1+$0xA0] =	vst v30;
	v5 =	vpop (erf)  }
0x11c: {  	v30 =	vunpack.i.u.bf16.f32 v35;
	v40 =	vld [tilespmem:s0+$0x30];
	[tilespmem:s1+$0xB0] =	vst v22;
	v20 =	vnsel vm0, $0x0, v20;
	v22 =	vperm.xlane v5, v3  }
0x11d: {  	v35 =	vunpack.i.l.bf16.f32 v35;
	v41 =	vld [tilespmem:s12+$0x50];
	v17 =	vsel vm1, v20, v17;
	v20 =	vperm.xlane v5, v4;
	[tilespmem:s7+$0xC0] =	vst v25  }
0x11e: {  	v42 =	vunpack.i.u.bf16.f32 v29;
	v29 =	vunpack.i.l.bf16.f32 v29;
	v25 =	vld [tilespmem:s0+$0x50];
	v22 =	vsel vm2, v17, v22;
	[tilespmem:s7+$0xD0] =	vst v33  }
0x11f: {  	v33 =	vunpack.i.u.bf16.f32 v21;
	v43 =	vunpack.i.l.bf16.f32 v21;
	v17 =	vld [tilespmem:s6+$0xFFFFFF90];
	v20 =	vsel vm3, v22, v20;
	[tilespmem:s7+$0x110] =	vst v14  }
0x120: {  	v44 =	vunpack.i.u.bf16.f32 v37;
	v37 =	vunpack.i.l.bf16.f32 v37;
	v45 =	vunpack.i.u.bf16.f32 v39;
	v14 =	vld [tilespmem:s6+$0x70];
	[tilespmem:s1+$0x130] =	vst v20  }
0x121: {  	v39 =	vunpack.i.l.bf16.f32 v39;
	v21 =	vld [tilespmem:s6+$0xFFFFFFB0];
	v46 =	vunpack.i.u.bf16.f32 v40;
	v40 =	vunpack.i.l.bf16.f32 v40;
	[tilespmem:s7+$0x120] =	vst v23;
	s7 =	smov.u32 s1  }
0x122: {  	v20 =	vmul.f32 v27, v26;
	v23 =	vld [tilespmem:s6+$0xFFFFFFD0];
	v26 =	vunpack.i.u.bf16.f32 v41;
	v27 =	vunpack.i.l.bf16.f32 v41  }
0x123: {  	v22 =	vmul.f32 v24, v28;
	v24 =	vld [tilespmem:s6+$0xFFFFFFF0];
	v28 =	vunpack.i.u.bf16.f32 v25;
	v41 =	vunpack.i.l.bf16.f32 v25  }
0x124: {  	v19 =	vadd.f32 v19, v32;
	v31 =	vmul.f32 v34, v31;
	v32 =	vmul.f32 v38, v36;
	v25 =	vld [tilespmem:s6+$0x10]  }
0x125: {  	v29 =	vmul.f32 v29, v35;
	v30 =	vmul.f32 v42, v30;
	v34 =	vadd.f32 v20, v22;
	v22 =	vld [tilespmem:s6+$0x30]  }
0x126: {  	v31 =	vadd.f32 v31, v32;
	v32 =	vmul.f32 v37, v43;
	v33 =	vmul.f32 v44, v33;
	v20 =	vld [tilespmem:s6+$0x50]  }
0x127: {  	v29 =	vadd.f32 v29, v30;
	v30 =	vmul.f32 v40, v39;
	v35 =	vmul.f32 v46, v45  }
0x128: {  	v32 =	vadd.f32 v32, v33;
	v27 =	vmul.f32 v41, v27;
	v26 =	vmul.f32 v28, v26  }
0x129: {  	v28 =	vperm.xlane v19, v0;
	v33 =	vperm.xlane v34, v0;
	v30 =	vadd.f32 v30, v35  }
0x12a: {  	v36 =	vperm.xlane v29, v0;
	v35 =	vperm.xlane v31, v0;
	v26 =	vadd.f32 v27, v26  }
0x12b: {  	v19 =	vadd.f32 v19, v28;
	v27 =	vperm.xlane v32, v0;
	v28 =	vperm.xlane v30, v0  }
0x12c: {  	v33 =	vadd.f32 v34, v33;
	v31 =	vadd.f32 v31, v35;
	v34 =	vperm.xlane v26, v0  }
0x12d: {  	v29 =	vadd.f32 v29, v36;
	v35 =	vperm.xlane v19, v1;
	v27 =	vadd.f32 v32, v27  }
0x12e: {  	v32 =	vperm.xlane v33, v1;
	v28 =	vadd.f32 v30, v28;
	v26 =	vadd.f32 v26, v34  }
0x12f: {  	v30 =	vperm.xlane v31, v1;
	v19 =	vadd.f32 v19, v35;
	v34 =	vperm.xlane v29, v1  }
0x130: {  	v32 =	vadd.f32 v33, v32;
	v33 =	vperm.xlane v27, v1;
	v35 =	vperm.xlane v28, v1  }
0x131: {  	v30 =	vadd.f32 v31, v30;
	v29 =	vadd.f32 v29, v34;
	v31 =	vperm.xlane v26, v1  }
0x132: {  	v34 =	vperm.xlane v19, v2;
	v27 =	vadd.f32 v27, v33;
	v28 =	vadd.f32 v28, v35  }
0x133: {  	v33 =	vperm.xlane v32, v2;
	v35 =	vperm.xlane v30, v2;
	v26 =	vadd.f32 v26, v31  }
0x134: {  	v19 =	vadd.f32 v19, v34;
	v31 =	vperm.xlane v29, v2;
	v34 =	vperm.xlane v27, v2  }
0x135: {  	v32 =	vadd.f32 v32, v33;
	v33 =	vperm.xlane v28, v2;
	v36 =	vperm.xlane v26, v2  }
0x136: {  	v30 =	vadd.f32 v30, v35;
	v19 =	vmul.f32 $2.500000000e-01, v19;
	v29 =	vadd.f32 v29, v31  }
0x137: {  	v31 =	vmul.f32 $2.500000000e-01, v32;
	v27 =	vadd.f32 v27, v34;
	v28 =	vadd.f32 v28, v33  }
0x138: {  	v30 =	vmul.f32 $2.500000000e-01, v30;
	v29 =	vmul.f32 $2.500000000e-01, v29;
	v26 =	vadd.f32 v26, v36  }
0x139: {  	v19 =	vmax.f32 v19, $-5.000000000e+00;
	v27 =	vmul.f32 $2.500000000e-01, v27;
	v28 =	vmul.f32 $2.500000000e-01, v28  }
0x13a: {  	v31 =	vmax.f32 v31, $-5.000000000e+00;
	v30 =	vmax.f32 v30, $-5.000000000e+00;
	v26 =	vmul.f32 $2.500000000e-01, v26  }
0x13b: {  	v29 =	vmax.f32 v29, $-5.000000000e+00;
	v27 =	vmax.f32 v27, $-5.000000000e+00;
	v28 =	vmax.f32 v28, $-5.000000000e+00  }
0x13c: {  	v19 =	vmin.f32 v19, $5.000000000e+00;
	v31 =	vmin.f32 v31, $5.000000000e+00;
	v26 =	vmax.f32 v26, $-5.000000000e+00  }
0x13d: {  	v30 =	vmin.f32 v30, $5.000000000e+00;
	v29 =	vmin.f32 v29, $5.000000000e+00;
	v27 =	vmin.f32 v27, $5.000000000e+00  }
0x13e: {  	v19 =	vmul.f32 $1.442695020e+00, v19;
	v28 =	vmin.f32 v28, $5.000000000e+00;
	v26 =	vmin.f32 v26, $5.000000000e+00  }
0x13f: {  	v40 =	vnsel vm0, $0x0, v16;
	v16 =	vmul.f32 $1.442695020e+00, v31;
	v30 =	vmul.f32 $1.442695020e+00, v30  }
0x140: {  	v41 =	vnsel vm0, $0x0, v13;
	v13 =	vmul.f32 $1.442695020e+00, v29;
	v27 =	vmul.f32 $1.442695020e+00, v27  }
0x141: {  	v15 =	vnsel vm0, $0x0, v15;
	v28 =	vmul.f32 $1.442695020e+00, v28;
	v29 =	vmul.f32 $1.442695020e+00, v26  }
0x142: {  	v18 =	vnsel vm0, $0x0, v18;
	v26 =	vperm.xlane v10, v3;
	(erf) = vpow2.f32 v19  }
0x143: {  	v31 =	vperm.xlane v11, v3;
	v19 =	vunpack.i.u.bf16.f32 v17;
	(erf) = vpow2.f32 v16  }
0x144: {  	v42 =	vnsel vm0, $0x0, v26;
	v16 =	vperm.xlane v12, v3;
	(erf) = vpow2.f32 v30  }
0x145: {  	v43 =	vperm.xlane v6, v4;
	v44 =	vnsel vm0, $0x0, v31;
	(erf) = vpow2.f32 v13  }
0x146: {  	v45 =	vperm.xlane v7, v4;
	v46 =	vnsel vm0, $0x0, v16;
	(erf) = vpow2.f32 v27  }
0x147: {  	v47 =	vperm.xlane v8, v4;
	v16 =	vunpack.i.l.bf16.f32 v17;
	(erf) = vpow2.f32 v28  }
0x148: {  	v48 =	vperm.xlane v9, v4;
	v26 =	vunpack.i.u.bf16.f32 v21;
	(erf) = vpow2.f32 v29  }
0x149: {  	v49 =	vperm.xlane v10, v4;
	v50 =	vperm.xlane v11, v4;
	v28 =	vunpack.i.l.bf16.f32 v21  }
0x14a: {  	v51 =	vperm.xlane v12, v4;
	v27 =	vunpack.i.u.bf16.f32 v23;
	v29 =	vunpack.i.l.bf16.f32 v23  }
0x14b: {  	v21 =	vunpack.i.u.bf16.f32 v25;
	v23 =	vunpack.i.u.bf16.f32 v24;
	v24 =	vunpack.i.l.bf16.f32 v24;
	v33 =	vpop (erf)  }
0x14c: {  	v25 =	vunpack.i.l.bf16.f32 v25;
	v52 =	vperm.xlane v33, v3;
	v35 =	vperm.xlane v33, v4;
	v34 =	vpop (erf)  }
0x14d: {  	v6 =	vunpack.i.u.bf16.f32 v22;
	v53 =	vperm.xlane v34, v3;
	v37 =	vperm.xlane v34, v4;
	v32 =	vpop (erf)  }
0x14e: {  	v22 =	vunpack.i.l.bf16.f32 v22;
	v54 =	vperm.xlane v32, v3;
	v38 =	vperm.xlane v32, v4;
	v31 =	vpop (erf)  }
0x14f: {  	v7 =	vunpack.i.u.bf16.f32 v20;
	v55 =	vperm.xlane v31, v3;
	v36 =	vperm.xlane v31, v4;
	v30 =	vpop (erf)  }
0x150: {  	v9 =	vunpack.i.l.bf16.f32 v20;
	v56 =	vperm.xlane v30, v3;
	v17 =	vperm.xlane v30, v4;
	v10 =	vpop (erf)  }
0x151: {  	v8 =	vunpack.i.u.bf16.f32 v14;
	v20 =	vperm.xlane v10, v3;
	v12 =	vperm.xlane v10, v4;
	v11 =	vpop (erf)  }
.Ltmp0:
0x152: {  	v14 =	vunpack.i.l.bf16.f32 v14;
	v39 =	vperm.xlane v11, v3;
	v13 =	vperm.xlane v11, v4;
	(pc) =	sbr.rel @p0 .LBB2_3-.Ltmp0, $4  }
0x153: {  	v15 =	vsel vm1, v15, v47;
	v43 =	vsel vm1, v40, v43;
	v41 =	vsel vm1, v41, v45  }
0x154: {  	v18 =	vsel vm1, v18, v48;
	v40 =	vsel vm1, v44, v50;
	v47 =	vsel vm1, v42, v49  }
0x155: {  	v45 =	vsel vm2, v43, v52;
	v44 =	vsel vm2, v41, v53;
	v41 =	vsel vm1, v46, v51  }
0x156: {  	s12 =	sadd.s32 $0x100, s12;
	v43 =	vsel vm2, v15, v54;
	v42 =	vsel vm2, v18, v55;
	v18 =	vsel vm2, v47, v56  }
0x157: {  	v15 =	vsel vm3, v45, v35  }
0x158: {  	v16 =	vmul.f32 v33, v16;
	[tilespmem:s1+$0xFFFFFF00] =	vst v15;
	v15 =	vsel vm3, v44, v37  }
0x159: {  	v19 =	vmul.f32 v33, v19;
	[tilespmem:s1+$0xFFFFFF50] =	vst v15  }
0x15a: {  	v9 =	vmul.f32 v11, v9;
	[tilespmem:s1+$0xFFFFFEE0] =	vst v16  }
0x15b: {  	v7 =	vmul.f32 v11, v7;
	[tilespmem:s1+$0xFFFFFEF0] =	vst v19  }
0x15c: {  	[tilespmem:s7+$0xC0] =	vst v9  }
0x15d: {  	v15 =	vsel vm3, v43, v38;
	[tilespmem:s7+$0xD0] =	vst v7  }
0x15e: {  	v16 =	vmul.f32 v34, v26;
	[tilespmem:s1+$0xFFFFFFA0] =	vst v15;
	v15 =	vsel vm3, v42, v36  }
0x15f: {  	v19 =	vmul.f32 v32, v29;
	[tilespmem:s1+$0xFFFFFFF0] =	vst v15  }
0x160: {  	v15 =	vmul.f32 v34, v28;
	[tilespmem:s1+$0xFFFFFF40] =	vst v16  }
0x161: {  	v16 =	vmul.f32 v31, v24;
	[tilespmem:s1+$0xFFFFFF80] =	vst v19  }
0x162: {  	v19 =	vmul.f32 v31, v23;
	[tilespmem:s1+$0xFFFFFF30] =	vst v15  }
0x163: {  	v15 =	vmul.f32 v32, v27;
	[tilespmem:s1+$0xFFFFFFD0] =	vst v16  }
0x164: {  	v16 =	vmul.f32 v30, v21;
	[tilespmem:s1+$0xFFFFFFE0] =	vst v19  }
0x165: {  	v19 =	vmul.f32 v10, v22;
	[tilespmem:s1+$0xFFFFFF90] =	vst v15  }
0x166: {  	[tilespmem:s1+$0x30] =	vst v16  }
0x167: {  	v6 =	vmul.f32 v10, v6;
	[tilespmem:s1+$0x70] =	vst v19;
	v16 =	vsel vm3, v18, v17  }
0x168: {  	v15 =	vmul.f32 v30, v25;
	[tilespmem:s1+$0x40] =	vst v16  }
0x169: {  	v17 =	vsel vm2, v41, v39;
	[tilespmem:s7+$0x80] =	vst v6  }
0x16a: {  	v10 =	vsel vm3, v17, v13;
	v6 =	vmul.f32 v5, v14;
	[tilespmem:s1+$0x20] =	vst v15  }
0x16b: {  	v5 =	vmul.f32 v5, v8;
	[tilespmem:s7+$0xE0] =	vst v10  }
0x16c: {  	v15 =	vsel vm2, v40, v20;
	[tilespmem:s7+$0x110] =	vst v6  }
0x16d: {  	s0 =	sand.u32 $0x3FFFFF00, s31;
	v12 =	vsel vm3, v15, v12;
	[tilespmem:s7+$0x120] =	vst v5  }
0x16e: {  	s0 =	sadd.s32 $0x5000, s0;
	[tilespmem:s7+$0x90] =	vst v12;
	s7 =	sshll.u32 s29, $0x1  }
0x16f: {  	[spmem:s2] =	stream.indirect.scatter.add.f32 [tilespmem:s15], [sflag:$0x3], $0x50, s0, s17, $0xb8;
	[tilespmem:$0x1F000] =	vst v63  }
0x170: {  	s11 =	sadd.s32 $0x2, s7  }
0x171: {  	p0 =	seq.s32 s11, $0xA0;
	s0 =	sshll.u32 s11, $0x7  }
0x172: {  	s0 =	simm.s32 @p0 $0x0  }
0x173: {  	[tilespmem:s18], [sflag:$0x1] =	stream.indirect.gather [hbm4b:s8+s17], $0x20, s0, s17, $0xb8;
	[tilespmem:$0x1F000] =	vst v63  }
0x174: {  	s12 =	sadd.s32 $0x5000, s0  }
0x175: {  	[tilespmem:s19], [sflag:$0x1] =	stream.indirect.gather [hbm4b:s9+s17], $0x20, s12, s17, $0xb8;
	[tilespmem:$0x1F000] =	vst v63  }
0x176: {  	_ = 	snop  }
0x177: {  	[tilespmem:s20], [sflag:$0x1] =	stream.indirect.gather [hbm4b:s10+s17], $0x20, s0, s17, $0xb8;
	[tilespmem:$0x1F000] =	vst v63  }
0x178: {  	_ =	swait.ge [sflag:s24], $0x2800  }
0x179: {  	[sflag:s24] =	ssyncset.done $0x0  }
0x17a: {  	[sflag:s24] =	ssyncadd.s32 $0xFFFFD800  }
0x17b: {  	_ =	swait.ge [sflag:s26], $0x1000  }
0x17c: {  	[sflag:s26] =	ssyncset.done $0x0  }
0x17d: {  	[sflag:s26] =	ssyncadd.s32 $0xFFFFF000  }
0x17e: {  	_ =	swait.ge [sflag:s26], $0x1000  }
0x17f: {  	[sflag:s26] =	ssyncset.done $0x0  }
0x180: {  	[sflag:s26] =	ssyncadd.s32 $0xFFFFF000  }
0x181: {  	_ =	swait.ge [sflag:s26], $0x1000  }
0x182: {  	[sflag:s26] =	ssyncset.done $0x0  }
0x183: {  	s31 =	simm.s32 $0xB080;
	[sflag:s26] =	ssyncadd.s32 $0xFFFFF000  }
0x184: {  	s0 =	simm.s32 $0xD080;
	v5 =	vld [tilespmem:s31+$0x60]  }
0x185: {  	v6 =	vld [tilespmem:s0+$0x60];
	_ =	sdelay $0x3  }
0x186: {  	v7 =	vunpack.i.u.bf16.f32 v5  }
0x187: {  	v5 =	vunpack.i.l.bf16.f32 v5;
	v9 =	vunpack.i.u.bf16.f32 v6;
	v6 =	vunpack.i.l.bf16.f32 v6  }
0x188: {  	v8 =	vld [tilespmem:s0+$0xFFFFFF80];
	v5 =	vmul.f32 v6, v5;
	v6 =	vmul.f32 v9, v7  }
0x189: {  	v10 =	vld [tilespmem:s31+$0xFFFFFFA0]  }
0x18a: {  	v17 =	vld [tilespmem:s0+$0x0];
	v5 =	vadd.f32 v5, v6  }
0x18b: {  	v24 =	vld [tilespmem:s31+$0xFFFFFF80]  }
0x18c: {  	v12 =	vperm.xlane v5, v0  }
0x18d: {  	v7 =	vld [tilespmem:s0+$0xFFFFFFA0]  }
0x18e: {  	v23 =	vld [tilespmem:s0+$0x40];
	v13 =	vunpack.i.u.bf16.f32 v8;
	v8 =	vunpack.i.l.bf16.f32 v8;
	v5 =	vadd.f32 v5, v12  }
0x18f: {  	v15 =	vunpack.i.u.bf16.f32 v10;
	v10 =	vunpack.i.l.bf16.f32 v10;
	v26 =	vunpack.i.u.bf16.f32 v17;
	v9 =	vld [tilespmem:s31+$0xFFFFFFC0]  }
0x190: {  	v28 =	vunpack.i.u.bf16.f32 v24;
	v24 =	vunpack.i.l.bf16.f32 v24;
	v6 =	vld [tilespmem:s0+$0xFFFFFFC0];
	v19 =	vperm.xlane v5, v1  }
0x191: {  	v11 =	vld [tilespmem:s31+$0xFFFFFFE0];
	v17 =	vunpack.i.l.bf16.f32 v17;
	v8 =	vmul.f32 v8, v24;
	v13 =	vmul.f32 v13, v28  }
0x192: {  	v16 =	vld [tilespmem:s31+$0x0];
	v12 =	vunpack.i.u.bf16.f32 v7;
	v7 =	vunpack.i.l.bf16.f32 v7;
	v5 =	vadd.f32 v5, v19  }
0x193: {  	v18 =	vld [tilespmem:s31+$0x20];
	v27 =	vunpack.i.u.bf16.f32 v23;
	v8 =	vadd.f32 v8, v13;
	v7 =	vmul.f32 v7, v10  }
0x194: {  	v10 =	vunpack.i.u.bf16.f32 v9;
	v9 =	vunpack.i.l.bf16.f32 v9;
	v25 =	vperm.xlane v5, v2  }
0x195: {  	v14 =	vld [tilespmem:s0+$0xFFFFFFE0];
	v20 =	vunpack.i.u.bf16.f32 v6;
	v6 =	vunpack.i.l.bf16.f32 v6;
	v12 =	vmul.f32 v12, v15  }
0x196: {  	v22 =	vld [tilespmem:s31+$0x40];
	v15 =	vunpack.i.u.bf16.f32 v11;
	v11 =	vunpack.i.l.bf16.f32 v11;
	v5 =	vadd.f32 v5, v25  }
0x197: {  	v21 =	vld [tilespmem:s0+$0x20];
	v6 =	vmul.f32 v6, v9;
	v9 =	vunpack.i.u.bf16.f32 v16;
	v16 =	vunpack.i.l.bf16.f32 v16  }
0x198: {  	v10 =	vmul.f32 v20, v10;
	v20 =	vunpack.i.u.bf16.f32 v18;
	v5 =	vmul.f32 $2.500000000e-01, v5  }
0x199: {  	v18 =	vunpack.i.l.bf16.f32 v18;
	v16 =	vmul.f32 v17, v16;
	v7 =	vadd.f32 v7, v12  }
0x19a: {  	v19 =	vunpack.i.u.bf16.f32 v14;
	v14 =	vunpack.i.l.bf16.f32 v14;
	v5 =	vmax.f32 v5, $-5.000000000e+00  }
0x19b: {  	v11 =	vmul.f32 v14, v11;
	v14 =	vunpack.i.u.bf16.f32 v22;
	v5 =	vmin.f32 v5, $5.000000000e+00  }
0x19c: {  	v25 =	vunpack.i.u.bf16.f32 v21;
	v21 =	vunpack.i.l.bf16.f32 v21;
	v5 =	vmul.f32 $1.442695020e+00, v5  }
0x19d: {  	v22 =	vunpack.i.l.bf16.f32 v22;
	v15 =	vmul.f32 v19, v15;
	v12 =	vmul.f32 v21, v18  }
0x19e: {  	v19 =	vunpack.i.l.bf16.f32 v23;
	v13 =	vmul.f32 v25, v20;
	(erf) = vpow2.f32 v5  }
0x19f: {  	s6 =	simm.s32 $0xF080;
	v5 =	vadd.f32 v6, v10;
	v6 =	vmul.f32 v19, v22;
	v10 =	vmul.f32 v27, v14  }
0x1a0: {  	v9 =	vmul.f32 v26, v9;
	v11 =	vadd.f32 v11, v15;
	v15 =	vld [tilespmem:s6+$0x60];
	v12 =	vadd.f32 v12, v13  }
0x1a1: {  	v14 =	vperm.xlane v8, v0;
	v6 =	vadd.f32 v6, v10;
	v10 =	vperm.xlane v7, v0  }
0x1a2: {  	v9 =	vadd.f32 v16, v9;
	v16 =	vperm.xlane v12, v0;
	v13 =	vperm.xlane v5, v0  }
0x1a3: {  	v8 =	vadd.f32 v8, v14;
	v14 =	vperm.xlane v11, v0;
	v7 =	vadd.f32 v7, v10  }
0x1a4: {  	v10 =	vperm.xlane v9, v0;
	v13 =	vadd.f32 v5, v13;
	v5 =	vperm.xlane v6, v0  }
0x1a5: {  	v17 =	vunpack.i.l.bf16.f32 v15;
	v15 =	vunpack.i.u.bf16.f32 v15;
	v11 =	vadd.f32 v11, v14  }
0x1a6: {  	v14 =	vperm.xlane v8, v1;
	v9 =	vadd.f32 v9, v10;
	v10 =	vadd.f32 v12, v16  }
0x1a7: {  	v12 =	vperm.xlane v7, v1;
	v16 =	vperm.xlane v13, v1;
	v6 =	vadd.f32 v6, v5  }
0x1a8: {  	v8 =	vadd.f32 v8, v14;
	v14 =	vperm.xlane v11, v1;
	v18 =	vperm.xlane v9, v1;
	v5 =	vpop (erf)  }
0x1a9: {  	v7 =	vadd.f32 v7, v12;
	v12 =	vperm.xlane v10, v1;
	v17 =	vmul.f32 v5, v17  }
0x1aa: {  	s1 =	simm.s32 $0x10140;
	v19 =	vperm.xlane v6, v1;
	v15 =	vmul.f32 v5, v15  }
0x1ab: {  	v20 =	vperm.xlane v8, v2;
	v13 =	vadd.f32 v13, v16;
	v11 =	vadd.f32 v11, v14;
	[tilespmem:s1+$0xF0] =	vst v17  }
0x1ac: {  	v14 =	vperm.xlane v7, v2;
	v9 =	vadd.f32 v9, v18;
	v10 =	vadd.f32 v10, v12;
	[tilespmem:s1+$0x100] =	vst v15  }
0x1ad: {  	v12 =	vperm.xlane v13, v2;
	v6 =	vadd.f32 v6, v19;
	v16 =	vperm.xlane v11, v2;
	v15 =	vld [tilespmem:s31+$0x70]  }
0x1ae: {  	v8 =	vadd.f32 v8, v20;
	v17 =	vperm.xlane v9, v2;
	v7 =	vadd.f32 v7, v14;
	v18 =	vld [tilespmem:s0+$0x70]  }
0x1af: {  	v14 =	vperm.xlane v10, v2;
	v19 =	vperm.xlane v6, v2;
	v12 =	vadd.f32 v13, v12  }
0x1b0: {  	v8 =	vmul.f32 $2.500000000e-01, v8;
	v11 =	vadd.f32 v11, v16;
	v7 =	vmul.f32 $2.500000000e-01, v7  }
0x1b1: {  	v9 =	vadd.f32 v9, v17;
	v10 =	vadd.f32 v10, v14;
	v12 =	vmul.f32 $2.500000000e-01, v12  }
0x1b2: {  	v11 =	vmul.f32 $2.500000000e-01, v11;
	v6 =	vadd.f32 v6, v19;
	v13 =	vunpack.i.u.bf16.f32 v15  }
0x1b3: {  	v14 =	vunpack.i.l.bf16.f32 v15;
	v15 =	vunpack.i.u.bf16.f32 v18;
	v16 =	vunpack.i.l.bf16.f32 v18  }
0x1b4: {  	v8 =	vmax.f32 v8, $-5.000000000e+00;
	v14 =	vmul.f32 v16, v14;
	v13 =	vmul.f32 v15, v13  }
0x1b5: {  	v8 =	vmin.f32 v8, $5.000000000e+00;
	v9 =	vmul.f32 $2.500000000e-01, v9;
	v10 =	vmul.f32 $2.500000000e-01, v10  }
0x1b6: {  	v7 =	vmax.f32 v7, $-5.000000000e+00;
	v12 =	vmax.f32 v12, $-5.000000000e+00;
	v13 =	vadd.f32 v14, v13  }
0x1b7: {  	v6 =	vmul.f32 $2.500000000e-01, v6;
	v11 =	vmax.f32 v11, $-5.000000000e+00;
	v8 =	vmul.f32 $1.442695020e+00, v8  }
0x1b8: {  	v7 =	vmin.f32 v7, $5.000000000e+00;
	v12 =	vmin.f32 v12, $5.000000000e+00;
	v14 =	vperm.xlane v13, v0  }
0x1b9: {  	v11 =	vmin.f32 v11, $5.000000000e+00;
	v9 =	vmax.f32 v9, $-5.000000000e+00;
	v7 =	vmul.f32 $1.442695020e+00, v7  }
0x1ba: {  	v12 =	vmul.f32 $1.442695020e+00, v12;
	v10 =	vmax.f32 v10, $-5.000000000e+00;
	v13 =	vadd.f32 v13, v14  }
0x1bb: {  	v11 =	vmul.f32 $1.442695020e+00, v11;
	(erf) = vpow2.f32 v8;
	v6 =	vmax.f32 v6, $-5.000000000e+00  }
0x1bc: {  	v9 =	vmin.f32 v9, $5.000000000e+00;
	v10 =	vmin.f32 v10, $5.000000000e+00;
	v15 =	vperm.xlane v13, v1  }
0x1bd: {  	v6 =	vmin.f32 v6, $5.000000000e+00;
	(erf) = vpow2.f32 v7;
	v9 =	vmul.f32 $1.442695020e+00, v9  }
0x1be: {  	v10 =	vmul.f32 $1.442695020e+00, v10;
	(erf) = vpow2.f32 v12;
	v13 =	vadd.f32 v13, v15  }
0x1bf: {  	v8 =	vld [tilespmem:s6+$0xFFFFFFA0];
	v6 =	vmul.f32 $1.442695020e+00, v6;
	(erf) = vpow2.f32 v11  }
0x1c0: {  	v7 =	vld [tilespmem:s6+$0xFFFFFFC0];
	(erf) = vpow2.f32 v9;
	v15 =	vperm.xlane v13, v2  }
0x1c1: {  	(erf) = vpow2.f32 v10;
	v14 =	vld [tilespmem:s6+$0xFFFFFF80]  }
0x1c2: {  	(erf) = vpow2.f32 v6;
	v6 =	vadd.f32 v13, v15  }
0x1c3: {  	v12 =	vld [tilespmem:s6+$0xFFFFFFE0];
	_ =	sdelay $0x1  }
0x1c4: {  	v16 =	vunpack.i.u.bf16.f32 v8;
	v19 =	vmul.f32 $2.500000000e-01, v6  }
0x1c5: {  	v11 =	vld [tilespmem:s6+$0x0];
	v8 =	vunpack.i.l.bf16.f32 v8;
	v10 =	vunpack.i.u.bf16.f32 v7;
	v9 =	vunpack.i.u.bf16.f32 v14;
	v6 =	vpop (erf)  }
0x1c6: {  	v14 =	vunpack.i.l.bf16.f32 v14;
	v21 =	vmul.f32 v6, v9;
	v9 =	vmax.f32 v19, $-5.000000000e+00  }
0x1c7: {  	v20 =	vld [tilespmem:s6+$0x40];
	v17 =	vunpack.i.u.bf16.f32 v12;
	v15 =	vunpack.i.l.bf16.f32 v7;
	v14 =	vmul.f32 v6, v14;
	v7 =	vpop (erf)  }
0x1c8: {  	v12 =	vunpack.i.l.bf16.f32 v12;
	v13 =	vld [tilespmem:s6+$0x20];
	v22 =	vmul.f32 v7, v8;
	v16 =	vmul.f32 v7, v16;
	v8 =	vpop (erf)  }
0x1c9: {  	[tilespmem:s1+$0xFFFFFEC0] =	vst v14;
	v14 =	vmul.f32 v8, v15;
	v15 =	vmul.f32 v8, v10;
	v10 =	vmin.f32 v9, $5.000000000e+00;
	v9 =	vpop (erf)  }
0x1ca: {  	v18 =	vunpack.i.u.bf16.f32 v11;
	[tilespmem:s1+$0xFFFFFED0] =	vst v21;
	v47 =	vperm.xlane v8, v4;
	v21 =	vmul.f32 v9, v12  }
0x1cb: {  	v11 =	vunpack.i.l.bf16.f32 v11;
	[tilespmem:s1+$0xFFFFFF10] =	vst v22;
	v12 =	vmul.f32 $1.442695020e+00, v10;
	v17 =	vmul.f32 v9, v17  }
0x1cc: {  	v24 =	vunpack.i.u.bf16.f32 v20;
	v23 =	vld [tilespmem:s31+$0xFFFFFF90];
	[tilespmem:s1+$0xFFFFFF60] =	vst v14;
	v14 =	vperm.xlane v6, v3;
	v48 =	vperm.xlane v9, v4;
	v10 =	vpop (erf)  }
0x1cd: {  	v19 =	vunpack.i.u.bf16.f32 v13;
	v25 =	vld [tilespmem:s0+$0xFFFFFF90];
	[tilespmem:s1+$0xFFFFFF20] =	vst v16;
	v22 =	vmul.f32 v10, v11;
	v18 =	vmul.f32 v10, v18  }
0x1ce: {  	v13 =	vunpack.i.l.bf16.f32 v13;
	v11 =	vpop (erf);
	(erf) = vpow2.f32 v12;
	[tilespmem:s1+$0xFFFFFFC0] =	vst v17;
	v17 =	vperm.xlane v9, v3  }
0x1cf: {  	v16 =	vunpack.i.l.bf16.f32 v20;
	v20 =	vld [tilespmem:s31+$0xFFFFFFB0];
	v49 =	vperm.xlane v10, v4;
	v26 =	vmul.f32 v11, v13  }
0x1d0: {  	v27 =	vld [tilespmem:s0+$0xFFFFFFB0];
	[tilespmem:s1+$0xFFFFFF70] =	vst v15;
	v14 =	vnsel vm0, $0x0, v14;
	v19 =	vmul.f32 v11, v19;
	v13 =	vperm.xlane v7, v3  }
0x1d1: {  	[tilespmem:s1+$0xFFFFFFB0] =	vst v21;
	v50 =	vperm.xlane v11, v4;
	v12 =	vpop (erf);
	v21 =	vunpack.i.u.bf16.f32 v23;
	v23 =	vunpack.i.l.bf16.f32 v23  }
0x1d2: {  	v28 =	vld [tilespmem:s31+$0xFFFFFFD0];
	v30 =	vunpack.i.u.bf16.f32 v25;
	v25 =	vunpack.i.l.bf16.f32 v25;
	v15 =	vmul.f32 v12, v16  }
0x1d3: {  	v29 =	vld [tilespmem:s0+$0xFFFFFFD0];
	v42 =	vnsel vm0, $0x0, v17;
	v24 =	vmul.f32 v12, v24;
	v16 =	vperm.xlane v8, v3  }
0x1d4: {  	[tilespmem:s1+$0x0] =	vst v22;
	v22 =	vmul.f32 v25, v23;
	v23 =	vunpack.i.u.bf16.f32 v20;
	v20 =	vunpack.i.l.bf16.f32 v20  }
0x1d5: {  	[tilespmem:s1+$0x10] =	vst v18;
	v18 =	vmul.f32 v30, v21;
	v21 =	vunpack.i.u.bf16.f32 v27;
	v27 =	vunpack.i.l.bf16.f32 v27  }
0x1d6: {  	v31 =	vld [tilespmem:s31+$0xFFFFFFF0];
	[tilespmem:s1+$0x60] =	vst v19;
	v19 =	vperm.xlane v5, v3;
	v62 =	vnsel vm0, $0x0, v13;
	v51 =	vperm.xlane v12, v4  }
0x1d7: {  	[tilespmem:s1+$0x50] =	vst v26;
	v42 =	vsel vm1, v42, v48;
	v26 =	vunpack.i.u.bf16.f32 v28;
	v28 =	vunpack.i.l.bf16.f32 v28  }
0x1d8: {  	v25 =	vld [tilespmem:s0+$0xFFFFFFF0];
	v53 =	vunpack.i.u.bf16.f32 v29;
	v29 =	vunpack.i.l.bf16.f32 v29;
	v20 =	vmul.f32 v27, v20  }
0x1d9: {  	v52 =	vld [tilespmem:s0+$0x10];
	v21 =	vmul.f32 v21, v23;
	[tilespmem:s1+$0xA0] =	vst v15;
	v15 =	vperm.xlane v5, v4;
	v19 =	vnsel vm0, $0x0, v19  }
0x1da: {  	v54 =	vld [tilespmem:s31+$0x30];
	v18 =	vadd.f32 v22, v18;
	v22 =	vmul.f32 v29, v28;
	v26 =	vmul.f32 v53, v26  }
0x1db: {  	v56 =	vld [tilespmem:s0+$0x30];
	v41 =	vnsel vm0, $0x0, v16;
	v16 =	vperm.xlane v10, v3;
	v55 =	vunpack.i.u.bf16.f32 v31  }
0x1dc: {  	v31 =	vunpack.i.l.bf16.f32 v31;
	v20 =	vadd.f32 v20, v21;
	v47 =	vsel vm1, v41, v47  }
0x1dd: {  	[tilespmem:s1+$0xB0] =	vst v24;
	v15 =	vsel vm1, v19, v15;
	v22 =	vadd.f32 v22, v26;
	v63 =	vnsel vm0, $0x0, v16  }
0x1de: {  	v57 =	vld [tilespmem:s31+$0x50];
	v16 =	vperm.xlane v12, v3;
	v58 =	vunpack.i.u.bf16.f32 v25;
	v25 =	vunpack.i.l.bf16.f32 v25  }
0x1df: {  	v59 =	vld [tilespmem:s0+$0x50];
	v32 =	vunpack.i.l.bf16.f32 v52;
	v28 =	vperm.xlane v20, v0;
	v63 =	vsel vm1, v63, v49  }
0x1e0: {  	v60 =	vunpack.i.u.bf16.f32 v54;
	v34 =	vunpack.i.l.bf16.f32 v54;
	v61 =	vunpack.i.u.bf16.f32 v56  }
0x1e1: {  	v30 =	vld [tilespmem:s31+$0x10];
	v5 =	vpop (erf);
	v36 =	vunpack.i.l.bf16.f32 v56;
	v21 =	vmul.f32 v25, v31;
	v25 =	vmul.f32 v58, v55  }
0x1e2: {  	v46 =	vnsel vm0, $0x0, v16;
	v24 =	vperm.xlane v5, v3;
	v19 =	vperm.xlane v5, v4  }
0x1e3: {  	v20 =	vadd.f32 v20, v28;
	v41 =	vsel vm1, v46, v51;
	v27 =	vunpack.i.u.bf16.f32 v57  }
0x1e4: {  	v8 =	vld [tilespmem:s6+$0x50];
	v37 =	vunpack.i.l.bf16.f32 v57;
	v23 =	vunpack.i.u.bf16.f32 v59;
	v21 =	vadd.f32 v21, v25  }
0x1e5: {  	v25 =	vmul.f32 v61, v60;
	v60 =	vperm.xlane v6, v4;
	v15 =	vsel vm2, v15, v24  }
0x1e6: {  	v24 =	vunpack.i.u.bf16.f32 v30;
	v30 =	vunpack.i.l.bf16.f32 v30;
	v23 =	vmul.f32 v23, v27  }
0x1e7: {  	v27 =	vperm.xlane v18, v0;
	v15 =	vsel vm3, v15, v19;
	v19 =	vunpack.i.u.bf16.f32 v52  }
0x1e8: {  	v39 =	vunpack.i.l.bf16.f32 v59;
	v26 =	vmul.f32 v32, v30;
	v19 =	vmul.f32 v19, v24  }
0x1e9: {  	v61 =	vperm.xlane v7, v4;
	v9 =	vunpack.i.l.bf16.f32 v8;
	v24 =	vmul.f32 v36, v34  }
0x1ea: {  	v18 =	vadd.f32 v18, v27;
	v19 =	vadd.f32 v26, v19;
	v26 =	vmul.f32 v39, v37  }
0x1eb: {  	v29 =	vperm.xlane v21, v0;
	v44 =	vsel vm1, v14, v60;
	v24 =	vadd.f32 v24, v25  }
0x1ec: {  	v25 =	vperm.xlane v22, v0;
	v28 =	vperm.xlane v18, v1;
	v23 =	vadd.f32 v26, v23  }
0x1ed: {  	v21 =	vadd.f32 v21, v29;
	v26 =	vperm.xlane v19, v0;
	v27 =	vperm.xlane v24, v0  }
0x1ee: {  	v22 =	vadd.f32 v22, v25;
	v18 =	vadd.f32 v18, v28;
	v25 =	vperm.xlane v23, v0  }
0x1ef: {  	v19 =	vadd.f32 v19, v26;
	v26 =	vperm.xlane v20, v1;
	v24 =	vadd.f32 v24, v27  }
0x1f0: {  	v27 =	vperm.xlane v21, v1;
	v23 =	vadd.f32 v23, v25;
	v25 =	vperm.xlane v22, v1  }
0x1f1: {  	v20 =	vadd.f32 v20, v26;
	v26 =	vperm.xlane v19, v1;
	v28 =	vperm.xlane v24, v1  }
0x1f2: {  	v21 =	vadd.f32 v21, v27;
	v27 =	vperm.xlane v18, v2;
	v22 =	vadd.f32 v22, v25  }
0x1f3: {  	v25 =	vperm.xlane v23, v1;
	v19 =	vadd.f32 v19, v26;
	v24 =	vadd.f32 v24, v28  }
0x1f4: {  	v26 =	vperm.xlane v20, v2;
	v18 =	vadd.f32 v18, v27;
	v28 =	vperm.xlane v22, v2  }
0x1f5: {  	v23 =	vadd.f32 v23, v25;
	v25 =	vperm.xlane v21, v2;
	v27 =	vperm.xlane v19, v2  }
0x1f6: {  	v20 =	vadd.f32 v20, v26;
	v26 =	vperm.xlane v24, v2;
	v18 =	vmul.f32 $2.500000000e-01, v18  }
0x1f7: {  	v29 =	vperm.xlane v23, v2;
	v22 =	vadd.f32 v22, v28;
	v21 =	vadd.f32 v21, v25  }
0x1f8: {  	v20 =	vmul.f32 $2.500000000e-01, v20;
	v19 =	vadd.f32 v19, v27;
	v18 =	vmax.f32 v18, $-5.000000000e+00  }
0x1f9: {  	v24 =	vadd.f32 v24, v26;
	v18 =	vmin.f32 v18, $5.000000000e+00;
	v22 =	vmul.f32 $2.500000000e-01, v22  }
0x1fa: {  	v21 =	vmul.f32 $2.500000000e-01, v21;
	v23 =	vadd.f32 v23, v29;
	v19 =	vmul.f32 $2.500000000e-01, v19  }
0x1fb: {  	v24 =	vmul.f32 $2.500000000e-01, v24;
	v20 =	vmax.f32 v20, $-5.000000000e+00;
	v18 =	vmul.f32 $1.442695020e+00, v18  }
0x1fc: {  	v20 =	vmin.f32 v20, $5.000000000e+00;
	v22 =	vmax.f32 v22, $-5.000000000e+00;
	v23 =	vmul.f32 $2.500000000e-01, v23  }
0x1fd: {  	v21 =	vmax.f32 v21, $-5.000000000e+00;
	v19 =	vmax.f32 v19, $-5.000000000e+00;
	v24 =	vmax.f32 v24, $-5.000000000e+00  }
0x1fe: {  	v17 =	vld [tilespmem:s6+$0xFFFFFFB0];
	v20 =	vmul.f32 $1.442695020e+00, v20;
	(erf) = vpow2.f32 v18;
	v22 =	vmin.f32 v22, $5.000000000e+00  }
0x1ff: {  	v52 =	vld [tilespmem:s6+$0x70];
	v21 =	vmin.f32 v21, $5.000000000e+00;
	v19 =	vmin.f32 v19, $5.000000000e+00;
	v22 =	vmul.f32 $1.442695020e+00, v22  }
0x200: {  	v6 =	vld [tilespmem:s6+$0x10];
	v24 =	vmin.f32 v24, $5.000000000e+00;
	v13 =	vmul.f32 $1.442695020e+00, v21;
	(erf) = vpow2.f32 v20  }
0x201: {  	v25 =	vld [tilespmem:s6+$0xFFFFFF90];
	v23 =	vmax.f32 v23, $-5.000000000e+00;
	v21 =	vmul.f32 $1.442695020e+00, v19;
	(erf) = vpow2.f32 v22  }
0x202: {  	v7 =	vld [tilespmem:s6+$0x30];
	v24 =	vmul.f32 $1.442695020e+00, v24;
	v23 =	vmin.f32 v23, $5.000000000e+00;
	(erf) = vpow2.f32 v13  }
0x203: {  	v62 =	vsel vm1, v62, v61;
	v20 =	vld [tilespmem:s6+$0xFFFFFFD0];
	v23 =	vmul.f32 $1.442695020e+00, v23;
	(erf) = vpow2.f32 v21  }
0x204: {  	v14 =	vunpack.i.l.bf16.f32 v52;
	v18 =	vperm.xlane v11, v3;
	v22 =	vld [tilespmem:s6+$0xFFFFFFF0];
	(erf) = vpow2.f32 v24  }
0x205: {  	v26 =	vunpack.i.u.bf16.f32 v17;
	v28 =	vunpack.i.l.bf16.f32 v17;
	(erf) = vpow2.f32 v23  }
0x206: {  	v16 =	vunpack.i.l.bf16.f32 v25;
	v19 =	vunpack.i.u.bf16.f32 v25;
	v18 =	vnsel vm0, $0x0, v18  }
0x207: {  	v25 =	vunpack.i.l.bf16.f32 v6;
	v40 =	vsel vm1, v18, v50;
	v21 =	vunpack.i.u.bf16.f32 v6  }
0x208: {  	v6 =	vunpack.i.u.bf16.f32 v7;
	v27 =	vunpack.i.u.bf16.f32 v20;
	v29 =	vunpack.i.l.bf16.f32 v20;
	v33 =	vpop (erf)  }
0x209: {  	v23 =	vunpack.i.u.bf16.f32 v22;
	v24 =	vunpack.i.l.bf16.f32 v22;
	v53 =	vperm.xlane v33, v3;
	v34 =	vpop (erf)  }
0x20a: {  	v22 =	vunpack.i.l.bf16.f32 v7;
	v35 =	vperm.xlane v33, v4;
	v54 =	vperm.xlane v34, v3;
	v32 =	vpop (erf)  }
0x20b: {  	v7 =	vunpack.i.u.bf16.f32 v8;
	v37 =	vperm.xlane v34, v4;
	v55 =	vperm.xlane v32, v3;
	v31 =	vpop (erf)  }
0x20c: {  	v8 =	vunpack.i.u.bf16.f32 v52;
	v38 =	vperm.xlane v32, v4;
	v56 =	vperm.xlane v31, v3;
	v30 =	vpop (erf)  }
0x20d: {  	v45 =	vsel vm2, v44, v53;
	v36 =	vperm.xlane v31, v4;
	v57 =	vperm.xlane v30, v3;
	v10 =	vpop (erf)  }
0x20e: {  	v44 =	vsel vm2, v62, v54;
	v17 =	vperm.xlane v30, v4;
	v20 =	vperm.xlane v10, v3;
	v11 =	vpop (erf)  }
0x20f: {  	v43 =	vsel vm2, v47, v55;
	v12 =	vperm.xlane v10, v4;
	v39 =	vperm.xlane v11, v3  }
0x210: {  	s7 =	simm.s32 $0x10140;
	s11 =	simm.s32 $0x0;
	s12 =	simm.s32 $0xB180;
	[tilespmem:s1+$0x130] =	vst v15;
	v42 =	vsel vm2, v42, v56;
	v13 =	vperm.xlane v11, v4;
	v18 =	vsel vm2, v63, v57  }
.LBB2_5:
0x211: {  	v46 =	vld [tilespmem:s12+$0x60];
	v47 =	vmul.f32 v33, v16;
	v16 =	vsel vm2, v40, v20;
	v15 =	vsel vm2, v41, v39;
	s0 =	sadd.s32 $0x100, s0  }
0x212: {  	v19 =	vmul.f32 v33, v19;
	v33 =	vsel vm3, v45, v35;
	v28 =	vmul.f32 v34, v28;
	v20 =	vld [tilespmem:s0+$0x60]  }
0x213: {  	v26 =	vmul.f32 v34, v26;
	v29 =	vmul.f32 v32, v29;
	v35 =	vld [tilespmem:s0+$0xFFFFFF80];
	[tilespmem:s1+$0xFFFFFF00] =	vst v33;
	v33 =	vsel vm3, v44, v37  }
0x214: {  	s11 =	sadd.s32 $0x8, s11;
	v27 =	vmul.f32 v32, v27;
	v32 =	vsel vm3, v43, v38;
	v24 =	vmul.f32 v31, v24;
	v34 =	vld [tilespmem:s12+$0xFFFFFFA0];
	[tilespmem:s1+$0xFFFFFF50] =	vst v33  }
0x215: {  	v23 =	vmul.f32 v31, v23;
	v31 =	vsel vm3, v42, v36;
	v25 =	vmul.f32 v30, v25;
	p0 =	slt.u32 s11, $0x78;
	v33 =	vld [tilespmem:s0+$0xFFFFFFA0];
	[tilespmem:s1+$0xFFFFFFA0] =	vst v32  }
0x216: {  	v21 =	vmul.f32 v30, v21;
	v22 =	vmul.f32 v10, v22;
	v32 =	vld [tilespmem:s12+$0xFFFFFFC0];
	v36 =	vunpack.i.u.bf16.f32 v46;
	[tilespmem:s1+$0xFFFFFFF0] =	vst v31  }
0x217: {  	v31 =	vunpack.i.l.bf16.f32 v46;
	v30 =	vld [tilespmem:s0+$0xFFFFFFC0];
	v37 =	vunpack.i.u.bf16.f32 v20;
	v20 =	vunpack.i.l.bf16.f32 v20;
	[tilespmem:s1+$0xFFFFFEE0] =	vst v47  }
0x218: {  	v38 =	vunpack.i.u.bf16.f32 v35;
	v39 =	vld [tilespmem:s12+$0xFFFFFFE0];
	v20 =	vmul.f32 v20, v31;
	v31 =	vmul.f32 v37, v36;
	[tilespmem:s1+$0xFFFFFEF0] =	vst v19  }
0x219: {  	v19 =	vunpack.i.l.bf16.f32 v35;
	v35 =	vunpack.i.u.bf16.f32 v34;
	v34 =	vunpack.i.l.bf16.f32 v34;
	v36 =	vld [tilespmem:s0+$0xFFFFFFE0];
	[tilespmem:s1+$0xFFFFFF30] =	vst v28  }
0x21a: {  	v28 =	vunpack.i.u.bf16.f32 v33;
	v33 =	vunpack.i.l.bf16.f32 v33;
	v37 =	vld [tilespmem:s12+$0x0];
	v20 =	vadd.f32 v20, v31;
	[tilespmem:s1+$0xFFFFFF40] =	vst v26  }
0x21b: {  	v26 =	vmul.f32 v33, v34;
	v31 =	vunpack.i.u.bf16.f32 v32;
	v32 =	vunpack.i.l.bf16.f32 v32;
	v33 =	vld [tilespmem:s0+$0x0];
	[tilespmem:s1+$0xFFFFFF80] =	vst v29  }
0x21c: {  	v29 =	vunpack.i.u.bf16.f32 v30;
	v30 =	vunpack.i.l.bf16.f32 v30;
	v34 =	vld [tilespmem:s12+$0x20];
	v40 =	vperm.xlane v20, v0;
	[tilespmem:s1+$0xFFFFFF90] =	vst v27  }
0x21d: {  	v27 =	vmul.f32 v28, v35;
	v28 =	vunpack.i.u.bf16.f32 v39;
	v35 =	vunpack.i.l.bf16.f32 v39;
	v39 =	vld [tilespmem:s0+$0x20];
	[tilespmem:s1+$0xFFFFFFD0] =	vst v24  }
0x21e: {  	v24 =	vunpack.i.u.bf16.f32 v36;
	v36 =	vunpack.i.l.bf16.f32 v36;
	v41 =	vld [tilespmem:s12+$0x40];
	v20 =	vadd.f32 v20, v40;
	[tilespmem:s1+$0xFFFFFFE0] =	vst v23  }
0x21f: {  	v23 =	vmul.f32 v30, v32;
	v30 =	vunpack.i.u.bf16.f32 v37;
	v32 =	vunpack.i.l.bf16.f32 v37;
	v37 =	vld [tilespmem:s0+$0x40];
	[tilespmem:s1+$0x20] =	vst v25  }
0x220: {  	v25 =	vld [tilespmem:s12+$0xFFFFFF80];
	v40 =	vunpack.i.u.bf16.f32 v33;
	v33 =	vunpack.i.l.bf16.f32 v33;
	v42 =	vperm.xlane v20, v1;
	[tilespmem:s1+$0x30] =	vst v21  }
0x221: {  	v21 =	vmul.f32 v29, v31;
	v29 =	vunpack.i.u.bf16.f32 v34;
	v31 =	vunpack.i.l.bf16.f32 v34;
	[tilespmem:s1+$0x70] =	vst v22  }
0x222: {  	v22 =	vunpack.i.u.bf16.f32 v39;
	v34 =	vunpack.i.l.bf16.f32 v39;
	v20 =	vadd.f32 v20, v42  }
0x223: {  	v35 =	vmul.f32 v36, v35;
	v36 =	vunpack.i.u.bf16.f32 v41;
	v39 =	vunpack.i.l.bf16.f32 v41  }
0x224: {  	v41 =	vunpack.i.u.bf16.f32 v37;
	v37 =	vunpack.i.l.bf16.f32 v37;
	v42 =	vperm.xlane v20, v2  }
0x225: {  	v24 =	vmul.f32 v24, v28;
	v43 =	vunpack.i.u.bf16.f32 v25;
	v25 =	vunpack.i.l.bf16.f32 v25  }
0x226: {  	v19 =	vmul.f32 v19, v25;
	v25 =	vmul.f32 v38, v43;
	v20 =	vadd.f32 v20, v42  }
0x227: {  	v26 =	vadd.f32 v26, v27;
	v27 =	vmul.f32 v33, v32;
	v28 =	vmul.f32 v40, v30  }
0x228: {  	v19 =	vadd.f32 v19, v25;
	v25 =	vmul.f32 v34, v31;
	v20 =	vmul.f32 $2.500000000e-01, v20  }
0x229: {  	v21 =	vadd.f32 v23, v21;
	v22 =	vmul.f32 v22, v29;
	v23 =	vmul.f32 v37, v39  }
0x22a: {  	v24 =	vadd.f32 v35, v24;
	v29 =	vmul.f32 v41, v36;
	v20 =	vmax.f32 v20, $-5.000000000e+00  }
0x22b: {  	v27 =	vadd.f32 v27, v28;
	v22 =	vadd.f32 v25, v22;
	v20 =	vmin.f32 v20, $5.000000000e+00  }
0x22c: {  	v23 =	vadd.f32 v23, v29;
	v25 =	vperm.xlane v19, v0;
	v20 =	vmul.f32 $1.442695020e+00, v20  }
0x22d: {  	v17 =	vsel vm3, v18, v17;
	v28 =	vperm.xlane v26, v0;
	v29 =	vperm.xlane v21, v0  }
0x22e: {  	v18 =	vadd.f32 v19, v25;
	v19 =	vperm.xlane v24, v0;
	(erf) = vpow2.f32 v20;
	[tilespmem:s1+$0x40] =	vst v17  }
0x22f: {  	v25 =	vperm.xlane v22, v0;
	v17 =	vadd.f32 v26, v28;
	v20 =	vperm.xlane v27, v0  }
0x230: {  	v21 =	vadd.f32 v21, v29;
	v19 =	vadd.f32 v24, v19;
	v24 =	vperm.xlane v23, v0  }
0x231: {  	s6 =	sadd.s32 $0x100, s6;
	v26 =	vperm.xlane v18, v1;
	v22 =	vadd.f32 v22, v25;
	v20 =	vadd.f32 v27, v20  }
0x232: {  	v25 =	vperm.xlane v17, v1;
	v27 =	vperm.xlane v21, v1;
	v23 =	vadd.f32 v23, v24;
	v24 =	vld [tilespmem:s6+$0x60]  }
0x233: {  	v18 =	vadd.f32 v18, v26;
	v28 =	vperm.xlane v19, v1;
	v29 =	vperm.xlane v20, v1;
	v26 =	vld [tilespmem:s6+$0xFFFFFF80]  }
0x234: {  	v35 =	vperm.xlane v22, v1;
	v25 =	vadd.f32 v17, v25;
	v31 =	vperm.xlane v23, v1;
	v30 =	vld [tilespmem:s6+$0xFFFFFFA0]  }
0x235: {  	v32 =	vperm.xlane v18, v2;
	v21 =	vadd.f32 v21, v27;
	v19 =	vadd.f32 v19, v28;
	v27 =	vld [tilespmem:s6+$0xFFFFFFC0]  }
0x236: {  	v22 =	vadd.f32 v22, v35;
	v28 =	vperm.xlane v25, v2;
	v20 =	vadd.f32 v20, v29;
	v33 =	vld [tilespmem:s6+$0xFFFFFFE0]  }
0x237: {  	v29 =	vperm.xlane v21, v2;
	v23 =	vadd.f32 v23, v31;
	v34 =	vld [tilespmem:s6+$0x0];
	v31 =	vunpack.i.l.bf16.f32 v24;
	v17 =	vpop (erf)  }
0x238: {  	v35 =	vperm.xlane v19, v2;
	v24 =	vunpack.i.u.bf16.f32 v24;
	v36 =	vld [tilespmem:s6+$0x20];
	v31 =	vmul.f32 v17, v31  }
0x239: {  	s1 =	sadd.s32 $0x280, s1;
	v18 =	vadd.f32 v18, v32;
	v32 =	vperm.xlane v20, v2;
	v24 =	vmul.f32 v17, v24;
	v37 =	vld [tilespmem:s6+$0x40]  }
0x23a: {  	v25 =	vadd.f32 v25, v28;
	v28 =	vperm.xlane v22, v2;
	v38 =	vperm.xlane v23, v2;
	[tilespmem:s1+$0xF0] =	vst v31  }
0x23b: {  	v18 =	vmul.f32 $2.500000000e-01, v18;
	v21 =	vadd.f32 v21, v29;
	v19 =	vadd.f32 v19, v35;
	[tilespmem:s1+$0x100] =	vst v24  }
0x23c: {  	v20 =	vadd.f32 v20, v32;
	v22 =	vadd.f32 v22, v28;
	v24 =	vmul.f32 $2.500000000e-01, v25;
	v25 =	vld [tilespmem:s12+$0x70]  }
0x23d: {  	v21 =	vmul.f32 $2.500000000e-01, v21;
	v19 =	vmul.f32 $2.500000000e-01, v19;
	v23 =	vadd.f32 v23, v38;
	v28 =	vld [tilespmem:s0+$0x70]  }
0x23e: {  	v18 =	vmax.f32 v18, $-5.000000000e+00;
	v20 =	vmul.f32 $2.500000000e-01, v20;
	v22 =	vmul.f32 $2.500000000e-01, v22  }
0x23f: {  	v21 =	vmax.f32 v21, $-5.000000000e+00;
	v23 =	vmul.f32 $2.500000000e-01, v23;
	v24 =	vmax.f32 v24, $-5.000000000e+00  }
0x240: {  	v19 =	vmax.f32 v19, $-5.000000000e+00;
	v20 =	vmax.f32 v20, $-5.000000000e+00;
	v22 =	vmax.f32 v22, $-5.000000000e+00  }
0x241: {  	v18 =	vmin.f32 v18, $5.000000000e+00;
	v23 =	vmax.f32 v23, $-5.000000000e+00;
	v29 =	vunpack.i.u.bf16.f32 v25  }
0x242: {  	v25 =	vunpack.i.l.bf16.f32 v25;
	v31 =	vunpack.i.u.bf16.f32 v28;
	v28 =	vunpack.i.l.bf16.f32 v28  }
0x243: {  	v24 =	vmin.f32 v24, $5.000000000e+00;
	v25 =	vmul.f32 v28, v25;
	v28 =	vmul.f32 v31, v29  }
0x244: {  	v21 =	vmin.f32 v21, $5.000000000e+00;
	v19 =	vmin.f32 v19, $5.000000000e+00;
	v20 =	vmin.f32 v20, $5.000000000e+00  }
0x245: {  	v22 =	vmin.f32 v22, $5.000000000e+00;
	v23 =	vmin.f32 v23, $5.000000000e+00;
	v25 =	vadd.f32 v25, v28  }
0x246: {  	v18 =	vmul.f32 $1.442695020e+00, v18;
	v24 =	vmul.f32 $1.442695020e+00, v24;
	v28 =	vunpack.i.u.bf16.f32 v26  }
0x247: {  	v21 =	vmul.f32 $1.442695020e+00, v21;
	v26 =	vunpack.i.l.bf16.f32 v26;
	v29 =	vperm.xlane v25, v0  }
0x248: {  	v19 =	vmul.f32 $1.442695020e+00, v19;
	v20 =	vmul.f32 $1.442695020e+00, v20;
	v31 =	vunpack.i.u.bf16.f32 v30  }
0x249: {  	v22 =	vmul.f32 $1.442695020e+00, v22;
	v23 =	vmul.f32 $1.442695020e+00, v23;
	v25 =	vadd.f32 v25, v29  }
0x24a: {  	v29 =	vunpack.i.l.bf16.f32 v30;
	v30 =	vunpack.i.u.bf16.f32 v27;
	(erf) = vpow2.f32 v18  }
0x24b: {  	v18 =	vunpack.i.l.bf16.f32 v27;
	v27 =	vperm.xlane v25, v1;
	(erf) = vpow2.f32 v24  }
0x24c: {  	v32 =	vunpack.i.l.bf16.f32 v33;
	v24 =	vunpack.i.u.bf16.f32 v33;
	(erf) = vpow2.f32 v21  }
0x24d: {  	v21 =	vunpack.i.u.bf16.f32 v34;
	v25 =	vadd.f32 v25, v27;
	(erf) = vpow2.f32 v19  }
0x24e: {  	v19 =	vunpack.i.l.bf16.f32 v34;
	v27 =	vunpack.i.u.bf16.f32 v36;
	(erf) = vpow2.f32 v20  }
0x24f: {  	v20 =	vunpack.i.l.bf16.f32 v36;
	v33 =	vperm.xlane v25, v2;
	(erf) = vpow2.f32 v22  }
0x250: {  	v34 =	vunpack.i.l.bf16.f32 v37;
	v22 =	vunpack.i.u.bf16.f32 v37;
	(erf) = vpow2.f32 v23  }
0x251: {  	v10 =	vmul.f32 v10, v6;
	v23 =	vadd.f32 v25, v33;
	v25 =	vmul.f32 v11, v9  }
0x252: {  	v14 =	vmul.f32 v5, v14;
	v9 =	vsel vm3, v16, v12;
	v33 =	vmul.f32 v11, v7  }
0x253: {  	v11 =	vmul.f32 $2.500000000e-01, v23;
	v6 =	vpop (erf);
	[tilespmem:s7+$0x90] =	vst v9;
	v9 =	vsel vm3, v15, v13;
	v23 =	vmul.f32 v5, v8  }
0x254: {  	v5 =	vmul.f32 v6, v26;
	v12 =	vmul.f32 v6, v28;
	v7 =	vpop (erf);
	[tilespmem:s7+$0xE0] =	vst v9  }
0x255: {  	v13 =	vmul.f32 v7, v29;
	v15 =	vmul.f32 v7, v31;
	v11 =	vmax.f32 v11, $-5.000000000e+00;
	v8 =	vpop (erf);
	[tilespmem:s7+$0x80] =	vst v10  }
0x256: {  	[tilespmem:s1+$0xFFFFFEC0] =	vst v5;
	v5 =	vmul.f32 v8, v18;
	v16 =	vmul.f32 v8, v30;
	v29 =	vmin.f32 v11, $5.000000000e+00;
	v9 =	vpop (erf)  }
0x257: {  	[tilespmem:s1+$0xFFFFFED0] =	vst v12;
	v18 =	vmul.f32 v9, v32;
	v26 =	vmul.f32 $1.442695020e+00, v29;
	v10 =	vpop (erf)  }
0x258: {  	v24 =	vmul.f32 v9, v24;
	v28 =	vld [tilespmem:s12+$0xFFFFFF90];
	[tilespmem:s1+$0xFFFFFF10] =	vst v13;
	v19 =	vmul.f32 v10, v19;
	v11 =	vpop (erf)  }
0x259: {  	v21 =	vmul.f32 v10, v21;
	v29 =	vld [tilespmem:s0+$0xFFFFFF90];
	[tilespmem:s1+$0xFFFFFF20] =	vst v15;
	v12 =	vpop (erf);
	(erf) = vpow2.f32 v26  }
0x25a: {  	v26 =	vld [tilespmem:s12+$0xFFFFFFB0];
	[tilespmem:s1+$0xFFFFFF60] =	vst v5;
	v5 =	vmul.f32 v11, v20;
	v20 =	vmul.f32 v11, v27  }
0x25b: {  	v30 =	vmul.f32 v12, v34;
	v22 =	vmul.f32 v12, v22;
	v27 =	vld [tilespmem:s0+$0xFFFFFFB0];
	[tilespmem:s1+$0xFFFFFF70] =	vst v16  }
0x25c: {  	v13 =	vperm.xlane v7, v3;
	v16 =	vperm.xlane v6, v3;
	v31 =	vld [tilespmem:s12+$0xFFFFFFD0];
	[tilespmem:s1+$0xFFFFFFB0] =	vst v18  }
0x25d: {  	v15 =	vperm.xlane v8, v3;
	v32 =	vunpack.i.u.bf16.f32 v28;
	v28 =	vunpack.i.l.bf16.f32 v28;
	v34 =	vld [tilespmem:s0+$0xFFFFFFD0];
	[tilespmem:s1+$0xFFFFFFC0] =	vst v24  }
0x25e: {  	v18 =	vperm.xlane v9, v3;
	v24 =	vunpack.i.u.bf16.f32 v29;
	v29 =	vunpack.i.l.bf16.f32 v29;
	v35 =	vld [tilespmem:s12+$0xFFFFFFF0];
	[tilespmem:s1+$0x0] =	vst v19  }
0x25f: {  	v19 =	vmul.f32 v29, v28;
	v28 =	vunpack.i.u.bf16.f32 v26;
	v26 =	vunpack.i.l.bf16.f32 v26;
	v29 =	vld [tilespmem:s0+$0xFFFFFFF0];
	[tilespmem:s1+$0x10] =	vst v21  }
0x260: {  	v32 =	vmul.f32 v24, v32;
	v24 =	vunpack.i.u.bf16.f32 v27;
	v27 =	vunpack.i.l.bf16.f32 v27;
	v21 =	vld [tilespmem:s12+$0x10];
	[tilespmem:s1+$0x50] =	vst v5  }
0x261: {  	v36 =	vunpack.i.u.bf16.f32 v31;
	v31 =	vunpack.i.l.bf16.f32 v31;
	v37 =	vld [tilespmem:s0+$0x10];
	[tilespmem:s1+$0x60] =	vst v20;
	v20 =	vperm.xlane v17, v3  }
0x262: {  	v17 =	vperm.xlane v17, v4;
	v38 =	vunpack.i.u.bf16.f32 v34;
	v34 =	vunpack.i.l.bf16.f32 v34;
	v39 =	vld [tilespmem:s12+$0x30];
	[tilespmem:s1+$0xA0] =	vst v30;
	v5 =	vpop (erf)  }
0x263: {  	v30 =	vunpack.i.u.bf16.f32 v35;
	v40 =	vld [tilespmem:s0+$0x30];
	[tilespmem:s1+$0xB0] =	vst v22;
	v20 =	vnsel vm0, $0x0, v20;
	v22 =	vperm.xlane v5, v3  }
0x264: {  	v35 =	vunpack.i.l.bf16.f32 v35;
	v41 =	vld [tilespmem:s12+$0x50];
	v17 =	vsel vm1, v20, v17;
	v20 =	vperm.xlane v5, v4;
	[tilespmem:s7+$0xC0] =	vst v25  }
0x265: {  	v42 =	vunpack.i.u.bf16.f32 v29;
	v29 =	vunpack.i.l.bf16.f32 v29;
	v25 =	vld [tilespmem:s0+$0x50];
	v22 =	vsel vm2, v17, v22;
	[tilespmem:s7+$0xD0] =	vst v33  }
0x266: {  	v33 =	vunpack.i.u.bf16.f32 v21;
	v43 =	vunpack.i.l.bf16.f32 v21;
	v17 =	vld [tilespmem:s6+$0xFFFFFF90];
	v20 =	vsel vm3, v22, v20;
	[tilespmem:s7+$0x110] =	vst v14  }
0x267: {  	v44 =	vunpack.i.u.bf16.f32 v37;
	v37 =	vunpack.i.l.bf16.f32 v37;
	v45 =	vunpack.i.u.bf16.f32 v39;
	v14 =	vld [tilespmem:s6+$0x70];
	[tilespmem:s1+$0x130] =	vst v20  }
0x268: {  	v39 =	vunpack.i.l.bf16.f32 v39;
	v21 =	vld [tilespmem:s6+$0xFFFFFFB0];
	v46 =	vunpack.i.u.bf16.f32 v40;
	v40 =	vunpack.i.l.bf16.f32 v40;
	[tilespmem:s7+$0x120] =	vst v23;
	s7 =	smov.u32 s1  }
0x269: {  	v20 =	vmul.f32 v27, v26;
	v23 =	vld [tilespmem:s6+$0xFFFFFFD0];
	v26 =	vunpack.i.u.bf16.f32 v41;
	v27 =	vunpack.i.l.bf16.f32 v41  }
0x26a: {  	v22 =	vmul.f32 v24, v28;
	v24 =	vld [tilespmem:s6+$0xFFFFFFF0];
	v28 =	vunpack.i.u.bf16.f32 v25;
	v41 =	vunpack.i.l.bf16.f32 v25  }
0x26b: {  	v19 =	vadd.f32 v19, v32;
	v31 =	vmul.f32 v34, v31;
	v32 =	vmul.f32 v38, v36;
	v25 =	vld [tilespmem:s6+$0x10]  }
0x26c: {  	v29 =	vmul.f32 v29, v35;
	v30 =	vmul.f32 v42, v30;
	v34 =	vadd.f32 v20, v22;
	v22 =	vld [tilespmem:s6+$0x30]  }
0x26d: {  	v31 =	vadd.f32 v31, v32;
	v32 =	vmul.f32 v37, v43;
	v33 =	vmul.f32 v44, v33;
	v20 =	vld [tilespmem:s6+$0x50]  }
0x26e: {  	v29 =	vadd.f32 v29, v30;
	v30 =	vmul.f32 v40, v39;
	v35 =	vmul.f32 v46, v45  }
0x26f: {  	v32 =	vadd.f32 v32, v33;
	v27 =	vmul.f32 v41, v27;
	v26 =	vmul.f32 v28, v26  }
0x270: {  	v28 =	vperm.xlane v19, v0;
	v33 =	vperm.xlane v34, v0;
	v30 =	vadd.f32 v30, v35  }
0x271: {  	v36 =	vperm.xlane v29, v0;
	v35 =	vperm.xlane v31, v0;
	v26 =	vadd.f32 v27, v26  }
0x272: {  	v19 =	vadd.f32 v19, v28;
	v27 =	vperm.xlane v32, v0;
	v28 =	vperm.xlane v30, v0  }
0x273: {  	v33 =	vadd.f32 v34, v33;
	v31 =	vadd.f32 v31, v35;
	v34 =	vperm.xlane v26, v0  }
0x274: {  	v29 =	vadd.f32 v29, v36;
	v35 =	vperm.xlane v19, v1;
	v27 =	vadd.f32 v32, v27  }
0x275: {  	v32 =	vperm.xlane v33, v1;
	v28 =	vadd.f32 v30, v28;
	v26 =	vadd.f32 v26, v34  }
0x276: {  	v30 =	vperm.xlane v31, v1;
	v19 =	vadd.f32 v19, v35;
	v34 =	vperm.xlane v29, v1  }
0x277: {  	v32 =	vadd.f32 v33, v32;
	v33 =	vperm.xlane v27, v1;
	v35 =	vperm.xlane v28, v1  }
0x278: {  	v30 =	vadd.f32 v31, v30;
	v29 =	vadd.f32 v29, v34;
	v31 =	vperm.xlane v26, v1  }
0x279: {  	v34 =	vperm.xlane v19, v2;
	v27 =	vadd.f32 v27, v33;
	v28 =	vadd.f32 v28, v35  }
0x27a: {  	v33 =	vperm.xlane v32, v2;
	v35 =	vperm.xlane v30, v2;
	v26 =	vadd.f32 v26, v31  }
0x27b: {  	v19 =	vadd.f32 v19, v34;
	v31 =	vperm.xlane v29, v2;
	v34 =	vperm.xlane v27, v2  }
0x27c: {  	v32 =	vadd.f32 v32, v33;
	v33 =	vperm.xlane v28, v2;
	v36 =	vperm.xlane v26, v2  }
0x27d: {  	v30 =	vadd.f32 v30, v35;
	v19 =	vmul.f32 $2.500000000e-01, v19;
	v29 =	vadd.f32 v29, v31  }
0x27e: {  	v31 =	vmul.f32 $2.500000000e-01, v32;
	v27 =	vadd.f32 v27, v34;
	v28 =	vadd.f32 v28, v33  }
0x27f: {  	v30 =	vmul.f32 $2.500000000e-01, v30;
	v29 =	vmul.f32 $2.500000000e-01, v29;
	v26 =	vadd.f32 v26, v36  }
0x280: {  	v19 =	vmax.f32 v19, $-5.000000000e+00;
	v27 =	vmul.f32 $2.500000000e-01, v27;
	v28 =	vmul.f32 $2.500000000e-01, v28  }
0x281: {  	v31 =	vmax.f32 v31, $-5.000000000e+00;
	v30 =	vmax.f32 v30, $-5.000000000e+00;
	v26 =	vmul.f32 $2.500000000e-01, v26  }
0x282: {  	v29 =	vmax.f32 v29, $-5.000000000e+00;
	v27 =	vmax.f32 v27, $-5.000000000e+00;
	v28 =	vmax.f32 v28, $-5.000000000e+00  }
0x283: {  	v19 =	vmin.f32 v19, $5.000000000e+00;
	v31 =	vmin.f32 v31, $5.000000000e+00;
	v26 =	vmax.f32 v26, $-5.000000000e+00  }
0x284: {  	v30 =	vmin.f32 v30, $5.000000000e+00;
	v29 =	vmin.f32 v29, $5.000000000e+00;
	v27 =	vmin.f32 v27, $5.000000000e+00  }
0x285: {  	v19 =	vmul.f32 $1.442695020e+00, v19;
	v28 =	vmin.f32 v28, $5.000000000e+00;
	v26 =	vmin.f32 v26, $5.000000000e+00  }
0x286: {  	v40 =	vnsel vm0, $0x0, v16;
	v16 =	vmul.f32 $1.442695020e+00, v31;
	v30 =	vmul.f32 $1.442695020e+00, v30  }
0x287: {  	v41 =	vnsel vm0, $0x0, v13;
	v13 =	vmul.f32 $1.442695020e+00, v29;
	v27 =	vmul.f32 $1.442695020e+00, v27  }
0x288: {  	v15 =	vnsel vm0, $0x0, v15;
	v28 =	vmul.f32 $1.442695020e+00, v28;
	v29 =	vmul.f32 $1.442695020e+00, v26  }
0x289: {  	v18 =	vnsel vm0, $0x0, v18;
	v26 =	vperm.xlane v10, v3;
	(erf) = vpow2.f32 v19  }
0x28a: {  	v31 =	vperm.xlane v11, v3;
	v19 =	vunpack.i.u.bf16.f32 v17;
	(erf) = vpow2.f32 v16  }
0x28b: {  	v42 =	vnsel vm0, $0x0, v26;
	v16 =	vperm.xlane v12, v3;
	(erf) = vpow2.f32 v30  }
0x28c: {  	v43 =	vperm.xlane v6, v4;
	v44 =	vnsel vm0, $0x0, v31;
	(erf) = vpow2.f32 v13  }
0x28d: {  	v45 =	vperm.xlane v7, v4;
	v46 =	vnsel vm0, $0x0, v16;
	(erf) = vpow2.f32 v27  }
0x28e: {  	v47 =	vperm.xlane v8, v4;
	v16 =	vunpack.i.l.bf16.f32 v17;
	(erf) = vpow2.f32 v28  }
0x28f: {  	v48 =	vperm.xlane v9, v4;
	v26 =	vunpack.i.u.bf16.f32 v21;
	(erf) = vpow2.f32 v29  }
0x290: {  	v49 =	vperm.xlane v10, v4;
	v50 =	vperm.xlane v11, v4;
	v28 =	vunpack.i.l.bf16.f32 v21  }
0x291: {  	v51 =	vperm.xlane v12, v4;
	v27 =	vunpack.i.u.bf16.f32 v23;
	v29 =	vunpack.i.l.bf16.f32 v23  }
0x292: {  	v21 =	vunpack.i.u.bf16.f32 v25;
	v23 =	vunpack.i.u.bf16.f32 v24;
	v24 =	vunpack.i.l.bf16.f32 v24;
	v33 =	vpop (erf)  }
0x293: {  	v25 =	vunpack.i.l.bf16.f32 v25;
	v52 =	vperm.xlane v33, v3;
	v35 =	vperm.xlane v33, v4;
	v34 =	vpop (erf)  }
0x294: {  	v6 =	vunpack.i.u.bf16.f32 v22;
	v53 =	vperm.xlane v34, v3;
	v37 =	vperm.xlane v34, v4;
	v32 =	vpop (erf)  }
0x295: {  	v22 =	vunpack.i.l.bf16.f32 v22;
	v54 =	vperm.xlane v32, v3;
	v38 =	vperm.xlane v32, v4;
	v31 =	vpop (erf)  }
0x296: {  	v7 =	vunpack.i.u.bf16.f32 v20;
	v55 =	vperm.xlane v31, v3;
	v36 =	vperm.xlane v31, v4;
	v30 =	vpop (erf)  }
0x297: {  	v9 =	vunpack.i.l.bf16.f32 v20;
	v56 =	vperm.xlane v30, v3;
	v17 =	vperm.xlane v30, v4;
	v10 =	vpop (erf)  }
0x298: {  	v8 =	vunpack.i.u.bf16.f32 v14;
	v20 =	vperm.xlane v10, v3;
	v12 =	vperm.xlane v10, v4;
	v11 =	vpop (erf)  }
.Ltmp1:
0x299: {  	v14 =	vunpack.i.l.bf16.f32 v14;
	v39 =	vperm.xlane v11, v3;
	v13 =	vperm.xlane v11, v4;
	(pc) =	sbr.rel @p0 .LBB2_5-.Ltmp1, $4  }
0x29a: {  	v15 =	vsel vm1, v15, v47;
	v43 =	vsel vm1, v40, v43;
	v41 =	vsel vm1, v41, v45  }
0x29b: {  	v18 =	vsel vm1, v18, v48;
	v40 =	vsel vm1, v44, v50;
	v47 =	vsel vm1, v42, v49  }
0x29c: {  	v45 =	vsel vm2, v43, v52;
	v44 =	vsel vm2, v41, v53;
	v41 =	vsel vm1, v46, v51  }
0x29d: {  	s12 =	sadd.s32 $0x100, s12;
	v43 =	vsel vm2, v15, v54;
	v42 =	vsel vm2, v18, v55;
	v18 =	vsel vm2, v47, v56  }
0x29e: {  	v15 =	vsel vm3, v45, v35  }
0x29f: {  	v48 =	vsel vm3, v44, v37;
	[tilespmem:s1+$0xFFFFFF00] =	vst v15  }
0x2a0: {  	v49 =	vsel vm3, v43, v38;
	[tilespmem:s1+$0xFFFFFF50] =	vst v48  }
0x2a1: {  	v50 =	vsel vm3, v42, v36;
	[tilespmem:s1+$0xFFFFFFA0] =	vst v49  }
0x2a2: {  	v16 =	vmul.f32 v33, v16;
	v61 =	vsel vm3, v18, v17;
	[tilespmem:s1+$0xFFFFFFF0] =	vst v50  }
0x2a3: {  	v19 =	vmul.f32 v33, v19;
	[tilespmem:s1+$0x40] =	vst v61  }
0x2a4: {  	v51 =	vmul.f32 v34, v28;
	[tilespmem:s1+$0xFFFFFEE0] =	vst v16  }
0x2a5: {  	v52 =	vmul.f32 v34, v26;
	[tilespmem:s1+$0xFFFFFEF0] =	vst v19  }
0x2a6: {  	v53 =	vmul.f32 v32, v29;
	[tilespmem:s1+$0xFFFFFF30] =	vst v51  }
0x2a7: {  	v54 =	vmul.f32 v32, v27;
	[tilespmem:s1+$0xFFFFFF40] =	vst v52  }
0x2a8: {  	v55 =	vmul.f32 v31, v24;
	[tilespmem:s1+$0xFFFFFF80] =	vst v53  }
0x2a9: {  	v56 =	vmul.f32 v31, v23;
	[tilespmem:s1+$0xFFFFFF90] =	vst v54  }
0x2aa: {  	v57 =	vmul.f32 v30, v25;
	[tilespmem:s1+$0xFFFFFFD0] =	vst v55  }
0x2ab: {  	v58 =	vmul.f32 v30, v21;
	[tilespmem:s1+$0xFFFFFFE0] =	vst v56  }
0x2ac: {  	v59 =	vmul.f32 v10, v22;
	[tilespmem:s1+$0x20] =	vst v57  }
0x2ad: {  	v62 =	vsel vm2, v41, v39;
	[tilespmem:s1+$0x30] =	vst v58  }
0x2ae: {  	v9 =	vmul.f32 v11, v9;
	v63 =	vsel vm3, v62, v13;
	[tilespmem:s1+$0x70] =	vst v59  }
0x2af: {  	v7 =	vmul.f32 v11, v7;
	[tilespmem:s7+$0xE0] =	vst v63  }
0x2b0: {  	v6 =	vmul.f32 v10, v6;
	s29 =	sadd.s32 $0x1, s29;
	[tilespmem:s7+$0xC0] =	vst v9  }
0x2b1: {  	v60 =	vsel vm2, v40, v20;
	p0 =	sne.s32 s29, $0x50;
	[tilespmem:s7+$0xD0] =	vst v7  }
.Ltmp2:
0x2b2: {  	v12 =	vsel vm3, v60, v12;
	[tilespmem:s7+$0x80] =	vst v6;
	v6 =	vmul.f32 v5, v14;
	(pc) =	sbr.rel @p0 .LBB2_2-.Ltmp2, $4  }
0x2b3: {  	[tilespmem:s7+$0x90] =	vst v12;
	v5 =	vmul.f32 v5, v8  }
0x2b4: {  	[tilespmem:s7+$0x110] =	vst v6  }
0x2b5: {  	[tilespmem:s7+$0x120] =	vst v5  }
0x2b6: {  	[spmem:s2] =	stream.indirect.scatter.add.f32 [tilespmem:s15], [sflag:$0x3], $0x50, s30, s17, $0xb8;
	[tilespmem:$0x1F000] =	vst v63  }
0x2b7: {  	_ =	swait.ge [sflag:s24], $0x2800  }
0x2b8: {  	[sflag:s24] =	ssyncset.done $0x0  }
0x2b9: {  	[sflag:s24] =	ssyncadd.s32 $0xFFFFD800  }
0x2ba: {  	_ =	swait.ge [sflag:s25], $0x1000  }
0x2bb: {  	[sflag:s25] =	ssyncset.done $0x0  }
0x2bc: {  	[sflag:s25] =	ssyncadd.s32 $0xFFFFF000  }
0x2bd: {  	_ =	swait.ge [sflag:s25], $0x1000  }
0x2be: {  	[sflag:s25] =	ssyncset.done $0x0  }
0x2bf: {  	[sflag:s25] =	ssyncadd.s32 $0xFFFFF000  }
0x2c0: {  	_ =	swait.ge [sflag:s25], $0x1000  }
0x2c1: {  	[sflag:s25] =	ssyncset.done $0x0  }
0x2c2: {  	[sflag:s25] =	ssyncadd.s32 $0xFFFFF000  }
0x2c3: {  	[bflag:$0x0] =	sbarrier.arrive $0xFFFF  }
0x2c4: {  	s0 =	rddreg [dreg:$0x6]  }
0x2c5: {  	[hbm:s0], [sflag:s5] =	dma.local [spmem:s13], $0x1900  }
0x2c6: {  	_ =	swait.ge [sflag:s14], $0x1900  }
0x2c7: {  	s28 =	sadd.s32 $0x1, s28;
	s31 =	rddreg [dreg:$0x7]  }
0x2c8: {  	p0 =	sne.s32 s28, s31  }
.Ltmp3:
0x2c9: {  	_ = 	snop;
	(pc) =	sbr.rel @p0 .LBB2_1-.Ltmp3, $3  }
0x2ca: {  	_ =	sdelay $0x1  }
0x2cb: {  	[sflag:s14] =	ssyncset.done $0x0  }
0x2cc: {  	[sflag:s14] =	ssyncadd.s32 $0xFFFFE700  }
0x2cd: {  	_ =	sfence.sel $0x180000  }
0x2ce: {  	[bflag:$0x0] =	sbarrier.arrive $0xFFFF  }
0x2cf: {  	_ =	strace $0x90000047  }
0x2d0: {  	s0 =	stileid.u32;
	[bflag:$0x2] =	sbarrier.arrive $0xFFFF  }
0x2d1: {  	p0 =	sne.s32 s0, $0x0;
	s0 =	rddreg [dreg:$0x3]  }
0x2d2: {  	s0 =	sadd.s32 @!p0 $0x100000, s0  }
0x2d3: {  	[sflag:s0] =	ssyncadd.tile.s32 @!p0 $0x1;
	_ =	shalt  }
.Lfunc_end2:
_tile_overlayer_lowered:
.L_overlay_start_2:
0x2d4: {  	(tag) =	ssettag $0x2  }
0x2d5: {  	s0 =	rddreg [dreg:$0x0];
	s2 =	stileid.u32  }
0x2d6: {  	s1 =	rddreg [dreg:$0x1];
	p0 =	sne.s32 s2, $0x0  }
0x2d7: {  	s3 =	rddreg [dreg:$0x2];
	[bflag:$0x3] =	sbarrier.arrive $0xFFFF;
	s2 =	simm.s32 @!p0 $0x1C04  }
0x2d8: {  	[timem:s3], [sflag:s2] =	dma.local @!p0 [hbm:s0], s1  }
0x2d9: {  	s0 =	simm.s32 @!p0 $0x4  }
0x2da: {  	_ =	swait.ge @!p0 [sflag:s0], s1  }
0x2db: {  	s1 =	ssub.s32 @!p0 $0x0, s1;
	[sflag:s0] =	ssyncset.done @!p0 $0x0  }
0x2dc: {  	[sflag:s0] =	ssyncadd.s32 @!p0 s1  }
0x2dd: {  	[bflag:$0x3] =	sbarrier.arrive $0xFFFF  }
0x2de: {  	_ =	shalt  }

</sc_bundles>
